<compile_context>
chip_gen: v7x
topology: tpu7x:2x2x1
jax: 0.10.2.dev20260603
libtpu: 0.0.44.dev20260713+nightly
codegen_flags: <defaults>
</compile_context>

<pallas_src>
import jax
import jax.numpy as jnp
from jax import lax
from jax.experimental import pallas as pl
from jax.experimental.pallas import tpu as pltpu
from jax.experimental.pallas import tpu_sc as plsc

_VOCAB1 = 1000001
_DIM = 64
_B = 16384
_L = 16
_Q = _DIM // _L
_CHUNK = 128


def _rsqrt2(x):
    i = plsc.bitcast(x, jnp.int32)
    i = jnp.int32(0x5F3759DF) - lax.shift_right_logical(i, 1)
    y = plsc.bitcast(i, jnp.float32)
    y = y * (1.5 - 0.5 * x * y * y)
    y = y * (1.5 - 0.5 * x * y * y)
    return y


def _scale(ss):
    return jnp.where(ss > 1.0, _rsqrt2(ss), jnp.float32(1.0))


def _make_body(nc, ns, bpw):
    nch = bpw // _CHUNK
    groups = bpw // _L

    def body(wt_hbm, wc_hbm, tidx_hbm, cidx_hbm, wv_hbm, bvec_hbm, out_hbm,
             tidx_v, cidx_v, rows_t, rows_c, wv_v, bvec_v, out_v, sem):
        wid = lax.axis_index("s") * nc + lax.axis_index("c")
        base = wid * bpw
        for k in range(nch):
            pltpu.sync_copy(tidx_hbm.at[pl.ds(base + k * _CHUNK, _CHUNK)],
                            tidx_v.at[k])
            pltpu.sync_copy(cidx_hbm.at[pl.ds(base + k * _CHUNK, _CHUNK)],
                            cidx_v.at[k])
        pltpu.sync_copy(wv_hbm, wv_v)
        pltpu.sync_copy(bvec_hbm, bvec_v)
        copies = []
        for k in range(nch):
            copies.append(pltpu.async_copy(
                wt_hbm.at[tidx_v.at[k]],
                rows_t.at[pl.ds(k * _CHUNK, _CHUNK)], sem))
            copies.append(pltpu.async_copy(
                wc_hbm.at[cidx_v.at[k]],
                rows_c.at[pl.ds(k * _CHUNK, _CHUNK)], sem))
        for cp in copies:
            cp.wait()

        w = [wv_v[pl.ds(q * _L, _L)] for q in range(_Q)]
        bvec = bvec_v[...]
        iota = lax.iota(jnp.int32, _L)

        def group(g, carry):
            base_i = g * _L
            sst_g = jnp.zeros((_L,), jnp.float32)
            ssc_g = jnp.zeros((_L,), jnp.float32)
            d_g = jnp.zeros((_L,), jnp.float32)
            for r in range(_L):
                i = base_i + r
                t = [rows_t[i, pl.ds(q * _L, _L)] for q in range(_Q)]
                c = [rows_c[i, pl.ds(q * _L, _L)] for q in range(_Q)]
                sst = t[0] * t[0]
                ssc = c[0] * c[0]
                d = t[0] * c[0] * w[0]
                for q in range(1, _Q):
                    sst = sst + t[q] * t[q]
                    ssc = ssc + c[q] * c[q]
                    d = d + t[q] * c[q] * w[q]
                lane = iota == r
                sst_g = jnp.where(lane, jnp.sum(sst), sst_g)
                ssc_g = jnp.where(lane, jnp.sum(ssc), ssc_g)
                d_g = jnp.where(lane, jnp.sum(d), d_g)
            arg = _scale(sst_g) * _scale(ssc_g) * d_g + bvec
            out_v[pl.ds(g * _L, _L)] = 1.0 / (1.0 + jnp.exp(-arg))
            return carry

        lax.fori_loop(0, groups, group, 0)
        pltpu.sync_copy(out_v, out_hbm.at[pl.ds(base, bpw)])

    return body


def kernel(W_target, W_context, lin_w, lin_b, target_tensor, context_tensor):
    info = plsc.get_sparse_core_info()
    nc, ns = info.num_cores, info.num_subcores
    nw = nc * ns
    bpw = _B // nw
    wv = lin_w.reshape(_DIM).astype(jnp.float32)
    bvec = jnp.broadcast_to(lin_b.reshape(1), (_L,)).astype(jnp.float32)
    mesh = plsc.VectorSubcoreMesh(core_axis_name="c", subcore_axis_name="s")
    nch = bpw // _CHUNK
    run = pl.kernel(
        _make_body(nc, ns, bpw),
        mesh=mesh,
        compiler_params=pltpu.CompilerParams(
            needs_layout_passes=False, use_tc_tiling_on_sc=False),
        out_type=jax.ShapeDtypeStruct((_B,), jnp.float32),
        scratch_types=[
            pltpu.VMEM((nch, _CHUNK), jnp.int32),
            pltpu.VMEM((nch, _CHUNK), jnp.int32),
            pltpu.VMEM((bpw, _DIM), jnp.float32),
            pltpu.VMEM((bpw, _DIM), jnp.float32),
            pltpu.VMEM((_DIM,), jnp.float32),
            pltpu.VMEM((_L,), jnp.float32),
            pltpu.VMEM((bpw,), jnp.float32),
            pltpu.SemaphoreType.DMA,
        ],
    )
    return run(W_target, W_context, target_tensor, context_tensor, wv, bvec)

# --- scband reference (transcript-rebuilt; emitter-appended) ---
"""Pipeline reference for scband-skipgram-19928648254055 (READ-ONLY COPY).

The authoritative reference and input builder live on the scoring server;
editing this copy changes nothing except your own understanding.
"""

import jax, jax.numpy as jnp
import numpy as np

VOCAB = 1000000
DIM = 64
B = 16384


def _renorm_rows(e, max_norm=1.0, eps=1e-7):
    # torch nn.Embedding(max_norm=1) renormalizes looked-up rows whose L2 norm exceeds max_norm
    n = jnp.linalg.norm(e, axis=-1, keepdims=True)
    scale = jnp.where(n > max_norm, max_norm / (n + eps), 1.0)
    return e * scale


def setup_inputs(seed: int = 0) -> dict:
    key = jax.random.key(seed)
    k1, k2, k3, k4, k5, k6 = jax.random.split(key, 6)
    W_target = jax.random.normal(k1, (VOCAB + 1, DIM), dtype=jnp.float32)
    W_context = jax.random.normal(k2, (VOCAB + 1, DIM), dtype=jnp.float32)
    bound = 1.0 / np.sqrt(DIM)
    lin_w = jax.random.uniform(k3, (1, DIM), minval=-bound, maxval=bound, dtype=jnp.float32)
    lin_b = jax.random.uniform(k4, (1,), minval=-bound, maxval=bound, dtype=jnp.float32)
    target_tensor = jax.random.randint(k5, (B,), 0, VOCAB, dtype=jnp.int32)
    context_tensor = jax.random.randint(k6, (B,), 0, VOCAB, dtype=jnp.int32)
    return {
        "W_target": W_target,
        "W_context": W_context,
        "lin_w": lin_w,
        "lin_b": lin_b,
        "target_tensor": target_tensor,
        "context_tensor": context_tensor,
    }


def reference(W_target, W_context, lin_w, lin_b, target_tensor, context_tensor):
    # embedding lookups (gather) followed by max_norm renormalization of gathered rows
    embedding_t = _renorm_rows(jnp.take(W_target, target_tensor, axis=0))
    embedding_c = _renorm_rows(jnp.take(W_context, context_tensor, axis=0))
    prod = embedding_t * embedding_c
    logits = prod @ lin_w[0] + lin_b[0]  # Linear(DIM -> 1), then squeeze(1)
    return jax.nn.sigmoid(logits)

if __name__ == "__main__":
    import jax
    _d = setup_inputs()
    print(jax.jit(kernel)(*tuple(_d.values())))

</pallas_src>

<mosaic_0001>
#map = affine_map<(d0, d1) -> (0, 0)>
#map1 = affine_map<(d0, d1) -> (0)>
module attributes {stable_mosaic.version = 14 : i64} {
  func.func @body(%arg0: i32, %arg1: i32, %arg2: memref<1000001x64xf32, #tpu.memory_space<hbm>>, %arg3: memref<1000001x64xf32, #tpu.memory_space<hbm>>, %arg4: memref<16384xi32, #tpu.memory_space<hbm>>, %arg5: memref<16384xi32, #tpu.memory_space<hbm>>, %arg6: memref<64xf32, #tpu.memory_space<hbm>>, %arg7: memref<16xf32, #tpu.memory_space<hbm>>, %arg8: memref<16384xf32, #tpu.memory_space<hbm>>, %arg9: memref<4x128xi32, #tpu.memory_space<vmem>>, %arg10: memref<4x128xi32, #tpu.memory_space<vmem>>, %arg11: memref<512x64xf32, #tpu.memory_space<vmem>>, %arg12: memref<512x64xf32, #tpu.memory_space<vmem>>, %arg13: memref<64xf32, #tpu.memory_space<vmem>>, %arg14: memref<16xf32, #tpu.memory_space<vmem>>, %arg15: memref<512xf32, #tpu.memory_space<vmem>>, %arg16: memref<!tpu.dma_semaphore, #tpu.memory_space<semaphore_mem>>) attributes {dimension_semantics = [#tpu.dimension_semantics<core_parallel>, #tpu.dimension_semantics<subcore_parallel>], iteration_bounds = array<i64: 2, 16>, scalar_prefetch = 0 : i64, scratch_operands = 8 : i64, tpu.core_type = #tpu.core_type<sc_vector_subcore>, window_params = [{transform_indices = #map}, {transform_indices = #map}, {transform_indices = #map1}, {transform_indices = #map1}, {transform_indices = #map1}, {transform_indices = #map1}, {transform_indices = #map1}]} {
    %mul3A = arith.constant 2 : i32
    %mul3A_0 = arith.muli %arg1, %mul3A : i32
    %add3A = arith.addi %mul3A_0, %arg0 : i32
    %mul3A_1 = arith.constant 512 : i32
    %mul3A_2 = arith.muli %add3A, %mul3A_1 : i32
    %add3A_3 = arith.constant 0 : i32
    %add3A_4 = arith.addi %mul3A_2, %add3A_3 : i32
    %run_scoped3A = arith.constant 0 : i32
    "tpu.region"() ({
      %run_scoped3A_198 = tpu.sem_alloc : memref<!tpu.dma_semaphore, #tpu.memory_space<semaphore_mem>>
      %dma_start3A_199 = arith.constant 0 : i32
      %dma_start3A_200 = tpu.memref_slice %arg9[%run_scoped3A, %dma_start3A_199] : memref<4x128xi32, #tpu.memory_space<vmem>> -> memref<1x128xi32, #tpu.memory_space<vmem>>
      %dma_start3A_201 = tpu.memref_squeeze %dma_start3A_200 : memref<1x128xi32, #tpu.memory_space<vmem>> -> memref<128xi32, #tpu.memory_space<vmem>>
      %dma_start3A_202 = tpu.memref_slice %arg4[%add3A_4] : memref<16384xi32, #tpu.memory_space<hbm>> -> memref<128xi32, #tpu.memory_space<hbm>>
      %dma_start3A_203 = arith.constant 0 : i32
      %dma_start3A_204 = tpu.memref_slice %arg9[%run_scoped3A, %dma_start3A_203] : memref<4x128xi32, #tpu.memory_space<vmem>> -> memref<1x128xi32, #tpu.memory_space<vmem>>
      %dma_start3A_205 = tpu.memref_squeeze %dma_start3A_204 : memref<1x128xi32, #tpu.memory_space<vmem>> -> memref<128xi32, #tpu.memory_space<vmem>>
      %dma_start3A_206 = tpu.memref_slice %arg4[%add3A_4] : memref<16384xi32, #tpu.memory_space<hbm>> -> memref<128xi32, #tpu.memory_space<hbm>>
      tpu.enqueue_dma source(%dma_start3A_206 : memref<128xi32, #tpu.memory_space<hbm>>) target(%dma_start3A_205 : memref<128xi32, #tpu.memory_space<vmem>>) target_semaphore(%run_scoped3A_198 : memref<!tpu.dma_semaphore, #tpu.memory_space<semaphore_mem>>)
      %dma_wait3A_207 = arith.constant 0 : i32
      %dma_wait3A_208 = tpu.memref_slice %arg9[%run_scoped3A, %dma_wait3A_207] : memref<4x128xi32, #tpu.memory_space<vmem>> -> memref<1x128xi32, #tpu.memory_space<vmem>>
      %dma_wait3A_209 = tpu.memref_squeeze %dma_wait3A_208 : memref<1x128xi32, #tpu.memory_space<vmem>> -> memref<128xi32, #tpu.memory_space<vmem>>
      %dma_wait3A_210 = tpu.memref_slice %arg4[%add3A_4] : memref<16384xi32, #tpu.memory_space<hbm>> -> memref<128xi32, #tpu.memory_space<hbm>>
      %dma_wait3A_211 = arith.constant 0 : i32
      %dma_wait3A_212 = tpu.memref_slice %arg9[%run_scoped3A, %dma_wait3A_211] : memref<4x128xi32, #tpu.memory_space<vmem>> -> memref<1x128xi32, #tpu.memory_space<vmem>>
      %dma_wait3A_213 = tpu.memref_squeeze %dma_wait3A_212 : memref<1x128xi32, #tpu.memory_space<vmem>> -> memref<128xi32, #tpu.memory_space<vmem>>
      %dma_wait3A_214 = tpu.memref_slice %arg4[%add3A_4] : memref<16384xi32, #tpu.memory_space<hbm>> -> memref<128xi32, #tpu.memory_space<hbm>>
      tpu.wait_dma2 semaphore(%run_scoped3A_198 : memref<!tpu.dma_semaphore, #tpu.memory_space<semaphore_mem>>) src(%dma_wait3A_214 : memref<128xi32, #tpu.memory_space<hbm>>) dst(%dma_wait3A_213 : memref<128xi32, #tpu.memory_space<vmem>>)
      tpu.yield
    }) : () -> ()
    %add3A_5 = arith.constant 0 : i32
    %add3A_6 = arith.addi %mul3A_2, %add3A_5 : i32
    %run_scoped3A_7 = arith.constant 0 : i32
    "tpu.region"() ({
      %run_scoped3A_198 = tpu.sem_alloc : memref<!tpu.dma_semaphore, #tpu.memory_space<semaphore_mem>>
      %dma_start3A_199 = arith.constant 0 : i32
      %dma_start3A_200 = tpu.memref_slice %arg10[%run_scoped3A_7, %dma_start3A_199] : memref<4x128xi32, #tpu.memory_space<vmem>> -> memref<1x128xi32, #tpu.memory_space<vmem>>
      %dma_start3A_201 = tpu.memref_squeeze %dma_start3A_200 : memref<1x128xi32, #tpu.memory_space<vmem>> -> memref<128xi32, #tpu.memory_space<vmem>>
      %dma_start3A_202 = tpu.memref_slice %arg5[%add3A_6] : memref<16384xi32, #tpu.memory_space<hbm>> -> memref<128xi32, #tpu.memory_space<hbm>>
      %dma_start3A_203 = arith.constant 0 : i32
      %dma_start3A_204 = tpu.memref_slice %arg10[%run_scoped3A_7, %dma_start3A_203] : memref<4x128xi32, #tpu.memory_space<vmem>> -> memref<1x128xi32, #tpu.memory_space<vmem>>
      %dma_start3A_205 = tpu.memref_squeeze %dma_start3A_204 : memref<1x128xi32, #tpu.memory_space<vmem>> -> memref<128xi32, #tpu.memory_space<vmem>>
      %dma_start3A_206 = tpu.memref_slice %arg5[%add3A_6] : memref<16384xi32, #tpu.memory_space<hbm>> -> memref<128xi32, #tpu.memory_space<hbm>>
      tpu.enqueue_dma source(%dma_start3A_206 : memref<128xi32, #tpu.memory_space<hbm>>) target(%dma_start3A_205 : memref<128xi32, #tpu.memory_space<vmem>>) target_semaphore(%run_scoped3A_198 : memref<!tpu.dma_semaphore, #tpu.memory_space<semaphore_mem>>)
      %dma_wait3A_207 = arith.constant 0 : i32
      %dma_wait3A_208 = tpu.memref_slice %arg10[%run_scoped3A_7, %dma_wait3A_207] : memref<4x128xi32, #tpu.memory_space<vmem>> -> memref<1x128xi32, #tpu.memory_space<vmem>>
      %dma_wait3A_209 = tpu.memref_squeeze %dma_wait3A_208 : memref<1x128xi32, #tpu.memory_space<vmem>> -> memref<128xi32, #tpu.memory_space<vmem>>
      %dma_wait3A_210 = tpu.memref_slice %arg5[%add3A_6] : memref<16384xi32, #tpu.memory_space<hbm>> -> memref<128xi32, #tpu.memory_space<hbm>>
      %dma_wait3A_211 = arith.constant 0 : i32
      %dma_wait3A_212 = tpu.memref_slice %arg10[%run_scoped3A_7, %dma_wait3A_211] : memref<4x128xi32, #tpu.memory_space<vmem>> -> memref<1x128xi32, #tpu.memory_space<vmem>>
      %dma_wait3A_213 = tpu.memref_squeeze %dma_wait3A_212 : memref<1x128xi32, #tpu.memory_space<vmem>> -> memref<128xi32, #tpu.memory_space<vmem>>
      %dma_wait3A_214 = tpu.memref_slice %arg5[%add3A_6] : memref<16384xi32, #tpu.memory_space<hbm>> -> memref<128xi32, #tpu.memory_space<hbm>>
      tpu.wait_dma2 semaphore(%run_scoped3A_198 : memref<!tpu.dma_semaphore, #tpu.memory_space<semaphore_mem>>) src(%dma_wait3A_214 : memref<128xi32, #tpu.memory_space<hbm>>) dst(%dma_wait3A_213 : memref<128xi32, #tpu.memory_space<vmem>>)
      tpu.yield
    }) : () -> ()
    %add3A_8 = arith.constant 128 : i32
    %add3A_9 = arith.addi %mul3A_2, %add3A_8 : i32
    %run_scoped3A_10 = arith.constant 1 : i32
    "tpu.region"() ({
      %run_scoped3A_198 = tpu.sem_alloc : memref<!tpu.dma_semaphore, #tpu.memory_space<semaphore_mem>>
      %dma_start3A_199 = arith.constant 0 : i32
      %dma_start3A_200 = tpu.memref_slice %arg9[%run_scoped3A_10, %dma_start3A_199] : memref<4x128xi32, #tpu.memory_space<vmem>> -> memref<1x128xi32, #tpu.memory_space<vmem>>
      %dma_start3A_201 = tpu.memref_squeeze %dma_start3A_200 : memref<1x128xi32, #tpu.memory_space<vmem>> -> memref<128xi32, #tpu.memory_space<vmem>>
      %dma_start3A_202 = tpu.memref_slice %arg4[%add3A_9] : memref<16384xi32, #tpu.memory_space<hbm>> -> memref<128xi32, #tpu.memory_space<hbm>>
      %dma_start3A_203 = arith.constant 0 : i32
      %dma_start3A_204 = tpu.memref_slice %arg9[%run_scoped3A_10, %dma_start3A_203] : memref<4x128xi32, #tpu.memory_space<vmem>> -> memref<1x128xi32, #tpu.memory_space<vmem>>
      %dma_start3A_205 = tpu.memref_squeeze %dma_start3A_204 : memref<1x128xi32, #tpu.memory_space<vmem>> -> memref<128xi32, #tpu.memory_space<vmem>>
      %dma_start3A_206 = tpu.memref_slice %arg4[%add3A_9] : memref<16384xi32, #tpu.memory_space<hbm>> -> memref<128xi32, #tpu.memory_space<hbm>>
      tpu.enqueue_dma source(%dma_start3A_206 : memref<128xi32, #tpu.memory_space<hbm>>) target(%dma_start3A_205 : memref<128xi32, #tpu.memory_space<vmem>>) target_semaphore(%run_scoped3A_198 : memref<!tpu.dma_semaphore, #tpu.memory_space<semaphore_mem>>)
      %dma_wait3A_207 = arith.constant 0 : i32
      %dma_wait3A_208 = tpu.memref_slice %arg9[%run_scoped3A_10, %dma_wait3A_207] : memref<4x128xi32, #tpu.memory_space<vmem>> -> memref<1x128xi32, #tpu.memory_space<vmem>>
      %dma_wait3A_209 = tpu.memref_squeeze %dma_wait3A_208 : memref<1x128xi32, #tpu.memory_space<vmem>> -> memref<128xi32, #tpu.memory_space<vmem>>
      %dma_wait3A_210 = tpu.memref_slice %arg4[%add3A_9] : memref<16384xi32, #tpu.memory_space<hbm>> -> memref<128xi32, #tpu.memory_space<hbm>>
      %dma_wait3A_211 = arith.constant 0 : i32
      %dma_wait3A_212 = tpu.memref_slice %arg9[%run_scoped3A_10, %dma_wait3A_211] : memref<4x128xi32, #tpu.memory_space<vmem>> -> memref<1x128xi32, #tpu.memory_space<vmem>>
      %dma_wait3A_213 = tpu.memref_squeeze %dma_wait3A_212 : memref<1x128xi32, #tpu.memory_space<vmem>> -> memref<128xi32, #tpu.memory_space<vmem>>
      %dma_wait3A_214 = tpu.memref_slice %arg4[%add3A_9] : memref<16384xi32, #tpu.memory_space<hbm>> -> memref<128xi32, #tpu.memory_space<hbm>>
      tpu.wait_dma2 semaphore(%run_scoped3A_198 : memref<!tpu.dma_semaphore, #tpu.memory_space<semaphore_mem>>) src(%dma_wait3A_214 : memref<128xi32, #tpu.memory_space<hbm>>) dst(%dma_wait3A_213 : memref<128xi32, #tpu.memory_space<vmem>>)
      tpu.yield
    }) : () -> ()
    %add3A_11 = arith.constant 128 : i32
    %add3A_12 = arith.addi %mul3A_2, %add3A_11 : i32
    %run_scoped3A_13 = arith.constant 1 : i32
    "tpu.region"() ({
      %run_scoped3A_198 = tpu.sem_alloc : memref<!tpu.dma_semaphore, #tpu.memory_space<semaphore_mem>>
      %dma_start3A_199 = arith.constant 0 : i32
      %dma_start3A_200 = tpu.memref_slice %arg10[%run_scoped3A_13, %dma_start3A_199] : memref<4x128xi32, #tpu.memory_space<vmem>> -> memref<1x128xi32, #tpu.memory_space<vmem>>
      %dma_start3A_201 = tpu.memref_squeeze %dma_start3A_200 : memref<1x128xi32, #tpu.memory_space<vmem>> -> memref<128xi32, #tpu.memory_space<vmem>>
      %dma_start3A_202 = tpu.memref_slice %arg5[%add3A_12] : memref<16384xi32, #tpu.memory_space<hbm>> -> memref<128xi32, #tpu.memory_space<hbm>>
      %dma_start3A_203 = arith.constant 0 : i32
      %dma_start3A_204 = tpu.memref_slice %arg10[%run_scoped3A_13, %dma_start3A_203] : memref<4x128xi32, #tpu.memory_space<vmem>> -> memref<1x128xi32, #tpu.memory_space<vmem>>
      %dma_start3A_205 = tpu.memref_squeeze %dma_start3A_204 : memref<1x128xi32, #tpu.memory_space<vmem>> -> memref<128xi32, #tpu.memory_space<vmem>>
      %dma_start3A_206 = tpu.memref_slice %arg5[%add3A_12] : memref<16384xi32, #tpu.memory_space<hbm>> -> memref<128xi32, #tpu.memory_space<hbm>>
      tpu.enqueue_dma source(%dma_start3A_206 : memref<128xi32, #tpu.memory_space<hbm>>) target(%dma_start3A_205 : memref<128xi32, #tpu.memory_space<vmem>>) target_semaphore(%run_scoped3A_198 : memref<!tpu.dma_semaphore, #tpu.memory_space<semaphore_mem>>)
      %dma_wait3A_207 = arith.constant 0 : i32
      %dma_wait3A_208 = tpu.memref_slice %arg10[%run_scoped3A_13, %dma_wait3A_207] : memref<4x128xi32, #tpu.memory_space<vmem>> -> memref<1x128xi32, #tpu.memory_space<vmem>>
      %dma_wait3A_209 = tpu.memref_squeeze %dma_wait3A_208 : memref<1x128xi32, #tpu.memory_space<vmem>> -> memref<128xi32, #tpu.memory_space<vmem>>
      %dma_wait3A_210 = tpu.memref_slice %arg5[%add3A_12] : memref<16384xi32, #tpu.memory_space<hbm>> -> memref<128xi32, #tpu.memory_space<hbm>>
      %dma_wait3A_211 = arith.constant 0 : i32
      %dma_wait3A_212 = tpu.memref_slice %arg10[%run_scoped3A_13, %dma_wait3A_211] : memref<4x128xi32, #tpu.memory_space<vmem>> -> memref<1x128xi32, #tpu.memory_space<vmem>>
      %dma_wait3A_213 = tpu.memref_squeeze %dma_wait3A_212 : memref<1x128xi32, #tpu.memory_space<vmem>> -> memref<128xi32, #tpu.memory_space<vmem>>
      %dma_wait3A_214 = tpu.memref_slice %arg5[%add3A_12] : memref<16384xi32, #tpu.memory_space<hbm>> -> memref<128xi32, #tpu.memory_space<hbm>>
      tpu.wait_dma2 semaphore(%run_scoped3A_198 : memref<!tpu.dma_semaphore, #tpu.memory_space<semaphore_mem>>) src(%dma_wait3A_214 : memref<128xi32, #tpu.memory_space<hbm>>) dst(%dma_wait3A_213 : memref<128xi32, #tpu.memory_space<vmem>>)
      tpu.yield
    }) : () -> ()
    %add3A_14 = arith.constant 256 : i32
    %add3A_15 = arith.addi %mul3A_2, %add3A_14 : i32
    %run_scoped3A_16 = arith.constant 2 : i32
    "tpu.region"() ({
      %run_scoped3A_198 = tpu.sem_alloc : memref<!tpu.dma_semaphore, #tpu.memory_space<semaphore_mem>>
      %dma_start3A_199 = arith.constant 0 : i32
      %dma_start3A_200 = tpu.memref_slice %arg9[%run_scoped3A_16, %dma_start3A_199] : memref<4x128xi32, #tpu.memory_space<vmem>> -> memref<1x128xi32, #tpu.memory_space<vmem>>
      %dma_start3A_201 = tpu.memref_squeeze %dma_start3A_200 : memref<1x128xi32, #tpu.memory_space<vmem>> -> memref<128xi32, #tpu.memory_space<vmem>>
      %dma_start3A_202 = tpu.memref_slice %arg4[%add3A_15] : memref<16384xi32, #tpu.memory_space<hbm>> -> memref<128xi32, #tpu.memory_space<hbm>>
      %dma_start3A_203 = arith.constant 0 : i32
      %dma_start3A_204 = tpu.memref_slice %arg9[%run_scoped3A_16, %dma_start3A_203] : memref<4x128xi32, #tpu.memory_space<vmem>> -> memref<1x128xi32, #tpu.memory_space<vmem>>
      %dma_start3A_205 = tpu.memref_squeeze %dma_start3A_204 : memref<1x128xi32, #tpu.memory_space<vmem>> -> memref<128xi32, #tpu.memory_space<vmem>>
      %dma_start3A_206 = tpu.memref_slice %arg4[%add3A_15] : memref<16384xi32, #tpu.memory_space<hbm>> -> memref<128xi32, #tpu.memory_space<hbm>>
      tpu.enqueue_dma source(%dma_start3A_206 : memref<128xi32, #tpu.memory_space<hbm>>) target(%dma_start3A_205 : memref<128xi32, #tpu.memory_space<vmem>>) target_semaphore(%run_scoped3A_198 : memref<!tpu.dma_semaphore, #tpu.memory_space<semaphore_mem>>)
      %dma_wait3A_207 = arith.constant 0 : i32
      %dma_wait3A_208 = tpu.memref_slice %arg9[%run_scoped3A_16, %dma_wait3A_207] : memref<4x128xi32, #tpu.memory_space<vmem>> -> memref<1x128xi32, #tpu.memory_space<vmem>>
      %dma_wait3A_209 = tpu.memref_squeeze %dma_wait3A_208 : memref<1x128xi32, #tpu.memory_space<vmem>> -> memref<128xi32, #tpu.memory_space<vmem>>
      %dma_wait3A_210 = tpu.memref_slice %arg4[%add3A_15] : memref<16384xi32, #tpu.memory_space<hbm>> -> memref<128xi32, #tpu.memory_space<hbm>>
      %dma_wait3A_211 = arith.constant 0 : i32
      %dma_wait3A_212 = tpu.memref_slice %arg9[%run_scoped3A_16, %dma_wait3A_211] : memref<4x128xi32, #tpu.memory_space<vmem>> -> memref<1x128xi32, #tpu.memory_space<vmem>>
      %dma_wait3A_213 = tpu.memref_squeeze %dma_wait3A_212 : memref<1x128xi32, #tpu.memory_space<vmem>> -> memref<128xi32, #tpu.memory_space<vmem>>
      %dma_wait3A_214 = tpu.memref_slice %arg4[%add3A_15] : memref<16384xi32, #tpu.memory_space<hbm>> -> memref<128xi32, #tpu.memory_space<hbm>>
      tpu.wait_dma2 semaphore(%run_scoped3A_198 : memref<!tpu.dma_semaphore, #tpu.memory_space<semaphore_mem>>) src(%dma_wait3A_214 : memref<128xi32, #tpu.memory_space<hbm>>) dst(%dma_wait3A_213 : memref<128xi32, #tpu.memory_space<vmem>>)
      tpu.yield
    }) : () -> ()
    %add3A_17 = arith.constant 256 : i32
    %add3A_18 = arith.addi %mul3A_2, %add3A_17 : i32
    %run_scoped3A_19 = arith.constant 2 : i32
    "tpu.region"() ({
      %run_scoped3A_198 = tpu.sem_alloc : memref<!tpu.dma_semaphore, #tpu.memory_space<semaphore_mem>>
      %dma_start3A_199 = arith.constant 0 : i32
      %dma_start3A_200 = tpu.memref_slice %arg10[%run_scoped3A_19, %dma_start3A_199] : memref<4x128xi32, #tpu.memory_space<vmem>> -> memref<1x128xi32, #tpu.memory_space<vmem>>
      %dma_start3A_201 = tpu.memref_squeeze %dma_start3A_200 : memref<1x128xi32, #tpu.memory_space<vmem>> -> memref<128xi32, #tpu.memory_space<vmem>>
      %dma_start3A_202 = tpu.memref_slice %arg5[%add3A_18] : memref<16384xi32, #tpu.memory_space<hbm>> -> memref<128xi32, #tpu.memory_space<hbm>>
      %dma_start3A_203 = arith.constant 0 : i32
      %dma_start3A_204 = tpu.memref_slice %arg10[%run_scoped3A_19, %dma_start3A_203] : memref<4x128xi32, #tpu.memory_space<vmem>> -> memref<1x128xi32, #tpu.memory_space<vmem>>
      %dma_start3A_205 = tpu.memref_squeeze %dma_start3A_204 : memref<1x128xi32, #tpu.memory_space<vmem>> -> memref<128xi32, #tpu.memory_space<vmem>>
      %dma_start3A_206 = tpu.memref_slice %arg5[%add3A_18] : memref<16384xi32, #tpu.memory_space<hbm>> -> memref<128xi32, #tpu.memory_space<hbm>>
      tpu.enqueue_dma source(%dma_start3A_206 : memref<128xi32, #tpu.memory_space<hbm>>) target(%dma_start3A_205 : memref<128xi32, #tpu.memory_space<vmem>>) target_semaphore(%run_scoped3A_198 : memref<!tpu.dma_semaphore, #tpu.memory_space<semaphore_mem>>)
      %dma_wait3A_207 = arith.constant 0 : i32
      %dma_wait3A_208 = tpu.memref_slice %arg10[%run_scoped3A_19, %dma_wait3A_207] : memref<4x128xi32, #tpu.memory_space<vmem>> -> memref<1x128xi32, #tpu.memory_space<vmem>>
      %dma_wait3A_209 = tpu.memref_squeeze %dma_wait3A_208 : memref<1x128xi32, #tpu.memory_space<vmem>> -> memref<128xi32, #tpu.memory_space<vmem>>
      %dma_wait3A_210 = tpu.memref_slice %arg5[%add3A_18] : memref<16384xi32, #tpu.memory_space<hbm>> -> memref<128xi32, #tpu.memory_space<hbm>>
      %dma_wait3A_211 = arith.constant 0 : i32
      %dma_wait3A_212 = tpu.memref_slice %arg10[%run_scoped3A_19, %dma_wait3A_211] : memref<4x128xi32, #tpu.memory_space<vmem>> -> memref<1x128xi32, #tpu.memory_space<vmem>>
      %dma_wait3A_213 = tpu.memref_squeeze %dma_wait3A_212 : memref<1x128xi32, #tpu.memory_space<vmem>> -> memref<128xi32, #tpu.memory_space<vmem>>
      %dma_wait3A_214 = tpu.memref_slice %arg5[%add3A_18] : memref<16384xi32, #tpu.memory_space<hbm>> -> memref<128xi32, #tpu.memory_space<hbm>>
      tpu.wait_dma2 semaphore(%run_scoped3A_198 : memref<!tpu.dma_semaphore, #tpu.memory_space<semaphore_mem>>) src(%dma_wait3A_214 : memref<128xi32, #tpu.memory_space<hbm>>) dst(%dma_wait3A_213 : memref<128xi32, #tpu.memory_space<vmem>>)
      tpu.yield
    }) : () -> ()
    %add3A_20 = arith.constant 384 : i32
    %add3A_21 = arith.addi %mul3A_2, %add3A_20 : i32
    %run_scoped3A_22 = arith.constant 3 : i32
    "tpu.region"() ({
      %run_scoped3A_198 = tpu.sem_alloc : memref<!tpu.dma_semaphore, #tpu.memory_space<semaphore_mem>>
      %dma_start3A_199 = arith.constant 0 : i32
      %dma_start3A_200 = tpu.memref_slice %arg9[%run_scoped3A_22, %dma_start3A_199] : memref<4x128xi32, #tpu.memory_space<vmem>> -> memref<1x128xi32, #tpu.memory_space<vmem>>
      %dma_start3A_201 = tpu.memref_squeeze %dma_start3A_200 : memref<1x128xi32, #tpu.memory_space<vmem>> -> memref<128xi32, #tpu.memory_space<vmem>>
      %dma_start3A_202 = tpu.memref_slice %arg4[%add3A_21] : memref<16384xi32, #tpu.memory_space<hbm>> -> memref<128xi32, #tpu.memory_space<hbm>>
      %dma_start3A_203 = arith.constant 0 : i32
      %dma_start3A_204 = tpu.memref_slice %arg9[%run_scoped3A_22, %dma_start3A_203] : memref<4x128xi32, #tpu.memory_space<vmem>> -> memref<1x128xi32, #tpu.memory_space<vmem>>
      %dma_start3A_205 = tpu.memref_squeeze %dma_start3A_204 : memref<1x128xi32, #tpu.memory_space<vmem>> -> memref<128xi32, #tpu.memory_space<vmem>>
      %dma_start3A_206 = tpu.memref_slice %arg4[%add3A_21] : memref<16384xi32, #tpu.memory_space<hbm>> -> memref<128xi32, #tpu.memory_space<hbm>>
      tpu.enqueue_dma source(%dma_start3A_206 : memref<128xi32, #tpu.memory_space<hbm>>) target(%dma_start3A_205 : memref<128xi32, #tpu.memory_space<vmem>>) target_semaphore(%run_scoped3A_198 : memref<!tpu.dma_semaphore, #tpu.memory_space<semaphore_mem>>)
      %dma_wait3A_207 = arith.constant 0 : i32
      %dma_wait3A_208 = tpu.memref_slice %arg9[%run_scoped3A_22, %dma_wait3A_207] : memref<4x128xi32, #tpu.memory_space<vmem>> -> memref<1x128xi32, #tpu.memory_space<vmem>>
      %dma_wait3A_209 = tpu.memref_squeeze %dma_wait3A_208 : memref<1x128xi32, #tpu.memory_space<vmem>> -> memref<128xi32, #tpu.memory_space<vmem>>
      %dma_wait3A_210 = tpu.memref_slice %arg4[%add3A_21] : memref<16384xi32, #tpu.memory_space<hbm>> -> memref<128xi32, #tpu.memory_space<hbm>>
      %dma_wait3A_211 = arith.constant 0 : i32
      %dma_wait3A_212 = tpu.memref_slice %arg9[%run_scoped3A_22, %dma_wait3A_211] : memref<4x128xi32, #tpu.memory_space<vmem>> -> memref<1x128xi32, #tpu.memory_space<vmem>>
      %dma_wait3A_213 = tpu.memref_squeeze %dma_wait3A_212 : memref<1x128xi32, #tpu.memory_space<vmem>> -> memref<128xi32, #tpu.memory_space<vmem>>
      %dma_wait3A_214 = tpu.memref_slice %arg4[%add3A_21] : memref<16384xi32, #tpu.memory_space<hbm>> -> memref<128xi32, #tpu.memory_space<hbm>>
      tpu.wait_dma2 semaphore(%run_scoped3A_198 : memref<!tpu.dma_semaphore, #tpu.memory_space<semaphore_mem>>) src(%dma_wait3A_214 : memref<128xi32, #tpu.memory_space<hbm>>) dst(%dma_wait3A_213 : memref<128xi32, #tpu.memory_space<vmem>>)
      tpu.yield
    }) : () -> ()
    %add3A_23 = arith.constant 384 : i32
    %add3A_24 = arith.addi %mul3A_2, %add3A_23 : i32
    %run_scoped3A_25 = arith.constant 3 : i32
    "tpu.region"() ({
      %run_scoped3A_198 = tpu.sem_alloc : memref<!tpu.dma_semaphore, #tpu.memory_space<semaphore_mem>>
      %dma_start3A_199 = arith.constant 0 : i32
      %dma_start3A_200 = tpu.memref_slice %arg10[%run_scoped3A_25, %dma_start3A_199] : memref<4x128xi32, #tpu.memory_space<vmem>> -> memref<1x128xi32, #tpu.memory_space<vmem>>
      %dma_start3A_201 = tpu.memref_squeeze %dma_start3A_200 : memref<1x128xi32, #tpu.memory_space<vmem>> -> memref<128xi32, #tpu.memory_space<vmem>>
      %dma_start3A_202 = tpu.memref_slice %arg5[%add3A_24] : memref<16384xi32, #tpu.memory_space<hbm>> -> memref<128xi32, #tpu.memory_space<hbm>>
      %dma_start3A_203 = arith.constant 0 : i32
      %dma_start3A_204 = tpu.memref_slice %arg10[%run_scoped3A_25, %dma_start3A_203] : memref<4x128xi32, #tpu.memory_space<vmem>> -> memref<1x128xi32, #tpu.memory_space<vmem>>
      %dma_start3A_205 = tpu.memref_squeeze %dma_start3A_204 : memref<1x128xi32, #tpu.memory_space<vmem>> -> memref<128xi32, #tpu.memory_space<vmem>>
      %dma_start3A_206 = tpu.memref_slice %arg5[%add3A_24] : memref<16384xi32, #tpu.memory_space<hbm>> -> memref<128xi32, #tpu.memory_space<hbm>>
      tpu.enqueue_dma source(%dma_start3A_206 : memref<128xi32, #tpu.memory_space<hbm>>) target(%dma_start3A_205 : memref<128xi32, #tpu.memory_space<vmem>>) target_semaphore(%run_scoped3A_198 : memref<!tpu.dma_semaphore, #tpu.memory_space<semaphore_mem>>)
      %dma_wait3A_207 = arith.constant 0 : i32
      %dma_wait3A_208 = tpu.memref_slice %arg10[%run_scoped3A_25, %dma_wait3A_207] : memref<4x128xi32, #tpu.memory_space<vmem>> -> memref<1x128xi32, #tpu.memory_space<vmem>>
      %dma_wait3A_209 = tpu.memref_squeeze %dma_wait3A_208 : memref<1x128xi32, #tpu.memory_space<vmem>> -> memref<128xi32, #tpu.memory_space<vmem>>
      %dma_wait3A_210 = tpu.memref_slice %arg5[%add3A_24] : memref<16384xi32, #tpu.memory_space<hbm>> -> memref<128xi32, #tpu.memory_space<hbm>>
      %dma_wait3A_211 = arith.constant 0 : i32
      %dma_wait3A_212 = tpu.memref_slice %arg10[%run_scoped3A_25, %dma_wait3A_211] : memref<4x128xi32, #tpu.memory_space<vmem>> -> memref<1x128xi32, #tpu.memory_space<vmem>>
      %dma_wait3A_213 = tpu.memref_squeeze %dma_wait3A_212 : memref<1x128xi32, #tpu.memory_space<vmem>> -> memref<128xi32, #tpu.memory_space<vmem>>
      %dma_wait3A_214 = tpu.memref_slice %arg5[%add3A_24] : memref<16384xi32, #tpu.memory_space<hbm>> -> memref<128xi32, #tpu.memory_space<hbm>>
      tpu.wait_dma2 semaphore(%run_scoped3A_198 : memref<!tpu.dma_semaphore, #tpu.memory_space<semaphore_mem>>) src(%dma_wait3A_214 : memref<128xi32, #tpu.memory_space<hbm>>) dst(%dma_wait3A_213 : memref<128xi32, #tpu.memory_space<vmem>>)
      tpu.yield
    }) : () -> ()
    "tpu.region"() ({
      %run_scoped3A_198 = tpu.sem_alloc : memref<!tpu.dma_semaphore, #tpu.memory_space<semaphore_mem>>
      tpu.enqueue_dma source(%arg6 : memref<64xf32, #tpu.memory_space<hbm>>) target(%arg13 : memref<64xf32, #tpu.memory_space<vmem>>) target_semaphore(%run_scoped3A_198 : memref<!tpu.dma_semaphore, #tpu.memory_space<semaphore_mem>>)
      tpu.wait_dma2 semaphore(%run_scoped3A_198 : memref<!tpu.dma_semaphore, #tpu.memory_space<semaphore_mem>>) src(%arg6 : memref<64xf32, #tpu.memory_space<hbm>>) dst(%arg13 : memref<64xf32, #tpu.memory_space<vmem>>)
      tpu.yield
    }) : () -> ()
    "tpu.region"() ({
      %run_scoped3A_198 = tpu.sem_alloc : memref<!tpu.dma_semaphore, #tpu.memory_space<semaphore_mem>>
      tpu.enqueue_dma source(%arg7 : memref<16xf32, #tpu.memory_space<hbm>>) target(%arg14 : memref<16xf32, #tpu.memory_space<vmem>>) target_semaphore(%run_scoped3A_198 : memref<!tpu.dma_semaphore, #tpu.memory_space<semaphore_mem>>)
      tpu.wait_dma2 semaphore(%run_scoped3A_198 : memref<!tpu.dma_semaphore, #tpu.memory_space<semaphore_mem>>) src(%arg7 : memref<16xf32, #tpu.memory_space<hbm>>) dst(%arg14 : memref<16xf32, #tpu.memory_space<vmem>>)
      tpu.yield
    }) : () -> ()
    %dma_start3A = arith.constant 0 : i32
    %dma_start3A_26 = arith.constant 0 : i32
    %dma_start3A_27 = arith.constant 0 : i32
    %dma_start3A_28 = tpu.memref_slice %arg11[%dma_start3A_26, %dma_start3A_27] : memref<512x64xf32, #tpu.memory_space<vmem>> -> memref<128x64xf32, #tpu.memory_space<vmem>>
    %dma_start3A_29 = arith.constant 0 : i32
    %dma_start3A_30 = tpu.memref_slice %arg9[%dma_start3A, %dma_start3A_29] : memref<4x128xi32, #tpu.memory_space<vmem>> -> memref<1x128xi32, #tpu.memory_space<vmem>>
    %dma_start3A_31 = tpu.memref_squeeze %dma_start3A_30 : memref<1x128xi32, #tpu.memory_space<vmem>> -> memref<128xi32, #tpu.memory_space<vmem>>
    %dma_start3A_32 = arith.constant 0 : i32
    %dma_start3A_33 = arith.constant 0 : i32
    %dma_start3A_34 = tpu.memref_slice %arg2[%dma_start3A_32, %dma_start3A_33] : memref<1000001x64xf32, #tpu.memory_space<hbm>> -> memref<1000001x64xf32, #tpu.memory_space<hbm>>
    tpu.enqueue_indirect_dma source(%dma_start3A_34 : memref<1000001x64xf32, #tpu.memory_space<hbm>>) target(%dma_start3A_28 : memref<128x64xf32, #tpu.memory_space<vmem>>) offsets(%dma_start3A_31 : memref<128xi32, #tpu.memory_space<vmem>>) semaphore(%arg16 : memref<!tpu.dma_semaphore, #tpu.memory_space<semaphore_mem>>)
    %dma_start3A_35 = arith.constant 0 : i32
    %dma_start3A_36 = arith.constant 0 : i32
    %dma_start3A_37 = arith.constant 0 : i32
    %dma_start3A_38 = tpu.memref_slice %arg12[%dma_start3A_36, %dma_start3A_37] : memref<512x64xf32, #tpu.memory_space<vmem>> -> memref<128x64xf32, #tpu.memory_space<vmem>>
    %dma_start3A_39 = arith.constant 0 : i32
    %dma_start3A_40 = tpu.memref_slice %arg10[%dma_start3A_35, %dma_start3A_39] : memref<4x128xi32, #tpu.memory_space<vmem>> -> memref<1x128xi32, #tpu.memory_space<vmem>>
    %dma_start3A_41 = tpu.memref_squeeze %dma_start3A_40 : memref<1x128xi32, #tpu.memory_space<vmem>> -> memref<128xi32, #tpu.memory_space<vmem>>
    %dma_start3A_42 = arith.constant 0 : i32
    %dma_start3A_43 = arith.constant 0 : i32
    %dma_start3A_44 = tpu.memref_slice %arg3[%dma_start3A_42, %dma_start3A_43] : memref<1000001x64xf32, #tpu.memory_space<hbm>> -> memref<1000001x64xf32, #tpu.memory_space<hbm>>
    tpu.enqueue_indirect_dma source(%dma_start3A_44 : memref<1000001x64xf32, #tpu.memory_space<hbm>>) target(%dma_start3A_38 : memref<128x64xf32, #tpu.memory_space<vmem>>) offsets(%dma_start3A_41 : memref<128xi32, #tpu.memory_space<vmem>>) semaphore(%arg16 : memref<!tpu.dma_semaphore, #tpu.memory_space<semaphore_mem>>)
    %dma_start3A_45 = arith.constant 1 : i32
    %dma_start3A_46 = arith.constant 128 : i32
    %dma_start3A_47 = arith.constant 0 : i32
    %dma_start3A_48 = tpu.memref_slice %arg11[%dma_start3A_46, %dma_start3A_47] : memref<512x64xf32, #tpu.memory_space<vmem>> -> memref<128x64xf32, #tpu.memory_space<vmem>>
    %dma_start3A_49 = arith.constant 0 : i32
    %dma_start3A_50 = tpu.memref_slice %arg9[%dma_start3A_45, %dma_start3A_49] : memref<4x128xi32, #tpu.memory_space<vmem>> -> memref<1x128xi32, #tpu.memory_space<vmem>>
    %dma_start3A_51 = tpu.memref_squeeze %dma_start3A_50 : memref<1x128xi32, #tpu.memory_space<vmem>> -> memref<128xi32, #tpu.memory_space<vmem>>
    %dma_start3A_52 = arith.constant 0 : i32
    %dma_start3A_53 = arith.constant 0 : i32
    %dma_start3A_54 = tpu.memref_slice %arg2[%dma_start3A_52, %dma_start3A_53] : memref<1000001x64xf32, #tpu.memory_space<hbm>> -> memref<1000001x64xf32, #tpu.memory_space<hbm>>
    tpu.enqueue_indirect_dma source(%dma_start3A_54 : memref<1000001x64xf32, #tpu.memory_space<hbm>>) target(%dma_start3A_48 : memref<128x64xf32, #tpu.memory_space<vmem>>) offsets(%dma_start3A_51 : memref<128xi32, #tpu.memory_space<vmem>>) semaphore(%arg16 : memref<!tpu.dma_semaphore, #tpu.memory_space<semaphore_mem>>)
    %dma_start3A_55 = arith.constant 1 : i32
    %dma_start3A_56 = arith.constant 128 : i32
    %dma_start3A_57 = arith.constant 0 : i32
    %dma_start3A_58 = tpu.memref_slice %arg12[%dma_start3A_56, %dma_start3A_57] : memref<512x64xf32, #tpu.memory_space<vmem>> -> memref<128x64xf32, #tpu.memory_space<vmem>>
    %dma_start3A_59 = arith.constant 0 : i32
    %dma_start3A_60 = tpu.memref_slice %arg10[%dma_start3A_55, %dma_start3A_59] : memref<4x128xi32, #tpu.memory_space<vmem>> -> memref<1x128xi32, #tpu.memory_space<vmem>>
    %dma_start3A_61 = tpu.memref_squeeze %dma_start3A_60 : memref<1x128xi32, #tpu.memory_space<vmem>> -> memref<128xi32, #tpu.memory_space<vmem>>
    %dma_start3A_62 = arith.constant 0 : i32
    %dma_start3A_63 = arith.constant 0 : i32
    %dma_start3A_64 = tpu.memref_slice %arg3[%dma_start3A_62, %dma_start3A_63] : memref<1000001x64xf32, #tpu.memory_space<hbm>> -> memref<1000001x64xf32, #tpu.memory_space<hbm>>
    tpu.enqueue_indirect_dma source(%dma_start3A_64 : memref<1000001x64xf32, #tpu.memory_space<hbm>>) target(%dma_start3A_58 : memref<128x64xf32, #tpu.memory_space<vmem>>) offsets(%dma_start3A_61 : memref<128xi32, #tpu.memory_space<vmem>>) semaphore(%arg16 : memref<!tpu.dma_semaphore, #tpu.memory_space<semaphore_mem>>)
    %dma_start3A_65 = arith.constant 2 : i32
    %dma_start3A_66 = arith.constant 256 : i32
    %dma_start3A_67 = arith.constant 0 : i32
    %dma_start3A_68 = tpu.memref_slice %arg11[%dma_start3A_66, %dma_start3A_67] : memref<512x64xf32, #tpu.memory_space<vmem>> -> memref<128x64xf32, #tpu.memory_space<vmem>>
    %dma_start3A_69 = arith.constant 0 : i32
    %dma_start3A_70 = tpu.memref_slice %arg9[%dma_start3A_65, %dma_start3A_69] : memref<4x128xi32, #tpu.memory_space<vmem>> -> memref<1x128xi32, #tpu.memory_space<vmem>>
    %dma_start3A_71 = tpu.memref_squeeze %dma_start3A_70 : memref<1x128xi32, #tpu.memory_space<vmem>> -> memref<128xi32, #tpu.memory_space<vmem>>
    %dma_start3A_72 = arith.constant 0 : i32
    %dma_start3A_73 = arith.constant 0 : i32
    %dma_start3A_74 = tpu.memref_slice %arg2[%dma_start3A_72, %dma_start3A_73] : memref<1000001x64xf32, #tpu.memory_space<hbm>> -> memref<1000001x64xf32, #tpu.memory_space<hbm>>
    tpu.enqueue_indirect_dma source(%dma_start3A_74 : memref<1000001x64xf32, #tpu.memory_space<hbm>>) target(%dma_start3A_68 : memref<128x64xf32, #tpu.memory_space<vmem>>) offsets(%dma_start3A_71 : memref<128xi32, #tpu.memory_space<vmem>>) semaphore(%arg16 : memref<!tpu.dma_semaphore, #tpu.memory_space<semaphore_mem>>)
    %dma_start3A_75 = arith.constant 2 : i32
    %dma_start3A_76 = arith.constant 256 : i32
    %dma_start3A_77 = arith.constant 0 : i32
    %dma_start3A_78 = tpu.memref_slice %arg12[%dma_start3A_76, %dma_start3A_77] : memref<512x64xf32, #tpu.memory_space<vmem>> -> memref<128x64xf32, #tpu.memory_space<vmem>>
    %dma_start3A_79 = arith.constant 0 : i32
    %dma_start3A_80 = tpu.memref_slice %arg10[%dma_start3A_75, %dma_start3A_79] : memref<4x128xi32, #tpu.memory_space<vmem>> -> memref<1x128xi32, #tpu.memory_space<vmem>>
    %dma_start3A_81 = tpu.memref_squeeze %dma_start3A_80 : memref<1x128xi32, #tpu.memory_space<vmem>> -> memref<128xi32, #tpu.memory_space<vmem>>
    %dma_start3A_82 = arith.constant 0 : i32
    %dma_start3A_83 = arith.constant 0 : i32
    %dma_start3A_84 = tpu.memref_slice %arg3[%dma_start3A_82, %dma_start3A_83] : memref<1000001x64xf32, #tpu.memory_space<hbm>> -> memref<1000001x64xf32, #tpu.memory_space<hbm>>
    tpu.enqueue_indirect_dma source(%dma_start3A_84 : memref<1000001x64xf32, #tpu.memory_space<hbm>>) target(%dma_start3A_78 : memref<128x64xf32, #tpu.memory_space<vmem>>) offsets(%dma_start3A_81 : memref<128xi32, #tpu.memory_space<vmem>>) semaphore(%arg16 : memref<!tpu.dma_semaphore, #tpu.memory_space<semaphore_mem>>)
    %dma_start3A_85 = arith.constant 3 : i32
    %dma_start3A_86 = arith.constant 384 : i32
    %dma_start3A_87 = arith.constant 0 : i32
    %dma_start3A_88 = tpu.memref_slice %arg11[%dma_start3A_86, %dma_start3A_87] : memref<512x64xf32, #tpu.memory_space<vmem>> -> memref<128x64xf32, #tpu.memory_space<vmem>>
    %dma_start3A_89 = arith.constant 0 : i32
    %dma_start3A_90 = tpu.memref_slice %arg9[%dma_start3A_85, %dma_start3A_89] : memref<4x128xi32, #tpu.memory_space<vmem>> -> memref<1x128xi32, #tpu.memory_space<vmem>>
    %dma_start3A_91 = tpu.memref_squeeze %dma_start3A_90 : memref<1x128xi32, #tpu.memory_space<vmem>> -> memref<128xi32, #tpu.memory_space<vmem>>
    %dma_start3A_92 = arith.constant 0 : i32
    %dma_start3A_93 = arith.constant 0 : i32
    %dma_start3A_94 = tpu.memref_slice %arg2[%dma_start3A_92, %dma_start3A_93] : memref<1000001x64xf32, #tpu.memory_space<hbm>> -> memref<1000001x64xf32, #tpu.memory_space<hbm>>
    tpu.enqueue_indirect_dma source(%dma_start3A_94 : memref<1000001x64xf32, #tpu.memory_space<hbm>>) target(%dma_start3A_88 : memref<128x64xf32, #tpu.memory_space<vmem>>) offsets(%dma_start3A_91 : memref<128xi32, #tpu.memory_space<vmem>>) semaphore(%arg16 : memref<!tpu.dma_semaphore, #tpu.memory_space<semaphore_mem>>)
    %dma_start3A_95 = arith.constant 3 : i32
    %dma_start3A_96 = arith.constant 384 : i32
    %dma_start3A_97 = arith.constant 0 : i32
    %dma_start3A_98 = tpu.memref_slice %arg12[%dma_start3A_96, %dma_start3A_97] : memref<512x64xf32, #tpu.memory_space<vmem>> -> memref<128x64xf32, #tpu.memory_space<vmem>>
    %dma_start3A_99 = arith.constant 0 : i32
    %dma_start3A_100 = tpu.memref_slice %arg10[%dma_start3A_95, %dma_start3A_99] : memref<4x128xi32, #tpu.memory_space<vmem>> -> memref<1x128xi32, #tpu.memory_space<vmem>>
    %dma_start3A_101 = tpu.memref_squeeze %dma_start3A_100 : memref<1x128xi32, #tpu.memory_space<vmem>> -> memref<128xi32, #tpu.memory_space<vmem>>
    %dma_start3A_102 = arith.constant 0 : i32
    %dma_start3A_103 = arith.constant 0 : i32
    %dma_start3A_104 = tpu.memref_slice %arg3[%dma_start3A_102, %dma_start3A_103] : memref<1000001x64xf32, #tpu.memory_space<hbm>> -> memref<1000001x64xf32, #tpu.memory_space<hbm>>
    tpu.enqueue_indirect_dma source(%dma_start3A_104 : memref<1000001x64xf32, #tpu.memory_space<hbm>>) target(%dma_start3A_98 : memref<128x64xf32, #tpu.memory_space<vmem>>) offsets(%dma_start3A_101 : memref<128xi32, #tpu.memory_space<vmem>>) semaphore(%arg16 : memref<!tpu.dma_semaphore, #tpu.memory_space<semaphore_mem>>)
    %dma_wait3A = arith.constant 0 : i32
    %dma_wait3A_105 = arith.constant 0 : i32
    %dma_wait3A_106 = arith.constant 0 : i32
    %dma_wait3A_107 = tpu.memref_slice %arg11[%dma_wait3A_105, %dma_wait3A_106] : memref<512x64xf32, #tpu.memory_space<vmem>> -> memref<128x64xf32, #tpu.memory_space<vmem>>
    %dma_wait3A_108 = arith.constant 0 : i32
    %dma_wait3A_109 = tpu.memref_slice %arg9[%dma_wait3A, %dma_wait3A_108] : memref<4x128xi32, #tpu.memory_space<vmem>> -> memref<1x128xi32, #tpu.memory_space<vmem>>
    %dma_wait3A_110 = tpu.memref_squeeze %dma_wait3A_109 : memref<1x128xi32, #tpu.memory_space<vmem>> -> memref<128xi32, #tpu.memory_space<vmem>>
    %dma_wait3A_111 = arith.constant 0 : i32
    %dma_wait3A_112 = arith.constant 0 : i32
    %dma_wait3A_113 = tpu.memref_slice %arg2[%dma_wait3A_111, %dma_wait3A_112] : memref<1000001x64xf32, #tpu.memory_space<hbm>> -> memref<1000001x64xf32, #tpu.memory_space<hbm>>
    tpu.wait_indirect_dma semaphore(%arg16 : memref<!tpu.dma_semaphore, #tpu.memory_space<semaphore_mem>>) src(%dma_wait3A_113 : memref<1000001x64xf32, #tpu.memory_space<hbm>>) dst(%dma_wait3A_107 : memref<128x64xf32, #tpu.memory_space<vmem>>)
    %dma_wait3A_114 = arith.constant 0 : i32
    %dma_wait3A_115 = arith.constant 0 : i32
    %dma_wait3A_116 = arith.constant 0 : i32
    %dma_wait3A_117 = tpu.memref_slice %arg12[%dma_wait3A_115, %dma_wait3A_116] : memref<512x64xf32, #tpu.memory_space<vmem>> -> memref<128x64xf32, #tpu.memory_space<vmem>>
    %dma_wait3A_118 = arith.constant 0 : i32
    %dma_wait3A_119 = tpu.memref_slice %arg10[%dma_wait3A_114, %dma_wait3A_118] : memref<4x128xi32, #tpu.memory_space<vmem>> -> memref<1x128xi32, #tpu.memory_space<vmem>>
    %dma_wait3A_120 = tpu.memref_squeeze %dma_wait3A_119 : memref<1x128xi32, #tpu.memory_space<vmem>> -> memref<128xi32, #tpu.memory_space<vmem>>
    %dma_wait3A_121 = arith.constant 0 : i32
    %dma_wait3A_122 = arith.constant 0 : i32
    %dma_wait3A_123 = tpu.memref_slice %arg3[%dma_wait3A_121, %dma_wait3A_122] : memref<1000001x64xf32, #tpu.memory_space<hbm>> -> memref<1000001x64xf32, #tpu.memory_space<hbm>>
    tpu.wait_indirect_dma semaphore(%arg16 : memref<!tpu.dma_semaphore, #tpu.memory_space<semaphore_mem>>) src(%dma_wait3A_123 : memref<1000001x64xf32, #tpu.memory_space<hbm>>) dst(%dma_wait3A_117 : memref<128x64xf32, #tpu.memory_space<vmem>>)
    %dma_wait3A_124 = arith.constant 1 : i32
    %dma_wait3A_125 = arith.constant 128 : i32
    %dma_wait3A_126 = arith.constant 0 : i32
    %dma_wait3A_127 = tpu.memref_slice %arg11[%dma_wait3A_125, %dma_wait3A_126] : memref<512x64xf32, #tpu.memory_space<vmem>> -> memref<128x64xf32, #tpu.memory_space<vmem>>
    %dma_wait3A_128 = arith.constant 0 : i32
    %dma_wait3A_129 = tpu.memref_slice %arg9[%dma_wait3A_124, %dma_wait3A_128] : memref<4x128xi32, #tpu.memory_space<vmem>> -> memref<1x128xi32, #tpu.memory_space<vmem>>
    %dma_wait3A_130 = tpu.memref_squeeze %dma_wait3A_129 : memref<1x128xi32, #tpu.memory_space<vmem>> -> memref<128xi32, #tpu.memory_space<vmem>>
    %dma_wait3A_131 = arith.constant 0 : i32
    %dma_wait3A_132 = arith.constant 0 : i32
    %dma_wait3A_133 = tpu.memref_slice %arg2[%dma_wait3A_131, %dma_wait3A_132] : memref<1000001x64xf32, #tpu.memory_space<hbm>> -> memref<1000001x64xf32, #tpu.memory_space<hbm>>
    tpu.wait_indirect_dma semaphore(%arg16 : memref<!tpu.dma_semaphore, #tpu.memory_space<semaphore_mem>>) src(%dma_wait3A_133 : memref<1000001x64xf32, #tpu.memory_space<hbm>>) dst(%dma_wait3A_127 : memref<128x64xf32, #tpu.memory_space<vmem>>)
    %dma_wait3A_134 = arith.constant 1 : i32
    %dma_wait3A_135 = arith.constant 128 : i32
    %dma_wait3A_136 = arith.constant 0 : i32
    %dma_wait3A_137 = tpu.memref_slice %arg12[%dma_wait3A_135, %dma_wait3A_136] : memref<512x64xf32, #tpu.memory_space<vmem>> -> memref<128x64xf32, #tpu.memory_space<vmem>>
    %dma_wait3A_138 = arith.constant 0 : i32
    %dma_wait3A_139 = tpu.memref_slice %arg10[%dma_wait3A_134, %dma_wait3A_138] : memref<4x128xi32, #tpu.memory_space<vmem>> -> memref<1x128xi32, #tpu.memory_space<vmem>>
    %dma_wait3A_140 = tpu.memref_squeeze %dma_wait3A_139 : memref<1x128xi32, #tpu.memory_space<vmem>> -> memref<128xi32, #tpu.memory_space<vmem>>
    %dma_wait3A_141 = arith.constant 0 : i32
    %dma_wait3A_142 = arith.constant 0 : i32
    %dma_wait3A_143 = tpu.memref_slice %arg3[%dma_wait3A_141, %dma_wait3A_142] : memref<1000001x64xf32, #tpu.memory_space<hbm>> -> memref<1000001x64xf32, #tpu.memory_space<hbm>>
    tpu.wait_indirect_dma semaphore(%arg16 : memref<!tpu.dma_semaphore, #tpu.memory_space<semaphore_mem>>) src(%dma_wait3A_143 : memref<1000001x64xf32, #tpu.memory_space<hbm>>) dst(%dma_wait3A_137 : memref<128x64xf32, #tpu.memory_space<vmem>>)
    %dma_wait3A_144 = arith.constant 2 : i32
    %dma_wait3A_145 = arith.constant 256 : i32
    %dma_wait3A_146 = arith.constant 0 : i32
    %dma_wait3A_147 = tpu.memref_slice %arg11[%dma_wait3A_145, %dma_wait3A_146] : memref<512x64xf32, #tpu.memory_space<vmem>> -> memref<128x64xf32, #tpu.memory_space<vmem>>
    %dma_wait3A_148 = arith.constant 0 : i32
    %dma_wait3A_149 = tpu.memref_slice %arg9[%dma_wait3A_144, %dma_wait3A_148] : memref<4x128xi32, #tpu.memory_space<vmem>> -> memref<1x128xi32, #tpu.memory_space<vmem>>
    %dma_wait3A_150 = tpu.memref_squeeze %dma_wait3A_149 : memref<1x128xi32, #tpu.memory_space<vmem>> -> memref<128xi32, #tpu.memory_space<vmem>>
    %dma_wait3A_151 = arith.constant 0 : i32
    %dma_wait3A_152 = arith.constant 0 : i32
    %dma_wait3A_153 = tpu.memref_slice %arg2[%dma_wait3A_151, %dma_wait3A_152] : memref<1000001x64xf32, #tpu.memory_space<hbm>> -> memref<1000001x64xf32, #tpu.memory_space<hbm>>
    tpu.wait_indirect_dma semaphore(%arg16 : memref<!tpu.dma_semaphore, #tpu.memory_space<semaphore_mem>>) src(%dma_wait3A_153 : memref<1000001x64xf32, #tpu.memory_space<hbm>>) dst(%dma_wait3A_147 : memref<128x64xf32, #tpu.memory_space<vmem>>)
    %dma_wait3A_154 = arith.constant 2 : i32
    %dma_wait3A_155 = arith.constant 256 : i32
    %dma_wait3A_156 = arith.constant 0 : i32
    %dma_wait3A_157 = tpu.memref_slice %arg12[%dma_wait3A_155, %dma_wait3A_156] : memref<512x64xf32, #tpu.memory_space<vmem>> -> memref<128x64xf32, #tpu.memory_space<vmem>>
    %dma_wait3A_158 = arith.constant 0 : i32
    %dma_wait3A_159 = tpu.memref_slice %arg10[%dma_wait3A_154, %dma_wait3A_158] : memref<4x128xi32, #tpu.memory_space<vmem>> -> memref<1x128xi32, #tpu.memory_space<vmem>>
    %dma_wait3A_160 = tpu.memref_squeeze %dma_wait3A_159 : memref<1x128xi32, #tpu.memory_space<vmem>> -> memref<128xi32, #tpu.memory_space<vmem>>
    %dma_wait3A_161 = arith.constant 0 : i32
    %dma_wait3A_162 = arith.constant 0 : i32
    %dma_wait3A_163 = tpu.memref_slice %arg3[%dma_wait3A_161, %dma_wait3A_162] : memref<1000001x64xf32, #tpu.memory_space<hbm>> -> memref<1000001x64xf32, #tpu.memory_space<hbm>>
    tpu.wait_indirect_dma semaphore(%arg16 : memref<!tpu.dma_semaphore, #tpu.memory_space<semaphore_mem>>) src(%dma_wait3A_163 : memref<1000001x64xf32, #tpu.memory_space<hbm>>) dst(%dma_wait3A_157 : memref<128x64xf32, #tpu.memory_space<vmem>>)
    %dma_wait3A_164 = arith.constant 3 : i32
    %dma_wait3A_165 = arith.constant 384 : i32
    %dma_wait3A_166 = arith.constant 0 : i32
    %dma_wait3A_167 = tpu.memref_slice %arg11[%dma_wait3A_165, %dma_wait3A_166] : memref<512x64xf32, #tpu.memory_space<vmem>> -> memref<128x64xf32, #tpu.memory_space<vmem>>
    %dma_wait3A_168 = arith.constant 0 : i32
    %dma_wait3A_169 = tpu.memref_slice %arg9[%dma_wait3A_164, %dma_wait3A_168] : memref<4x128xi32, #tpu.memory_space<vmem>> -> memref<1x128xi32, #tpu.memory_space<vmem>>
    %dma_wait3A_170 = tpu.memref_squeeze %dma_wait3A_169 : memref<1x128xi32, #tpu.memory_space<vmem>> -> memref<128xi32, #tpu.memory_space<vmem>>
    %dma_wait3A_171 = arith.constant 0 : i32
    %dma_wait3A_172 = arith.constant 0 : i32
    %dma_wait3A_173 = tpu.memref_slice %arg2[%dma_wait3A_171, %dma_wait3A_172] : memref<1000001x64xf32, #tpu.memory_space<hbm>> -> memref<1000001x64xf32, #tpu.memory_space<hbm>>
    tpu.wait_indirect_dma semaphore(%arg16 : memref<!tpu.dma_semaphore, #tpu.memory_space<semaphore_mem>>) src(%dma_wait3A_173 : memref<1000001x64xf32, #tpu.memory_space<hbm>>) dst(%dma_wait3A_167 : memref<128x64xf32, #tpu.memory_space<vmem>>)
    %dma_wait3A_174 = arith.constant 3 : i32
    %dma_wait3A_175 = arith.constant 384 : i32
    %dma_wait3A_176 = arith.constant 0 : i32
    %dma_wait3A_177 = tpu.memref_slice %arg12[%dma_wait3A_175, %dma_wait3A_176] : memref<512x64xf32, #tpu.memory_space<vmem>> -> memref<128x64xf32, #tpu.memory_space<vmem>>
    %dma_wait3A_178 = arith.constant 0 : i32
    %dma_wait3A_179 = tpu.memref_slice %arg10[%dma_wait3A_174, %dma_wait3A_178] : memref<4x128xi32, #tpu.memory_space<vmem>> -> memref<1x128xi32, #tpu.memory_space<vmem>>
    %dma_wait3A_180 = tpu.memref_squeeze %dma_wait3A_179 : memref<1x128xi32, #tpu.memory_space<vmem>> -> memref<128xi32, #tpu.memory_space<vmem>>
    %dma_wait3A_181 = arith.constant 0 : i32
    %dma_wait3A_182 = arith.constant 0 : i32
    %dma_wait3A_183 = tpu.memref_slice %arg3[%dma_wait3A_181, %dma_wait3A_182] : memref<1000001x64xf32, #tpu.memory_space<hbm>> -> memref<1000001x64xf32, #tpu.memory_space<hbm>>
    tpu.wait_indirect_dma semaphore(%arg16 : memref<!tpu.dma_semaphore, #tpu.memory_space<semaphore_mem>>) src(%dma_wait3A_183 : memref<1000001x64xf32, #tpu.memory_space<hbm>>) dst(%dma_wait3A_177 : memref<128x64xf32, #tpu.memory_space<vmem>>)
    %get3A = arith.constant 0 : index
    %get3A_184 = tpu.vector_load %arg13[%get3A] {strides = array<i32>} : memref<64xf32, #tpu.memory_space<vmem>>, vector<16xf32>,
    %get3A_185 = arith.constant 16 : index
    %get3A_186 = tpu.vector_load %arg13[%get3A_185] {strides = array<i32>} : memref<64xf32, #tpu.memory_space<vmem>>, vector<16xf32>,
    %get3A_187 = arith.constant 32 : index
    %get3A_188 = tpu.vector_load %arg13[%get3A_187] {strides = array<i32>} : memref<64xf32, #tpu.memory_space<vmem>>, vector<16xf32>,
    %get3A_189 = arith.constant 48 : index
    %get3A_190 = tpu.vector_load %arg13[%get3A_189] {strides = array<i32>} : memref<64xf32, #tpu.memory_space<vmem>>, vector<16xf32>,
    %get3A_191 = arith.constant 0 : index
    %get3A_192 = tpu.vector_load %arg14[%get3A_191] {strides = array<i32>} : memref<16xf32, #tpu.memory_space<vmem>>, vector<16xf32>,
    %iota3A = tpu.iota {dimensions = array<i32: 0>} : vector<16xi32>
    %scan3A = arith.constant 0 : i32
    %scan3A_193 = arith.constant 0 : i32
    %scan3A_194 = arith.constant 32 : i32
    %scan3A_195 = arith.addi %scan3A_193, %scan3A_194 : i32
    %scan3A_196 = arith.constant 1 : i32
    scf.for %scan3A_198 = %scan3A_193 to %scan3A_195 step %scan3A_196  : i32 {
      %mul3A_199 = arith.constant 16 : i32
      %mul3A_200 = arith.muli %scan3A_198, %mul3A_199 : i32
      %broadcast_in_dim3A = arith.constant 0.000000e+00 : f32
      %broadcast_in_dim3A_201 = vector.broadcast %broadcast_in_dim3A : f32 to vector<16xf32>
      %broadcast_in_dim3A_202 = arith.constant 0.000000e+00 : f32
      %broadcast_in_dim3A_203 = vector.broadcast %broadcast_in_dim3A_202 : f32 to vector<16xf32>
      %broadcast_in_dim3A_204 = arith.constant 0.000000e+00 : f32
      %broadcast_in_dim3A_205 = vector.broadcast %broadcast_in_dim3A_204 : f32 to vector<16xf32>
      %add3A_206 = arith.constant 0 : i32
      %add3A_207 = arith.addi %mul3A_200, %add3A_206 : i32
      %get3A_208 = arith.index_cast %add3A_207 : i32 to index
      %get3A_209 = arith.constant 0 : index
      %get3A_210 = tpu.vector_load %arg11[%get3A_208, %get3A_209] {strides = array<i32>} : memref<512x64xf32, #tpu.memory_space<vmem>>, vector<16xf32>,
      %get3A_211 = arith.index_cast %add3A_207 : i32 to index
      %get3A_212 = arith.constant 16 : index
      %get3A_213 = tpu.vector_load %arg11[%get3A_211, %get3A_212] {strides = array<i32>} : memref<512x64xf32, #tpu.memory_space<vmem>>, vector<16xf32>,
      %get3A_214 = arith.index_cast %add3A_207 : i32 to index
      %get3A_215 = arith.constant 32 : index
      %get3A_216 = tpu.vector_load %arg11[%get3A_214, %get3A_215] {strides = array<i32>} : memref<512x64xf32, #tpu.memory_space<vmem>>, vector<16xf32>,
      %get3A_217 = arith.index_cast %add3A_207 : i32 to index
      %get3A_218 = arith.constant 48 : index
      %get3A_219 = tpu.vector_load %arg11[%get3A_217, %get3A_218] {strides = array<i32>} : memref<512x64xf32, #tpu.memory_space<vmem>>, vector<16xf32>,
      %get3A_220 = arith.index_cast %add3A_207 : i32 to index
      %get3A_221 = arith.constant 0 : index
      %get3A_222 = tpu.vector_load %arg12[%get3A_220, %get3A_221] {strides = array<i32>} : memref<512x64xf32, #tpu.memory_space<vmem>>, vector<16xf32>,
      %get3A_223 = arith.index_cast %add3A_207 : i32 to index
      %get3A_224 = arith.constant 16 : index
      %get3A_225 = tpu.vector_load %arg12[%get3A_223, %get3A_224] {strides = array<i32>} : memref<512x64xf32, #tpu.memory_space<vmem>>, vector<16xf32>,
      %get3A_226 = arith.index_cast %add3A_207 : i32 to index
      %get3A_227 = arith.constant 32 : index
      %get3A_228 = tpu.vector_load %arg12[%get3A_226, %get3A_227] {strides = array<i32>} : memref<512x64xf32, #tpu.memory_space<vmem>>, vector<16xf32>,
      %get3A_229 = arith.index_cast %add3A_207 : i32 to index
      %get3A_230 = arith.constant 48 : index
      %get3A_231 = tpu.vector_load %arg12[%get3A_229, %get3A_230] {strides = array<i32>} : memref<512x64xf32, #tpu.memory_space<vmem>>, vector<16xf32>,
      %mul3A_232 = arith.mulf %get3A_210, %get3A_210 : vector<16xf32>
      %mul3A_233 = arith.mulf %get3A_222, %get3A_222 : vector<16xf32>
      %mul3A_234 = arith.mulf %get3A_210, %get3A_222 : vector<16xf32>
      %mul3A_235 = arith.mulf %mul3A_234, %get3A_184 : vector<16xf32>
      %mul3A_236 = arith.mulf %get3A_213, %get3A_213 : vector<16xf32>
      %add3A_237 = arith.addf %mul3A_232, %mul3A_236 : vector<16xf32>
      %mul3A_238 = arith.mulf %get3A_225, %get3A_225 : vector<16xf32>
      %add3A_239 = arith.addf %mul3A_233, %mul3A_238 : vector<16xf32>
      %mul3A_240 = arith.mulf %get3A_213, %get3A_225 : vector<16xf32>
      %mul3A_241 = arith.mulf %mul3A_240, %get3A_186 : vector<16xf32>
      %add3A_242 = arith.addf %mul3A_235, %mul3A_241 : vector<16xf32>
      %mul3A_243 = arith.mulf %get3A_216, %get3A_216 : vector<16xf32>
      %add3A_244 = arith.addf %add3A_237, %mul3A_243 : vector<16xf32>
      %mul3A_245 = arith.mulf %get3A_228, %get3A_228 : vector<16xf32>
      %add3A_246 = arith.addf %add3A_239, %mul3A_245 : vector<16xf32>
      %mul3A_247 = arith.mulf %get3A_216, %get3A_228 : vector<16xf32>
      %mul3A_248 = arith.mulf %mul3A_247, %get3A_188 : vector<16xf32>
      %add3A_249 = arith.addf %add3A_242, %mul3A_248 : vector<16xf32>
      %mul3A_250 = arith.mulf %get3A_219, %get3A_219 : vector<16xf32>
      %add3A_251 = arith.addf %add3A_244, %mul3A_250 : vector<16xf32>
      %mul3A_252 = arith.mulf %get3A_231, %get3A_231 : vector<16xf32>
      %add3A_253 = arith.addf %add3A_246, %mul3A_252 : vector<16xf32>
      %mul3A_254 = arith.mulf %get3A_219, %get3A_231 : vector<16xf32>
      %mul3A_255 = arith.mulf %mul3A_254, %get3A_190 : vector<16xf32>
      %add3A_256 = arith.addf %add3A_249, %mul3A_255 : vector<16xf32>
      %eq3A = arith.constant 0 : i32
      %eq3A_257 = vector.broadcast %eq3A : i32 to vector<16xi32>
      %eq3A_258 = arith.cmpi eq, %iota3A, %eq3A_257 : vector<16xi32>
      %reduce_sum3A = arith.constant true
      %reduce_sum3A_259 = vector.broadcast %reduce_sum3A : i1 to vector<16xi1>
      %reduce_sum3A_260 = tpu.scan <sum>, %add3A_251 masked %reduce_sum3A_259 : vector<16xf32>, vector<16xi1> -> vector<16xf32>
      %reduce_sum3A_261 = vector.extract %reduce_sum3A_260[15] : f32 from vector<16xf32>
      %broadcast_in_dim3A_262 = vector.broadcast %reduce_sum3A_261 : f32 to vector<16xf32>
      %select_n3A = arith.select %eq3A_258, %broadcast_in_dim3A_262, %broadcast_in_dim3A_201 : vector<16xi1>, vector<16xf32>
      %reduce_sum3A_263 = arith.constant true
      %reduce_sum3A_264 = vector.broadcast %reduce_sum3A_263 : i1 to vector<16xi1>
      %reduce_sum3A_265 = tpu.scan <sum>, %add3A_253 masked %reduce_sum3A_264 : vector<16xf32>, vector<16xi1> -> vector<16xf32>
      %reduce_sum3A_266 = vector.extract %reduce_sum3A_265[15] : f32 from vector<16xf32>
      %broadcast_in_dim3A_267 = vector.broadcast %reduce_sum3A_266 : f32 to vector<16xf32>
      %select_n3A_268 = arith.select %eq3A_258, %broadcast_in_dim3A_267, %broadcast_in_dim3A_203 : vector<16xi1>, vector<16xf32>
      %reduce_sum3A_269 = arith.constant true
      %reduce_sum3A_270 = vector.broadcast %reduce_sum3A_269 : i1 to vector<16xi1>
      %reduce_sum3A_271 = tpu.scan <sum>, %add3A_256 masked %reduce_sum3A_270 : vector<16xf32>, vector<16xi1> -> vector<16xf32>
      %reduce_sum3A_272 = vector.extract %reduce_sum3A_271[15] : f32 from vector<16xf32>
      %broadcast_in_dim3A_273 = vector.broadcast %reduce_sum3A_272 : f32 to vector<16xf32>
      %select_n3A_274 = arith.select %eq3A_258, %broadcast_in_dim3A_273, %broadcast_in_dim3A_205 : vector<16xi1>, vector<16xf32>
      %add3A_275 = arith.constant 1 : i32
      %add3A_276 = arith.addi %mul3A_200, %add3A_275 : i32
      %get3A_277 = arith.index_cast %add3A_276 : i32 to index
      %get3A_278 = arith.constant 0 : index
      %get3A_279 = tpu.vector_load %arg11[%get3A_277, %get3A_278] {strides = array<i32>} : memref<512x64xf32, #tpu.memory_space<vmem>>, vector<16xf32>,
      %get3A_280 = arith.index_cast %add3A_276 : i32 to index
      %get3A_281 = arith.constant 16 : index
      %get3A_282 = tpu.vector_load %arg11[%get3A_280, %get3A_281] {strides = array<i32>} : memref<512x64xf32, #tpu.memory_space<vmem>>, vector<16xf32>,
      %get3A_283 = arith.index_cast %add3A_276 : i32 to index
      %get3A_284 = arith.constant 32 : index
      %get3A_285 = tpu.vector_load %arg11[%get3A_283, %get3A_284] {strides = array<i32>} : memref<512x64xf32, #tpu.memory_space<vmem>>, vector<16xf32>,
      %get3A_286 = arith.index_cast %add3A_276 : i32 to index
      %get3A_287 = arith.constant 48 : index
      %get3A_288 = tpu.vector_load %arg11[%get3A_286, %get3A_287] {strides = array<i32>} : memref<512x64xf32, #tpu.memory_space<vmem>>, vector<16xf32>,
      %get3A_289 = arith.index_cast %add3A_276 : i32 to index
      %get3A_290 = arith.constant 0 : index
      %get3A_291 = tpu.vector_load %arg12[%get3A_289, %get3A_290] {strides = array<i32>} : memref<512x64xf32, #tpu.memory_space<vmem>>, vector<16xf32>,
      %get3A_292 = arith.index_cast %add3A_276 : i32 to index
      %get3A_293 = arith.constant 16 : index
      %get3A_294 = tpu.vector_load %arg12[%get3A_292, %get3A_293] {strides = array<i32>} : memref<512x64xf32, #tpu.memory_space<vmem>>, vector<16xf32>,
      %get3A_295 = arith.index_cast %add3A_276 : i32 to index
      %get3A_296 = arith.constant 32 : index
      %get3A_297 = tpu.vector_load %arg12[%get3A_295, %get3A_296] {strides = array<i32>} : memref<512x64xf32, #tpu.memory_space<vmem>>, vector<16xf32>,
      %get3A_298 = arith.index_cast %add3A_276 : i32 to index
      %get3A_299 = arith.constant 48 : index
      %get3A_300 = tpu.vector_load %arg12[%get3A_298, %get3A_299] {strides = array<i32>} : memref<512x64xf32, #tpu.memory_space<vmem>>, vector<16xf32>,
      %mul3A_301 = arith.mulf %get3A_279, %get3A_279 : vector<16xf32>
      %mul3A_302 = arith.mulf %get3A_291, %get3A_291 : vector<16xf32>
      %mul3A_303 = arith.mulf %get3A_279, %get3A_291 : vector<16xf32>
      %mul3A_304 = arith.mulf %mul3A_303, %get3A_184 : vector<16xf32>
      %mul3A_305 = arith.mulf %get3A_282, %get3A_282 : vector<16xf32>
      %add3A_306 = arith.addf %mul3A_301, %mul3A_305 : vector<16xf32>
      %mul3A_307 = arith.mulf %get3A_294, %get3A_294 : vector<16xf32>
      %add3A_308 = arith.addf %mul3A_302, %mul3A_307 : vector<16xf32>
      %mul3A_309 = arith.mulf %get3A_282, %get3A_294 : vector<16xf32>
      %mul3A_310 = arith.mulf %mul3A_309, %get3A_186 : vector<16xf32>
      %add3A_311 = arith.addf %mul3A_304, %mul3A_310 : vector<16xf32>
      %mul3A_312 = arith.mulf %get3A_285, %get3A_285 : vector<16xf32>
      %add3A_313 = arith.addf %add3A_306, %mul3A_312 : vector<16xf32>
      %mul3A_314 = arith.mulf %get3A_297, %get3A_297 : vector<16xf32>
      %add3A_315 = arith.addf %add3A_308, %mul3A_314 : vector<16xf32>
      %mul3A_316 = arith.mulf %get3A_285, %get3A_297 : vector<16xf32>
      %mul3A_317 = arith.mulf %mul3A_316, %get3A_188 : vector<16xf32>
      %add3A_318 = arith.addf %add3A_311, %mul3A_317 : vector<16xf32>
      %mul3A_319 = arith.mulf %get3A_288, %get3A_288 : vector<16xf32>
      %add3A_320 = arith.addf %add3A_313, %mul3A_319 : vector<16xf32>
      %mul3A_321 = arith.mulf %get3A_300, %get3A_300 : vector<16xf32>
      %add3A_322 = arith.addf %add3A_315, %mul3A_321 : vector<16xf32>
      %mul3A_323 = arith.mulf %get3A_288, %get3A_300 : vector<16xf32>
      %mul3A_324 = arith.mulf %mul3A_323, %get3A_190 : vector<16xf32>
      %add3A_325 = arith.addf %add3A_318, %mul3A_324 : vector<16xf32>
      %eq3A_326 = arith.constant 1 : i32
      %eq3A_327 = vector.broadcast %eq3A_326 : i32 to vector<16xi32>
      %eq3A_328 = arith.cmpi eq, %iota3A, %eq3A_327 : vector<16xi32>
      %reduce_sum3A_329 = arith.constant true
      %reduce_sum3A_330 = vector.broadcast %reduce_sum3A_329 : i1 to vector<16xi1>
      %reduce_sum3A_331 = tpu.scan <sum>, %add3A_320 masked %reduce_sum3A_330 : vector<16xf32>, vector<16xi1> -> vector<16xf32>
      %reduce_sum3A_332 = vector.extract %reduce_sum3A_331[15] : f32 from vector<16xf32>
      %broadcast_in_dim3A_333 = vector.broadcast %reduce_sum3A_332 : f32 to vector<16xf32>
      %select_n3A_334 = arith.select %eq3A_328, %broadcast_in_dim3A_333, %select_n3A : vector<16xi1>, vector<16xf32>
      %reduce_sum3A_335 = arith.constant true
      %reduce_sum3A_336 = vector.broadcast %reduce_sum3A_335 : i1 to vector<16xi1>
      %reduce_sum3A_337 = tpu.scan <sum>, %add3A_322 masked %reduce_sum3A_336 : vector<16xf32>, vector<16xi1> -> vector<16xf32>
      %reduce_sum3A_338 = vector.extract %reduce_sum3A_337[15] : f32 from vector<16xf32>
      %broadcast_in_dim3A_339 = vector.broadcast %reduce_sum3A_338 : f32 to vector<16xf32>
      %select_n3A_340 = arith.select %eq3A_328, %broadcast_in_dim3A_339, %select_n3A_268 : vector<16xi1>, vector<16xf32>
      %reduce_sum3A_341 = arith.constant true
      %reduce_sum3A_342 = vector.broadcast %reduce_sum3A_341 : i1 to vector<16xi1>
      %reduce_sum3A_343 = tpu.scan <sum>, %add3A_325 masked %reduce_sum3A_342 : vector<16xf32>, vector<16xi1> -> vector<16xf32>
      %reduce_sum3A_344 = vector.extract %reduce_sum3A_343[15] : f32 from vector<16xf32>
      %broadcast_in_dim3A_345 = vector.broadcast %reduce_sum3A_344 : f32 to vector<16xf32>
      %select_n3A_346 = arith.select %eq3A_328, %broadcast_in_dim3A_345, %select_n3A_274 : vector<16xi1>, vector<16xf32>
      %add3A_347 = arith.constant 2 : i32
      %add3A_348 = arith.addi %mul3A_200, %add3A_347 : i32
      %get3A_349 = arith.index_cast %add3A_348 : i32 to index
      %get3A_350 = arith.constant 0 : index
      %get3A_351 = tpu.vector_load %arg11[%get3A_349, %get3A_350] {strides = array<i32>} : memref<512x64xf32, #tpu.memory_space<vmem>>, vector<16xf32>,
      %get3A_352 = arith.index_cast %add3A_348 : i32 to index
      %get3A_353 = arith.constant 16 : index
      %get3A_354 = tpu.vector_load %arg11[%get3A_352, %get3A_353] {strides = array<i32>} : memref<512x64xf32, #tpu.memory_space<vmem>>, vector<16xf32>,
      %get3A_355 = arith.index_cast %add3A_348 : i32 to index
      %get3A_356 = arith.constant 32 : index
      %get3A_357 = tpu.vector_load %arg11[%get3A_355, %get3A_356] {strides = array<i32>} : memref<512x64xf32, #tpu.memory_space<vmem>>, vector<16xf32>,
      %get3A_358 = arith.index_cast %add3A_348 : i32 to index
      %get3A_359 = arith.constant 48 : index
      %get3A_360 = tpu.vector_load %arg11[%get3A_358, %get3A_359] {strides = array<i32>} : memref<512x64xf32, #tpu.memory_space<vmem>>, vector<16xf32>,
      %get3A_361 = arith.index_cast %add3A_348 : i32 to index
      %get3A_362 = arith.constant 0 : index
      %get3A_363 = tpu.vector_load %arg12[%get3A_361, %get3A_362] {strides = array<i32>} : memref<512x64xf32, #tpu.memory_space<vmem>>, vector<16xf32>,
      %get3A_364 = arith.index_cast %add3A_348 : i32 to index
      %get3A_365 = arith.constant 16 : index
      %get3A_366 = tpu.vector_load %arg12[%get3A_364, %get3A_365] {strides = array<i32>} : memref<512x64xf32, #tpu.memory_space<vmem>>, vector<16xf32>,
      %get3A_367 = arith.index_cast %add3A_348 : i32 to index
      %get3A_368 = arith.constant 32 : index
      %get3A_369 = tpu.vector_load %arg12[%get3A_367, %get3A_368] {strides = array<i32>} : memref<512x64xf32, #tpu.memory_space<vmem>>, vector<16xf32>,
      %get3A_370 = arith.index_cast %add3A_348 : i32 to index
      %get3A_371 = arith.constant 48 : index
      %get3A_372 = tpu.vector_load %arg12[%get3A_370, %get3A_371] {strides = array<i32>} : memref<512x64xf32, #tpu.memory_space<vmem>>, vector<16xf32>,
      %mul3A_373 = arith.mulf %get3A_351, %get3A_351 : vector<16xf32>
      %mul3A_374 = arith.mulf %get3A_363, %get3A_363 : vector<16xf32>
      %mul3A_375 = arith.mulf %get3A_351, %get3A_363 : vector<16xf32>
      %mul3A_376 = arith.mulf %mul3A_375, %get3A_184 : vector<16xf32>
      %mul3A_377 = arith.mulf %get3A_354, %get3A_354 : vector<16xf32>
      %add3A_378 = arith.addf %mul3A_373, %mul3A_377 : vector<16xf32>
      %mul3A_379 = arith.mulf %get3A_366, %get3A_366 : vector<16xf32>
      %add3A_380 = arith.addf %mul3A_374, %mul3A_379 : vector<16xf32>
      %mul3A_381 = arith.mulf %get3A_354, %get3A_366 : vector<16xf32>
      %mul3A_382 = arith.mulf %mul3A_381, %get3A_186 : vector<16xf32>
      %add3A_383 = arith.addf %mul3A_376, %mul3A_382 : vector<16xf32>
      %mul3A_384 = arith.mulf %get3A_357, %get3A_357 : vector<16xf32>
      %add3A_385 = arith.addf %add3A_378, %mul3A_384 : vector<16xf32>
      %mul3A_386 = arith.mulf %get3A_369, %get3A_369 : vector<16xf32>
      %add3A_387 = arith.addf %add3A_380, %mul3A_386 : vector<16xf32>
      %mul3A_388 = arith.mulf %get3A_357, %get3A_369 : vector<16xf32>
      %mul3A_389 = arith.mulf %mul3A_388, %get3A_188 : vector<16xf32>
      %add3A_390 = arith.addf %add3A_383, %mul3A_389 : vector<16xf32>
      %mul3A_391 = arith.mulf %get3A_360, %get3A_360 : vector<16xf32>
      %add3A_392 = arith.addf %add3A_385, %mul3A_391 : vector<16xf32>
      %mul3A_393 = arith.mulf %get3A_372, %get3A_372 : vector<16xf32>
      %add3A_394 = arith.addf %add3A_387, %mul3A_393 : vector<16xf32>
      %mul3A_395 = arith.mulf %get3A_360, %get3A_372 : vector<16xf32>
      %mul3A_396 = arith.mulf %mul3A_395, %get3A_190 : vector<16xf32>
      %add3A_397 = arith.addf %add3A_390, %mul3A_396 : vector<16xf32>
      %eq3A_398 = arith.constant 2 : i32
      %eq3A_399 = vector.broadcast %eq3A_398 : i32 to vector<16xi32>
      %eq3A_400 = arith.cmpi eq, %iota3A, %eq3A_399 : vector<16xi32>
      %reduce_sum3A_401 = arith.constant true
      %reduce_sum3A_402 = vector.broadcast %reduce_sum3A_401 : i1 to vector<16xi1>
      %reduce_sum3A_403 = tpu.scan <sum>, %add3A_392 masked %reduce_sum3A_402 : vector<16xf32>, vector<16xi1> -> vector<16xf32>
      %reduce_sum3A_404 = vector.extract %reduce_sum3A_403[15] : f32 from vector<16xf32>
      %broadcast_in_dim3A_405 = vector.broadcast %reduce_sum3A_404 : f32 to vector<16xf32>
      %select_n3A_406 = arith.select %eq3A_400, %broadcast_in_dim3A_405, %select_n3A_334 : vector<16xi1>, vector<16xf32>
      %reduce_sum3A_407 = arith.constant true
      %reduce_sum3A_408 = vector.broadcast %reduce_sum3A_407 : i1 to vector<16xi1>
      %reduce_sum3A_409 = tpu.scan <sum>, %add3A_394 masked %reduce_sum3A_408 : vector<16xf32>, vector<16xi1> -> vector<16xf32>
      %reduce_sum3A_410 = vector.extract %reduce_sum3A_409[15] : f32 from vector<16xf32>
      %broadcast_in_dim3A_411 = vector.broadcast %reduce_sum3A_410 : f32 to vector<16xf32>
      %select_n3A_412 = arith.select %eq3A_400, %broadcast_in_dim3A_411, %select_n3A_340 : vector<16xi1>, vector<16xf32>
      %reduce_sum3A_413 = arith.constant true
      %reduce_sum3A_414 = vector.broadcast %reduce_sum3A_413 : i1 to vector<16xi1>
      %reduce_sum3A_415 = tpu.scan <sum>, %add3A_397 masked %reduce_sum3A_414 : vector<16xf32>, vector<16xi1> -> vector<16xf32>
      %reduce_sum3A_416 = vector.extract %reduce_sum3A_415[15] : f32 from vector<16xf32>
      %broadcast_in_dim3A_417 = vector.broadcast %reduce_sum3A_416 : f32 to vector<16xf32>
      %select_n3A_418 = arith.select %eq3A_400, %broadcast_in_dim3A_417, %select_n3A_346 : vector<16xi1>, vector<16xf32>
      %add3A_419 = arith.constant 3 : i32
      %add3A_420 = arith.addi %mul3A_200, %add3A_419 : i32
      %get3A_421 = arith.index_cast %add3A_420 : i32 to index
      %get3A_422 = arith.constant 0 : index
      %get3A_423 = tpu.vector_load %arg11[%get3A_421, %get3A_422] {strides = array<i32>} : memref<512x64xf32, #tpu.memory_space<vmem>>, vector<16xf32>,
      %get3A_424 = arith.index_cast %add3A_420 : i32 to index
      %get3A_425 = arith.constant 16 : index
      %get3A_426 = tpu.vector_load %arg11[%get3A_424, %get3A_425] {strides = array<i32>} : memref<512x64xf32, #tpu.memory_space<vmem>>, vector<16xf32>,
      %get3A_427 = arith.index_cast %add3A_420 : i32 to index
      %get3A_428 = arith.constant 32 : index
      %get3A_429 = tpu.vector_load %arg11[%get3A_427, %get3A_428] {strides = array<i32>} : memref<512x64xf32, #tpu.memory_space<vmem>>, vector<16xf32>,
      %get3A_430 = arith.index_cast %add3A_420 : i32 to index
      %get3A_431 = arith.constant 48 : index
      %get3A_432 = tpu.vector_load %arg11[%get3A_430, %get3A_431] {strides = array<i32>} : memref<512x64xf32, #tpu.memory_space<vmem>>, vector<16xf32>,
      %get3A_433 = arith.index_cast %add3A_420 : i32 to index
      %get3A_434 = arith.constant 0 : index
      %get3A_435 = tpu.vector_load %arg12[%get3A_433, %get3A_434] {strides = array<i32>} : memref<512x64xf32, #tpu.memory_space<vmem>>, vector<16xf32>,
      %get3A_436 = arith.index_cast %add3A_420 : i32 to index
      %get3A_437 = arith.constant 16 : index
      %get3A_438 = tpu.vector_load %arg12[%get3A_436, %get3A_437] {strides = array<i32>} : memref<512x64xf32, #tpu.memory_space<vmem>>, vector<16xf32>,
      %get3A_439 = arith.index_cast %add3A_420 : i32 to index
      %get3A_440 = arith.constant 32 : index
      %get3A_441 = tpu.vector_load %arg12[%get3A_439, %get3A_440] {strides = array<i32>} : memref<512x64xf32, #tpu.memory_space<vmem>>, vector<16xf32>,
      %get3A_442 = arith.index_cast %add3A_420 : i32 to index
      %get3A_443 = arith.constant 48 : index
      %get3A_444 = tpu.vector_load %arg12[%get3A_442, %get3A_443] {strides = array<i32>} : memref<512x64xf32, #tpu.memory_space<vmem>>, vector<16xf32>,
      %mul3A_445 = arith.mulf %get3A_423, %get3A_423 : vector<16xf32>
      %mul3A_446 = arith.mulf %get3A_435, %get3A_435 : vector<16xf32>
      %mul3A_447 = arith.mulf %get3A_423, %get3A_435 : vector<16xf32>
      %mul3A_448 = arith.mulf %mul3A_447, %get3A_184 : vector<16xf32>
      %mul3A_449 = arith.mulf %get3A_426, %get3A_426 : vector<16xf32>
      %add3A_450 = arith.addf %mul3A_445, %mul3A_449 : vector<16xf32>
      %mul3A_451 = arith.mulf %get3A_438, %get3A_438 : vector<16xf32>
      %add3A_452 = arith.addf %mul3A_446, %mul3A_451 : vector<16xf32>
      %mul3A_453 = arith.mulf %get3A_426, %get3A_438 : vector<16xf32>
      %mul3A_454 = arith.mulf %mul3A_453, %get3A_186 : vector<16xf32>
      %add3A_455 = arith.addf %mul3A_448, %mul3A_454 : vector<16xf32>
      %mul3A_456 = arith.mulf %get3A_429, %get3A_429 : vector<16xf32>
      %add3A_457 = arith.addf %add3A_450, %mul3A_456 : vector<16xf32>
      %mul3A_458 = arith.mulf %get3A_441, %get3A_441 : vector<16xf32>
      %add3A_459 = arith.addf %add3A_452, %mul3A_458 : vector<16xf32>
      %mul3A_460 = arith.mulf %get3A_429, %get3A_441 : vector<16xf32>
      %mul3A_461 = arith.mulf %mul3A_460, %get3A_188 : vector<16xf32>
      %add3A_462 = arith.addf %add3A_455, %mul3A_461 : vector<16xf32>
      %mul3A_463 = arith.mulf %get3A_432, %get3A_432 : vector<16xf32>
      %add3A_464 = arith.addf %add3A_457, %mul3A_463 : vector<16xf32>
      %mul3A_465 = arith.mulf %get3A_444, %get3A_444 : vector<16xf32>
      %add3A_466 = arith.addf %add3A_459, %mul3A_465 : vector<16xf32>
      %mul3A_467 = arith.mulf %get3A_432, %get3A_444 : vector<16xf32>
      %mul3A_468 = arith.mulf %mul3A_467, %get3A_190 : vector<16xf32>
      %add3A_469 = arith.addf %add3A_462, %mul3A_468 : vector<16xf32>
      %eq3A_470 = arith.constant 3 : i32
      %eq3A_471 = vector.broadcast %eq3A_470 : i32 to vector<16xi32>
      %eq3A_472 = arith.cmpi eq, %iota3A, %eq3A_471 : vector<16xi32>
      %reduce_sum3A_473 = arith.constant true
      %reduce_sum3A_474 = vector.broadcast %reduce_sum3A_473 : i1 to vector<16xi1>
      %reduce_sum3A_475 = tpu.scan <sum>, %add3A_464 masked %reduce_sum3A_474 : vector<16xf32>, vector<16xi1> -> vector<16xf32>
      %reduce_sum3A_476 = vector.extract %reduce_sum3A_475[15] : f32 from vector<16xf32>
      %broadcast_in_dim3A_477 = vector.broadcast %reduce_sum3A_476 : f32 to vector<16xf32>
      %select_n3A_478 = arith.select %eq3A_472, %broadcast_in_dim3A_477, %select_n3A_406 : vector<16xi1>, vector<16xf32>
      %reduce_sum3A_479 = arith.constant true
      %reduce_sum3A_480 = vector.broadcast %reduce_sum3A_479 : i1 to vector<16xi1>
      %reduce_sum3A_481 = tpu.scan <sum>, %add3A_466 masked %reduce_sum3A_480 : vector<16xf32>, vector<16xi1> -> vector<16xf32>
      %reduce_sum3A_482 = vector.extract %reduce_sum3A_481[15] : f32 from vector<16xf32>
      %broadcast_in_dim3A_483 = vector.broadcast %reduce_sum3A_482 : f32 to vector<16xf32>
      %select_n3A_484 = arith.select %eq3A_472, %broadcast_in_dim3A_483, %select_n3A_412 : vector<16xi1>, vector<16xf32>
      %reduce_sum3A_485 = arith.constant true
      %reduce_sum3A_486 = vector.broadcast %reduce_sum3A_485 : i1 to vector<16xi1>
      %reduce_sum3A_487 = tpu.scan <sum>, %add3A_469 masked %reduce_sum3A_486 : vector<16xf32>, vector<16xi1> -> vector<16xf32>
      %reduce_sum3A_488 = vector.extract %reduce_sum3A_487[15] : f32 from vector<16xf32>
      %broadcast_in_dim3A_489 = vector.broadcast %reduce_sum3A_488 : f32 to vector<16xf32>
      %select_n3A_490 = arith.select %eq3A_472, %broadcast_in_dim3A_489, %select_n3A_418 : vector<16xi1>, vector<16xf32>
      %add3A_491 = arith.constant 4 : i32
      %add3A_492 = arith.addi %mul3A_200, %add3A_491 : i32
      %get3A_493 = arith.index_cast %add3A_492 : i32 to index
      %get3A_494 = arith.constant 0 : index
      %get3A_495 = tpu.vector_load %arg11[%get3A_493, %get3A_494] {strides = array<i32>} : memref<512x64xf32, #tpu.memory_space<vmem>>, vector<16xf32>,
      %get3A_496 = arith.index_cast %add3A_492 : i32 to index
      %get3A_497 = arith.constant 16 : index
      %get3A_498 = tpu.vector_load %arg11[%get3A_496, %get3A_497] {strides = array<i32>} : memref<512x64xf32, #tpu.memory_space<vmem>>, vector<16xf32>,
      %get3A_499 = arith.index_cast %add3A_492 : i32 to index
      %get3A_500 = arith.constant 32 : index
      %get3A_501 = tpu.vector_load %arg11[%get3A_499, %get3A_500] {strides = array<i32>} : memref<512x64xf32, #tpu.memory_space<vmem>>, vector<16xf32>,
      %get3A_502 = arith.index_cast %add3A_492 : i32 to index
      %get3A_503 = arith.constant 48 : index
      %get3A_504 = tpu.vector_load %arg11[%get3A_502, %get3A_503] {strides = array<i32>} : memref<512x64xf32, #tpu.memory_space<vmem>>, vector<16xf32>,
      %get3A_505 = arith.index_cast %add3A_492 : i32 to index
      %get3A_506 = arith.constant 0 : index
      %get3A_507 = tpu.vector_load %arg12[%get3A_505, %get3A_506] {strides = array<i32>} : memref<512x64xf32, #tpu.memory_space<vmem>>, vector<16xf32>,
      %get3A_508 = arith.index_cast %add3A_492 : i32 to index
      %get3A_509 = arith.constant 16 : index
      %get3A_510 = tpu.vector_load %arg12[%get3A_508, %get3A_509] {strides = array<i32>} : memref<512x64xf32, #tpu.memory_space<vmem>>, vector<16xf32>,
      %get3A_511 = arith.index_cast %add3A_492 : i32 to index
      %get3A_512 = arith.constant 32 : index
      %get3A_513 = tpu.vector_load %arg12[%get3A_511, %get3A_512] {strides = array<i32>} : memref<512x64xf32, #tpu.memory_space<vmem>>, vector<16xf32>,
      %get3A_514 = arith.index_cast %add3A_492 : i32 to index
      %get3A_515 = arith.constant 48 : index
      %get3A_516 = tpu.vector_load %arg12[%get3A_514, %get3A_515] {strides = array<i32>} : memref<512x64xf32, #tpu.memory_space<vmem>>, vector<16xf32>,
      %mul3A_517 = arith.mulf %get3A_495, %get3A_495 : vector<16xf32>
      %mul3A_518 = arith.mulf %get3A_507, %get3A_507 : vector<16xf32>
      %mul3A_519 = arith.mulf %get3A_495, %get3A_507 : vector<16xf32>
      %mul3A_520 = arith.mulf %mul3A_519, %get3A_184 : vector<16xf32>
      %mul3A_521 = arith.mulf %get3A_498, %get3A_498 : vector<16xf32>
      %add3A_522 = arith.addf %mul3A_517, %mul3A_521 : vector<16xf32>
      %mul3A_523 = arith.mulf %get3A_510, %get3A_510 : vector<16xf32>
      %add3A_524 = arith.addf %mul3A_518, %mul3A_523 : vector<16xf32>
      %mul3A_525 = arith.mulf %get3A_498, %get3A_510 : vector<16xf32>
      %mul3A_526 = arith.mulf %mul3A_525, %get3A_186 : vector<16xf32>
      %add3A_527 = arith.addf %mul3A_520, %mul3A_526 : vector<16xf32>
      %mul3A_528 = arith.mulf %get3A_501, %get3A_501 : vector<16xf32>
      %add3A_529 = arith.addf %add3A_522, %mul3A_528 : vector<16xf32>
      %mul3A_530 = arith.mulf %get3A_513, %get3A_513 : vector<16xf32>
      %add3A_531 = arith.addf %add3A_524, %mul3A_530 : vector<16xf32>
      %mul3A_532 = arith.mulf %get3A_501, %get3A_513 : vector<16xf32>
      %mul3A_533 = arith.mulf %mul3A_532, %get3A_188 : vector<16xf32>
      %add3A_534 = arith.addf %add3A_527, %mul3A_533 : vector<16xf32>
      %mul3A_535 = arith.mulf %get3A_504, %get3A_504 : vector<16xf32>
      %add3A_536 = arith.addf %add3A_529, %mul3A_535 : vector<16xf32>
      %mul3A_537 = arith.mulf %get3A_516, %get3A_516 : vector<16xf32>
      %add3A_538 = arith.addf %add3A_531, %mul3A_537 : vector<16xf32>
      %mul3A_539 = arith.mulf %get3A_504, %get3A_516 : vector<16xf32>
      %mul3A_540 = arith.mulf %mul3A_539, %get3A_190 : vector<16xf32>
      %add3A_541 = arith.addf %add3A_534, %mul3A_540 : vector<16xf32>
      %eq3A_542 = arith.constant 4 : i32
      %eq3A_543 = vector.broadcast %eq3A_542 : i32 to vector<16xi32>
      %eq3A_544 = arith.cmpi eq, %iota3A, %eq3A_543 : vector<16xi32>
      %reduce_sum3A_545 = arith.constant true
      %reduce_sum3A_546 = vector.broadcast %reduce_sum3A_545 : i1 to vector<16xi1>
      %reduce_sum3A_547 = tpu.scan <sum>, %add3A_536 masked %reduce_sum3A_546 : vector<16xf32>, vector<16xi1> -> vector<16xf32>
      %reduce_sum3A_548 = vector.extract %reduce_sum3A_547[15] : f32 from vector<16xf32>
      %broadcast_in_dim3A_549 = vector.broadcast %reduce_sum3A_548 : f32 to vector<16xf32>
      %select_n3A_550 = arith.select %eq3A_544, %broadcast_in_dim3A_549, %select_n3A_478 : vector<16xi1>, vector<16xf32>
      %reduce_sum3A_551 = arith.constant true
      %reduce_sum3A_552 = vector.broadcast %reduce_sum3A_551 : i1 to vector<16xi1>
      %reduce_sum3A_553 = tpu.scan <sum>, %add3A_538 masked %reduce_sum3A_552 : vector<16xf32>, vector<16xi1> -> vector<16xf32>
      %reduce_sum3A_554 = vector.extract %reduce_sum3A_553[15] : f32 from vector<16xf32>
      %broadcast_in_dim3A_555 = vector.broadcast %reduce_sum3A_554 : f32 to vector<16xf32>
      %select_n3A_556 = arith.select %eq3A_544, %broadcast_in_dim3A_555, %select_n3A_484 : vector<16xi1>, vector<16xf32>
      %reduce_sum3A_557 = arith.constant true
      %reduce_sum3A_558 = vector.broadcast %reduce_sum3A_557 : i1 to vector<16xi1>
      %reduce_sum3A_559 = tpu.scan <sum>, %add3A_541 masked %reduce_sum3A_558 : vector<16xf32>, vector<16xi1> -> vector<16xf32>
      %reduce_sum3A_560 = vector.extract %reduce_sum3A_559[15] : f32 from vector<16xf32>
      %broadcast_in_dim3A_561 = vector.broadcast %reduce_sum3A_560 : f32 to vector<16xf32>
      %select_n3A_562 = arith.select %eq3A_544, %broadcast_in_dim3A_561, %select_n3A_490 : vector<16xi1>, vector<16xf32>
      %add3A_563 = arith.constant 5 : i32
      %add3A_564 = arith.addi %mul3A_200, %add3A_563 : i32
      %get3A_565 = arith.index_cast %add3A_564 : i32 to index
      %get3A_566 = arith.constant 0 : index
      %get3A_567 = tpu.vector_load %arg11[%get3A_565, %get3A_566] {strides = array<i32>} : memref<512x64xf32, #tpu.memory_space<vmem>>, vector<16xf32>,
      %get3A_568 = arith.index_cast %add3A_564 : i32 to index
      %get3A_569 = arith.constant 16 : index
      %get3A_570 = tpu.vector_load %arg11[%get3A_568, %get3A_569] {strides = array<i32>} : memref<512x64xf32, #tpu.memory_space<vmem>>, vector<16xf32>,
      %get3A_571 = arith.index_cast %add3A_564 : i32 to index
      %get3A_572 = arith.constant 32 : index
      %get3A_573 = tpu.vector_load %arg11[%get3A_571, %get3A_572] {strides = array<i32>} : memref<512x64xf32, #tpu.memory_space<vmem>>, vector<16xf32>,
      %get3A_574 = arith.index_cast %add3A_564 : i32 to index
      %get3A_575 = arith.constant 48 : index
      %get3A_576 = tpu.vector_load %arg11[%get3A_574, %get3A_575] {strides = array<i32>} : memref<512x64xf32, #tpu.memory_space<vmem>>, vector<16xf32>,
      %get3A_577 = arith.index_cast %add3A_564 : i32 to index
      %get3A_578 = arith.constant 0 : index
      %get3A_579 = tpu.vector_load %arg12[%get3A_577, %get3A_578] {strides = array<i32>} : memref<512x64xf32, #tpu.memory_space<vmem>>, vector<16xf32>,
      %get3A_580 = arith.index_cast %add3A_564 : i32 to index
      %get3A_581 = arith.constant 16 : index
      %get3A_582 = tpu.vector_load %arg12[%get3A_580, %get3A_581] {strides = array<i32>} : memref<512x64xf32, #tpu.memory_space<vmem>>, vector<16xf32>,
      %get3A_583 = arith.index_cast %add3A_564 : i32 to index
      %get3A_584 = arith.constant 32 : index
      %get3A_585 = tpu.vector_load %arg12[%get3A_583, %get3A_584] {strides = array<i32>} : memref<512x64xf32, #tpu.memory_space<vmem>>, vector<16xf32>,
      %get3A_586 = arith.index_cast %add3A_564 : i32 to index
      %get3A_587 = arith.constant 48 : index
      %get3A_588 = tpu.vector_load %arg12[%get3A_586, %get3A_587] {strides = array<i32>} : memref<512x64xf32, #tpu.memory_space<vmem>>, vector<16xf32>,
      %mul3A_589 = arith.mulf %get3A_567, %get3A_567 : vector<16xf32>
      %mul3A_590 = arith.mulf %get3A_579, %get3A_579 : vector<16xf32>
      %mul3A_591 = arith.mulf %get3A_567, %get3A_579 : vector<16xf32>
      %mul3A_592 = arith.mulf %mul3A_591, %get3A_184 : vector<16xf32>
      %mul3A_593 = arith.mulf %get3A_570, %get3A_570 : vector<16xf32>
      %add3A_594 = arith.addf %mul3A_589, %mul3A_593 : vector<16xf32>
      %mul3A_595 = arith.mulf %get3A_582, %get3A_582 : vector<16xf32>
      %add3A_596 = arith.addf %mul3A_590, %mul3A_595 : vector<16xf32>
      %mul3A_597 = arith.mulf %get3A_570, %get3A_582 : vector<16xf32>
      %mul3A_598 = arith.mulf %mul3A_597, %get3A_186 : vector<16xf32>
      %add3A_599 = arith.addf %mul3A_592, %mul3A_598 : vector<16xf32>
      %mul3A_600 = arith.mulf %get3A_573, %get3A_573 : vector<16xf32>
      %add3A_601 = arith.addf %add3A_594, %mul3A_600 : vector<16xf32>
      %mul3A_602 = arith.mulf %get3A_585, %get3A_585 : vector<16xf32>
      %add3A_603 = arith.addf %add3A_596, %mul3A_602 : vector<16xf32>
      %mul3A_604 = arith.mulf %get3A_573, %get3A_585 : vector<16xf32>
      %mul3A_605 = arith.mulf %mul3A_604, %get3A_188 : vector<16xf32>
      %add3A_606 = arith.addf %add3A_599, %mul3A_605 : vector<16xf32>
      %mul3A_607 = arith.mulf %get3A_576, %get3A_576 : vector<16xf32>
      %add3A_608 = arith.addf %add3A_601, %mul3A_607 : vector<16xf32>
      %mul3A_609 = arith.mulf %get3A_588, %get3A_588 : vector<16xf32>
      %add3A_610 = arith.addf %add3A_603, %mul3A_609 : vector<16xf32>
      %mul3A_611 = arith.mulf %get3A_576, %get3A_588 : vector<16xf32>
      %mul3A_612 = arith.mulf %mul3A_611, %get3A_190 : vector<16xf32>
      %add3A_613 = arith.addf %add3A_606, %mul3A_612 : vector<16xf32>
      %eq3A_614 = arith.constant 5 : i32
      %eq3A_615 = vector.broadcast %eq3A_614 : i32 to vector<16xi32>
      %eq3A_616 = arith.cmpi eq, %iota3A, %eq3A_615 : vector<16xi32>
      %reduce_sum3A_617 = arith.constant true
      %reduce_sum3A_618 = vector.broadcast %reduce_sum3A_617 : i1 to vector<16xi1>
      %reduce_sum3A_619 = tpu.scan <sum>, %add3A_608 masked %reduce_sum3A_618 : vector<16xf32>, vector<16xi1> -> vector<16xf32>
      %reduce_sum3A_620 = vector.extract %reduce_sum3A_619[15] : f32 from vector<16xf32>
      %broadcast_in_dim3A_621 = vector.broadcast %reduce_sum3A_620 : f32 to vector<16xf32>
      %select_n3A_622 = arith.select %eq3A_616, %broadcast_in_dim3A_621, %select_n3A_550 : vector<16xi1>, vector<16xf32>
      %reduce_sum3A_623 = arith.constant true
      %reduce_sum3A_624 = vector.broadcast %reduce_sum3A_623 : i1 to vector<16xi1>
      %reduce_sum3A_625 = tpu.scan <sum>, %add3A_610 masked %reduce_sum3A_624 : vector<16xf32>, vector<16xi1> -> vector<16xf32>
      %reduce_sum3A_626 = vector.extract %reduce_sum3A_625[15] : f32 from vector<16xf32>
      %broadcast_in_dim3A_627 = vector.broadcast %reduce_sum3A_626 : f32 to vector<16xf32>
      %select_n3A_628 = arith.select %eq3A_616, %broadcast_in_dim3A_627, %select_n3A_556 : vector<16xi1>, vector<16xf32>
      %reduce_sum3A_629 = arith.constant true
      %reduce_sum3A_630 = vector.broadcast %reduce_sum3A_629 : i1 to vector<16xi1>
      %reduce_sum3A_631 = tpu.scan <sum>, %add3A_613 masked %reduce_sum3A_630 : vector<16xf32>, vector<16xi1> -> vector<16xf32>
      %reduce_sum3A_632 = vector.extract %reduce_sum3A_631[15] : f32 from vector<16xf32>
      %broadcast_in_dim3A_633 = vector.broadcast %reduce_sum3A_632 : f32 to vector<16xf32>
      %select_n3A_634 = arith.select %eq3A_616, %broadcast_in_dim3A_633, %select_n3A_562 : vector<16xi1>, vector<16xf32>
      %add3A_635 = arith.constant 6 : i32
      %add3A_636 = arith.addi %mul3A_200, %add3A_635 : i32
      %get3A_637 = arith.index_cast %add3A_636 : i32 to index
      %get3A_638 = arith.constant 0 : index
      %get3A_639 = tpu.vector_load %arg11[%get3A_637, %get3A_638] {strides = array<i32>} : memref<512x64xf32, #tpu.memory_space<vmem>>, vector<16xf32>,
      %get3A_640 = arith.index_cast %add3A_636 : i32 to index
      %get3A_641 = arith.constant 16 : index
      %get3A_642 = tpu.vector_load %arg11[%get3A_640, %get3A_641] {strides = array<i32>} : memref<512x64xf32, #tpu.memory_space<vmem>>, vector<16xf32>,
      %get3A_643 = arith.index_cast %add3A_636 : i32 to index
      %get3A_644 = arith.constant 32 : index
      %get3A_645 = tpu.vector_load %arg11[%get3A_643, %get3A_644] {strides = array<i32>} : memref<512x64xf32, #tpu.memory_space<vmem>>, vector<16xf32>,
      %get3A_646 = arith.index_cast %add3A_636 : i32 to index
      %get3A_647 = arith.constant 48 : index
      %get3A_648 = tpu.vector_load %arg11[%get3A_646, %get3A_647] {strides = array<i32>} : memref<512x64xf32, #tpu.memory_space<vmem>>, vector<16xf32>,
      %get3A_649 = arith.index_cast %add3A_636 : i32 to index
      %get3A_650 = arith.constant 0 : index
      %get3A_651 = tpu.vector_load %arg12[%get3A_649, %get3A_650] {strides = array<i32>} : memref<512x64xf32, #tpu.memory_space<vmem>>, vector<16xf32>,
      %get3A_652 = arith.index_cast %add3A_636 : i32 to index
      %get3A_653 = arith.constant 16 : index
      %get3A_654 = tpu.vector_load %arg12[%get3A_652, %get3A_653] {strides = array<i32>} : memref<512x64xf32, #tpu.memory_space<vmem>>, vector<16xf32>,
      %get3A_655 = arith.index_cast %add3A_636 : i32 to index
      %get3A_656 = arith.constant 32 : index
      %get3A_657 = tpu.vector_load %arg12[%get3A_655, %get3A_656] {strides = array<i32>} : memref<512x64xf32, #tpu.memory_space<vmem>>, vector<16xf32>,
      %get3A_658 = arith.index_cast %add3A_636 : i32 to index
      %get3A_659 = arith.constant 48 : index
      %get3A_660 = tpu.vector_load %arg12[%get3A_658, %get3A_659] {strides = array<i32>} : memref<512x64xf32, #tpu.memory_space<vmem>>, vector<16xf32>,
      %mul3A_661 = arith.mulf %get3A_639, %get3A_639 : vector<16xf32>
      %mul3A_662 = arith.mulf %get3A_651, %get3A_651 : vector<16xf32>
      %mul3A_663 = arith.mulf %get3A_639, %get3A_651 : vector<16xf32>
      %mul3A_664 = arith.mulf %mul3A_663, %get3A_184 : vector<16xf32>
      %mul3A_665 = arith.mulf %get3A_642, %get3A_642 : vector<16xf32>
      %add3A_666 = arith.addf %mul3A_661, %mul3A_665 : vector<16xf32>
      %mul3A_667 = arith.mulf %get3A_654, %get3A_654 : vector<16xf32>
      %add3A_668 = arith.addf %mul3A_662, %mul3A_667 : vector<16xf32>
      %mul3A_669 = arith.mulf %get3A_642, %get3A_654 : vector<16xf32>
      %mul3A_670 = arith.mulf %mul3A_669, %get3A_186 : vector<16xf32>
      %add3A_671 = arith.addf %mul3A_664, %mul3A_670 : vector<16xf32>
      %mul3A_672 = arith.mulf %get3A_645, %get3A_645 : vector<16xf32>
      %add3A_673 = arith.addf %add3A_666, %mul3A_672 : vector<16xf32>
      %mul3A_674 = arith.mulf %get3A_657, %get3A_657 : vector<16xf32>
      %add3A_675 = arith.addf %add3A_668, %mul3A_674 : vector<16xf32>
      %mul3A_676 = arith.mulf %get3A_645, %get3A_657 : vector<16xf32>
      %mul3A_677 = arith.mulf %mul3A_676, %get3A_188 : vector<16xf32>
      %add3A_678 = arith.addf %add3A_671, %mul3A_677 : vector<16xf32>
      %mul3A_679 = arith.mulf %get3A_648, %get3A_648 : vector<16xf32>
      %add3A_680 = arith.addf %add3A_673, %mul3A_679 : vector<16xf32>
      %mul3A_681 = arith.mulf %get3A_660, %get3A_660 : vector<16xf32>
      %add3A_682 = arith.addf %add3A_675, %mul3A_681 : vector<16xf32>
      %mul3A_683 = arith.mulf %get3A_648, %get3A_660 : vector<16xf32>
      %mul3A_684 = arith.mulf %mul3A_683, %get3A_190 : vector<16xf32>
      %add3A_685 = arith.addf %add3A_678, %mul3A_684 : vector<16xf32>
      %eq3A_686 = arith.constant 6 : i32
      %eq3A_687 = vector.broadcast %eq3A_686 : i32 to vector<16xi32>
      %eq3A_688 = arith.cmpi eq, %iota3A, %eq3A_687 : vector<16xi32>
      %reduce_sum3A_689 = arith.constant true
      %reduce_sum3A_690 = vector.broadcast %reduce_sum3A_689 : i1 to vector<16xi1>
      %reduce_sum3A_691 = tpu.scan <sum>, %add3A_680 masked %reduce_sum3A_690 : vector<16xf32>, vector<16xi1> -> vector<16xf32>
      %reduce_sum3A_692 = vector.extract %reduce_sum3A_691[15] : f32 from vector<16xf32>
      %broadcast_in_dim3A_693 = vector.broadcast %reduce_sum3A_692 : f32 to vector<16xf32>
      %select_n3A_694 = arith.select %eq3A_688, %broadcast_in_dim3A_693, %select_n3A_622 : vector<16xi1>, vector<16xf32>
      %reduce_sum3A_695 = arith.constant true
      %reduce_sum3A_696 = vector.broadcast %reduce_sum3A_695 : i1 to vector<16xi1>
      %reduce_sum3A_697 = tpu.scan <sum>, %add3A_682 masked %reduce_sum3A_696 : vector<16xf32>, vector<16xi1> -> vector<16xf32>
      %reduce_sum3A_698 = vector.extract %reduce_sum3A_697[15] : f32 from vector<16xf32>
      %broadcast_in_dim3A_699 = vector.broadcast %reduce_sum3A_698 : f32 to vector<16xf32>
      %select_n3A_700 = arith.select %eq3A_688, %broadcast_in_dim3A_699, %select_n3A_628 : vector<16xi1>, vector<16xf32>
      %reduce_sum3A_701 = arith.constant true
      %reduce_sum3A_702 = vector.broadcast %reduce_sum3A_701 : i1 to vector<16xi1>
      %reduce_sum3A_703 = tpu.scan <sum>, %add3A_685 masked %reduce_sum3A_702 : vector<16xf32>, vector<16xi1> -> vector<16xf32>
      %reduce_sum3A_704 = vector.extract %reduce_sum3A_703[15] : f32 from vector<16xf32>
      %broadcast_in_dim3A_705 = vector.broadcast %reduce_sum3A_704 : f32 to vector<16xf32>
      %select_n3A_706 = arith.select %eq3A_688, %broadcast_in_dim3A_705, %select_n3A_634 : vector<16xi1>, vector<16xf32>
      %add3A_707 = arith.constant 7 : i32
      %add3A_708 = arith.addi %mul3A_200, %add3A_707 : i32
      %get3A_709 = arith.index_cast %add3A_708 : i32 to index
      %get3A_710 = arith.constant 0 : index
      %get3A_711 = tpu.vector_load %arg11[%get3A_709, %get3A_710] {strides = array<i32>} : memref<512x64xf32, #tpu.memory_space<vmem>>, vector<16xf32>,
      %get3A_712 = arith.index_cast %add3A_708 : i32 to index
      %get3A_713 = arith.constant 16 : index
      %get3A_714 = tpu.vector_load %arg11[%get3A_712, %get3A_713] {strides = array<i32>} : memref<512x64xf32, #tpu.memory_space<vmem>>, vector<16xf32>,
      %get3A_715 = arith.index_cast %add3A_708 : i32 to index
      %get3A_716 = arith.constant 32 : index
      %get3A_717 = tpu.vector_load %arg11[%get3A_715, %get3A_716] {strides = array<i32>} : memref<512x64xf32, #tpu.memory_space<vmem>>, vector<16xf32>,
      %get3A_718 = arith.index_cast %add3A_708 : i32 to index
      %get3A_719 = arith.constant 48 : index
      %get3A_720 = tpu.vector_load %arg11[%get3A_718, %get3A_719] {strides = array<i32>} : memref<512x64xf32, #tpu.memory_space<vmem>>, vector<16xf32>,
      %get3A_721 = arith.index_cast %add3A_708 : i32 to index
      %get3A_722 = arith.constant 0 : index
      %get3A_723 = tpu.vector_load %arg12[%get3A_721, %get3A_722] {strides = array<i32>} : memref<512x64xf32, #tpu.memory_space<vmem>>, vector<16xf32>,
      %get3A_724 = arith.index_cast %add3A_708 : i32 to index
      %get3A_725 = arith.constant 16 : index
      %get3A_726 = tpu.vector_load %arg12[%get3A_724, %get3A_725] {strides = array<i32>} : memref<512x64xf32, #tpu.memory_space<vmem>>, vector<16xf32>,
      %get3A_727 = arith.index_cast %add3A_708 : i32 to index
      %get3A_728 = arith.constant 32 : index
      %get3A_729 = tpu.vector_load %arg12[%get3A_727, %get3A_728] {strides = array<i32>} : memref<512x64xf32, #tpu.memory_space<vmem>>, vector<16xf32>,
      %get3A_730 = arith.index_cast %add3A_708 : i32 to index
      %get3A_731 = arith.constant 48 : index
      %get3A_732 = tpu.vector_load %arg12[%get3A_730, %get3A_731] {strides = array<i32>} : memref<512x64xf32, #tpu.memory_space<vmem>>, vector<16xf32>,
      %mul3A_733 = arith.mulf %get3A_711, %get3A_711 : vector<16xf32>
      %mul3A_734 = arith.mulf %get3A_723, %get3A_723 : vector<16xf32>
      %mul3A_735 = arith.mulf %get3A_711, %get3A_723 : vector<16xf32>
      %mul3A_736 = arith.mulf %mul3A_735, %get3A_184 : vector<16xf32>
      %mul3A_737 = arith.mulf %get3A_714, %get3A_714 : vector<16xf32>
      %add3A_738 = arith.addf %mul3A_733, %mul3A_737 : vector<16xf32>
      %mul3A_739 = arith.mulf %get3A_726, %get3A_726 : vector<16xf32>
      %add3A_740 = arith.addf %mul3A_734, %mul3A_739 : vector<16xf32>
      %mul3A_741 = arith.mulf %get3A_714, %get3A_726 : vector<16xf32>
      %mul3A_742 = arith.mulf %mul3A_741, %get3A_186 : vector<16xf32>
      %add3A_743 = arith.addf %mul3A_736, %mul3A_742 : vector<16xf32>
      %mul3A_744 = arith.mulf %get3A_717, %get3A_717 : vector<16xf32>
      %add3A_745 = arith.addf %add3A_738, %mul3A_744 : vector<16xf32>
      %mul3A_746 = arith.mulf %get3A_729, %get3A_729 : vector<16xf32>
      %add3A_747 = arith.addf %add3A_740, %mul3A_746 : vector<16xf32>
      %mul3A_748 = arith.mulf %get3A_717, %get3A_729 : vector<16xf32>
      %mul3A_749 = arith.mulf %mul3A_748, %get3A_188 : vector<16xf32>
      %add3A_750 = arith.addf %add3A_743, %mul3A_749 : vector<16xf32>
      %mul3A_751 = arith.mulf %get3A_720, %get3A_720 : vector<16xf32>
      %add3A_752 = arith.addf %add3A_745, %mul3A_751 : vector<16xf32>
      %mul3A_753 = arith.mulf %get3A_732, %get3A_732 : vector<16xf32>
      %add3A_754 = arith.addf %add3A_747, %mul3A_753 : vector<16xf32>
      %mul3A_755 = arith.mulf %get3A_720, %get3A_732 : vector<16xf32>
      %mul3A_756 = arith.mulf %mul3A_755, %get3A_190 : vector<16xf32>
      %add3A_757 = arith.addf %add3A_750, %mul3A_756 : vector<16xf32>
      %eq3A_758 = arith.constant 7 : i32
      %eq3A_759 = vector.broadcast %eq3A_758 : i32 to vector<16xi32>
      %eq3A_760 = arith.cmpi eq, %iota3A, %eq3A_759 : vector<16xi32>
      %reduce_sum3A_761 = arith.constant true
      %reduce_sum3A_762 = vector.broadcast %reduce_sum3A_761 : i1 to vector<16xi1>
      %reduce_sum3A_763 = tpu.scan <sum>, %add3A_752 masked %reduce_sum3A_762 : vector<16xf32>, vector<16xi1> -> vector<16xf32>
      %reduce_sum3A_764 = vector.extract %reduce_sum3A_763[15] : f32 from vector<16xf32>
      %broadcast_in_dim3A_765 = vector.broadcast %reduce_sum3A_764 : f32 to vector<16xf32>
      %select_n3A_766 = arith.select %eq3A_760, %broadcast_in_dim3A_765, %select_n3A_694 : vector<16xi1>, vector<16xf32>
      %reduce_sum3A_767 = arith.constant true
      %reduce_sum3A_768 = vector.broadcast %reduce_sum3A_767 : i1 to vector<16xi1>
      %reduce_sum3A_769 = tpu.scan <sum>, %add3A_754 masked %reduce_sum3A_768 : vector<16xf32>, vector<16xi1> -> vector<16xf32>
      %reduce_sum3A_770 = vector.extract %reduce_sum3A_769[15] : f32 from vector<16xf32>
      %broadcast_in_dim3A_771 = vector.broadcast %reduce_sum3A_770 : f32 to vector<16xf32>
      %select_n3A_772 = arith.select %eq3A_760, %broadcast_in_dim3A_771, %select_n3A_700 : vector<16xi1>, vector<16xf32>
      %reduce_sum3A_773 = arith.constant true
      %reduce_sum3A_774 = vector.broadcast %reduce_sum3A_773 : i1 to vector<16xi1>
      %reduce_sum3A_775 = tpu.scan <sum>, %add3A_757 masked %reduce_sum3A_774 : vector<16xf32>, vector<16xi1> -> vector<16xf32>
      %reduce_sum3A_776 = vector.extract %reduce_sum3A_775[15] : f32 from vector<16xf32>
      %broadcast_in_dim3A_777 = vector.broadcast %reduce_sum3A_776 : f32 to vector<16xf32>
      %select_n3A_778 = arith.select %eq3A_760, %broadcast_in_dim3A_777, %select_n3A_706 : vector<16xi1>, vector<16xf32>
      %add3A_779 = arith.constant 8 : i32
      %add3A_780 = arith.addi %mul3A_200, %add3A_779 : i32
      %get3A_781 = arith.index_cast %add3A_780 : i32 to index
      %get3A_782 = arith.constant 0 : index
      %get3A_783 = tpu.vector_load %arg11[%get3A_781, %get3A_782] {strides = array<i32>} : memref<512x64xf32, #tpu.memory_space<vmem>>, vector<16xf32>,
      %get3A_784 = arith.index_cast %add3A_780 : i32 to index
      %get3A_785 = arith.constant 16 : index
      %get3A_786 = tpu.vector_load %arg11[%get3A_784, %get3A_785] {strides = array<i32>} : memref<512x64xf32, #tpu.memory_space<vmem>>, vector<16xf32>,
      %get3A_787 = arith.index_cast %add3A_780 : i32 to index
      %get3A_788 = arith.constant 32 : index
      %get3A_789 = tpu.vector_load %arg11[%get3A_787, %get3A_788] {strides = array<i32>} : memref<512x64xf32, #tpu.memory_space<vmem>>, vector<16xf32>,
      %get3A_790 = arith.index_cast %add3A_780 : i32 to index
      %get3A_791 = arith.constant 48 : index
      %get3A_792 = tpu.vector_load %arg11[%get3A_790, %get3A_791] {strides = array<i32>} : memref<512x64xf32, #tpu.memory_space<vmem>>, vector<16xf32>,
      %get3A_793 = arith.index_cast %add3A_780 : i32 to index
      %get3A_794 = arith.constant 0 : index
      %get3A_795 = tpu.vector_load %arg12[%get3A_793, %get3A_794] {strides = array<i32>} : memref<512x64xf32, #tpu.memory_space<vmem>>, vector<16xf32>,
      %get3A_796 = arith.index_cast %add3A_780 : i32 to index
      %get3A_797 = arith.constant 16 : index
      %get3A_798 = tpu.vector_load %arg12[%get3A_796, %get3A_797] {strides = array<i32>} : memref<512x64xf32, #tpu.memory_space<vmem>>, vector<16xf32>,
      %get3A_799 = arith.index_cast %add3A_780 : i32 to index
      %get3A_800 = arith.constant 32 : index
      %get3A_801 = tpu.vector_load %arg12[%get3A_799, %get3A_800] {strides = array<i32>} : memref<512x64xf32, #tpu.memory_space<vmem>>, vector<16xf32>,
      %get3A_802 = arith.index_cast %add3A_780 : i32 to index
      %get3A_803 = arith.constant 48 : index
      %get3A_804 = tpu.vector_load %arg12[%get3A_802, %get3A_803] {strides = array<i32>} : memref<512x64xf32, #tpu.memory_space<vmem>>, vector<16xf32>,
      %mul3A_805 = arith.mulf %get3A_783, %get3A_783 : vector<16xf32>
      %mul3A_806 = arith.mulf %get3A_795, %get3A_795 : vector<16xf32>
      %mul3A_807 = arith.mulf %get3A_783, %get3A_795 : vector<16xf32>
      %mul3A_808 = arith.mulf %mul3A_807, %get3A_184 : vector<16xf32>
      %mul3A_809 = arith.mulf %get3A_786, %get3A_786 : vector<16xf32>
      %add3A_810 = arith.addf %mul3A_805, %mul3A_809 : vector<16xf32>
      %mul3A_811 = arith.mulf %get3A_798, %get3A_798 : vector<16xf32>
      %add3A_812 = arith.addf %mul3A_806, %mul3A_811 : vector<16xf32>
      %mul3A_813 = arith.mulf %get3A_786, %get3A_798 : vector<16xf32>
      %mul3A_814 = arith.mulf %mul3A_813, %get3A_186 : vector<16xf32>
      %add3A_815 = arith.addf %mul3A_808, %mul3A_814 : vector<16xf32>
      %mul3A_816 = arith.mulf %get3A_789, %get3A_789 : vector<16xf32>
      %add3A_817 = arith.addf %add3A_810, %mul3A_816 : vector<16xf32>
      %mul3A_818 = arith.mulf %get3A_801, %get3A_801 : vector<16xf32>
      %add3A_819 = arith.addf %add3A_812, %mul3A_818 : vector<16xf32>
      %mul3A_820 = arith.mulf %get3A_789, %get3A_801 : vector<16xf32>
      %mul3A_821 = arith.mulf %mul3A_820, %get3A_188 : vector<16xf32>
      %add3A_822 = arith.addf %add3A_815, %mul3A_821 : vector<16xf32>
      %mul3A_823 = arith.mulf %get3A_792, %get3A_792 : vector<16xf32>
      %add3A_824 = arith.addf %add3A_817, %mul3A_823 : vector<16xf32>
      %mul3A_825 = arith.mulf %get3A_804, %get3A_804 : vector<16xf32>
      %add3A_826 = arith.addf %add3A_819, %mul3A_825 : vector<16xf32>
      %mul3A_827 = arith.mulf %get3A_792, %get3A_804 : vector<16xf32>
      %mul3A_828 = arith.mulf %mul3A_827, %get3A_190 : vector<16xf32>
      %add3A_829 = arith.addf %add3A_822, %mul3A_828 : vector<16xf32>
      %eq3A_830 = arith.constant 8 : i32
      %eq3A_831 = vector.broadcast %eq3A_830 : i32 to vector<16xi32>
      %eq3A_832 = arith.cmpi eq, %iota3A, %eq3A_831 : vector<16xi32>
      %reduce_sum3A_833 = arith.constant true
      %reduce_sum3A_834 = vector.broadcast %reduce_sum3A_833 : i1 to vector<16xi1>
      %reduce_sum3A_835 = tpu.scan <sum>, %add3A_824 masked %reduce_sum3A_834 : vector<16xf32>, vector<16xi1> -> vector<16xf32>
      %reduce_sum3A_836 = vector.extract %reduce_sum3A_835[15] : f32 from vector<16xf32>
      %broadcast_in_dim3A_837 = vector.broadcast %reduce_sum3A_836 : f32 to vector<16xf32>
      %select_n3A_838 = arith.select %eq3A_832, %broadcast_in_dim3A_837, %select_n3A_766 : vector<16xi1>, vector<16xf32>
      %reduce_sum3A_839 = arith.constant true
      %reduce_sum3A_840 = vector.broadcast %reduce_sum3A_839 : i1 to vector<16xi1>
      %reduce_sum3A_841 = tpu.scan <sum>, %add3A_826 masked %reduce_sum3A_840 : vector<16xf32>, vector<16xi1> -> vector<16xf32>
      %reduce_sum3A_842 = vector.extract %reduce_sum3A_841[15] : f32 from vector<16xf32>
      %broadcast_in_dim3A_843 = vector.broadcast %reduce_sum3A_842 : f32 to vector<16xf32>
      %select_n3A_844 = arith.select %eq3A_832, %broadcast_in_dim3A_843, %select_n3A_772 : vector<16xi1>, vector<16xf32>
      %reduce_sum3A_845 = arith.constant true
      %reduce_sum3A_846 = vector.broadcast %reduce_sum3A_845 : i1 to vector<16xi1>
      %reduce_sum3A_847 = tpu.scan <sum>, %add3A_829 masked %reduce_sum3A_846 : vector<16xf32>, vector<16xi1> -> vector<16xf32>
      %reduce_sum3A_848 = vector.extract %reduce_sum3A_847[15] : f32 from vector<16xf32>
      %broadcast_in_dim3A_849 = vector.broadcast %reduce_sum3A_848 : f32 to vector<16xf32>
      %select_n3A_850 = arith.select %eq3A_832, %broadcast_in_dim3A_849, %select_n3A_778 : vector<16xi1>, vector<16xf32>
      %add3A_851 = arith.constant 9 : i32
      %add3A_852 = arith.addi %mul3A_200, %add3A_851 : i32
      %get3A_853 = arith.index_cast %add3A_852 : i32 to index
      %get3A_854 = arith.constant 0 : index
      %get3A_855 = tpu.vector_load %arg11[%get3A_853, %get3A_854] {strides = array<i32>} : memref<512x64xf32, #tpu.memory_space<vmem>>, vector<16xf32>,
      %get3A_856 = arith.index_cast %add3A_852 : i32 to index
      %get3A_857 = arith.constant 16 : index
      %get3A_858 = tpu.vector_load %arg11[%get3A_856, %get3A_857] {strides = array<i32>} : memref<512x64xf32, #tpu.memory_space<vmem>>, vector<16xf32>,
      %get3A_859 = arith.index_cast %add3A_852 : i32 to index
      %get3A_860 = arith.constant 32 : index
      %get3A_861 = tpu.vector_load %arg11[%get3A_859, %get3A_860] {strides = array<i32>} : memref<512x64xf32, #tpu.memory_space<vmem>>, vector<16xf32>,
      %get3A_862 = arith.index_cast %add3A_852 : i32 to index
      %get3A_863 = arith.constant 48 : index
      %get3A_864 = tpu.vector_load %arg11[%get3A_862, %get3A_863] {strides = array<i32>} : memref<512x64xf32, #tpu.memory_space<vmem>>, vector<16xf32>,
      %get3A_865 = arith.index_cast %add3A_852 : i32 to index
      %get3A_866 = arith.constant 0 : index
      %get3A_867 = tpu.vector_load %arg12[%get3A_865, %get3A_866] {strides = array<i32>} : memref<512x64xf32, #tpu.memory_space<vmem>>, vector<16xf32>,
      %get3A_868 = arith.index_cast %add3A_852 : i32 to index
      %get3A_869 = arith.constant 16 : index
      %get3A_870 = tpu.vector_load %arg12[%get3A_868, %get3A_869] {strides = array<i32>} : memref<512x64xf32, #tpu.memory_space<vmem>>, vector<16xf32>,
      %get3A_871 = arith.index_cast %add3A_852 : i32 to index
      %get3A_872 = arith.constant 32 : index
      %get3A_873 = tpu.vector_load %arg12[%get3A_871, %get3A_872] {strides = array<i32>} : memref<512x64xf32, #tpu.memory_space<vmem>>, vector<16xf32>,
      %get3A_874 = arith.index_cast %add3A_852 : i32 to index
      %get3A_875 = arith.constant 48 : index
      %get3A_876 = tpu.vector_load %arg12[%get3A_874, %get3A_875] {strides = array<i32>} : memref<512x64xf32, #tpu.memory_space<vmem>>, vector<16xf32>,
      %mul3A_877 = arith.mulf %get3A_855, %get3A_855 : vector<16xf32>
      %mul3A_878 = arith.mulf %get3A_867, %get3A_867 : vector<16xf32>
      %mul3A_879 = arith.mulf %get3A_855, %get3A_867 : vector<16xf32>
      %mul3A_880 = arith.mulf %mul3A_879, %get3A_184 : vector<16xf32>
      %mul3A_881 = arith.mulf %get3A_858, %get3A_858 : vector<16xf32>
      %add3A_882 = arith.addf %mul3A_877, %mul3A_881 : vector<16xf32>
      %mul3A_883 = arith.mulf %get3A_870, %get3A_870 : vector<16xf32>
      %add3A_884 = arith.addf %mul3A_878, %mul3A_883 : vector<16xf32>
      %mul3A_885 = arith.mulf %get3A_858, %get3A_870 : vector<16xf32>
      %mul3A_886 = arith.mulf %mul3A_885, %get3A_186 : vector<16xf32>
      %add3A_887 = arith.addf %mul3A_880, %mul3A_886 : vector<16xf32>
      %mul3A_888 = arith.mulf %get3A_861, %get3A_861 : vector<16xf32>
      %add3A_889 = arith.addf %add3A_882, %mul3A_888 : vector<16xf32>
      %mul3A_890 = arith.mulf %get3A_873, %get3A_873 : vector<16xf32>
      %add3A_891 = arith.addf %add3A_884, %mul3A_890 : vector<16xf32>
      %mul3A_892 = arith.mulf %get3A_861, %get3A_873 : vector<16xf32>
      %mul3A_893 = arith.mulf %mul3A_892, %get3A_188 : vector<16xf32>
      %add3A_894 = arith.addf %add3A_887, %mul3A_893 : vector<16xf32>
      %mul3A_895 = arith.mulf %get3A_864, %get3A_864 : vector<16xf32>
      %add3A_896 = arith.addf %add3A_889, %mul3A_895 : vector<16xf32>
      %mul3A_897 = arith.mulf %get3A_876, %get3A_876 : vector<16xf32>
      %add3A_898 = arith.addf %add3A_891, %mul3A_897 : vector<16xf32>
      %mul3A_899 = arith.mulf %get3A_864, %get3A_876 : vector<16xf32>
      %mul3A_900 = arith.mulf %mul3A_899, %get3A_190 : vector<16xf32>
      %add3A_901 = arith.addf %add3A_894, %mul3A_900 : vector<16xf32>
      %eq3A_902 = arith.constant 9 : i32
      %eq3A_903 = vector.broadcast %eq3A_902 : i32 to vector<16xi32>
      %eq3A_904 = arith.cmpi eq, %iota3A, %eq3A_903 : vector<16xi32>
      %reduce_sum3A_905 = arith.constant true
      %reduce_sum3A_906 = vector.broadcast %reduce_sum3A_905 : i1 to vector<16xi1>
      %reduce_sum3A_907 = tpu.scan <sum>, %add3A_896 masked %reduce_sum3A_906 : vector<16xf32>, vector<16xi1> -> vector<16xf32>
      %reduce_sum3A_908 = vector.extract %reduce_sum3A_907[15] : f32 from vector<16xf32>
      %broadcast_in_dim3A_909 = vector.broadcast %reduce_sum3A_908 : f32 to vector<16xf32>
      %select_n3A_910 = arith.select %eq3A_904, %broadcast_in_dim3A_909, %select_n3A_838 : vector<16xi1>, vector<16xf32>
      %reduce_sum3A_911 = arith.constant true
      %reduce_sum3A_912 = vector.broadcast %reduce_sum3A_911 : i1 to vector<16xi1>
      %reduce_sum3A_913 = tpu.scan <sum>, %add3A_898 masked %reduce_sum3A_912 : vector<16xf32>, vector<16xi1> -> vector<16xf32>
      %reduce_sum3A_914 = vector.extract %reduce_sum3A_913[15] : f32 from vector<16xf32>
      %broadcast_in_dim3A_915 = vector.broadcast %reduce_sum3A_914 : f32 to vector<16xf32>
      %select_n3A_916 = arith.select %eq3A_904, %broadcast_in_dim3A_915, %select_n3A_844 : vector<16xi1>, vector<16xf32>
      %reduce_sum3A_917 = arith.constant true
      %reduce_sum3A_918 = vector.broadcast %reduce_sum3A_917 : i1 to vector<16xi1>
      %reduce_sum3A_919 = tpu.scan <sum>, %add3A_901 masked %reduce_sum3A_918 : vector<16xf32>, vector<16xi1> -> vector<16xf32>
      %reduce_sum3A_920 = vector.extract %reduce_sum3A_919[15] : f32 from vector<16xf32>
      %broadcast_in_dim3A_921 = vector.broadcast %reduce_sum3A_920 : f32 to vector<16xf32>
      %select_n3A_922 = arith.select %eq3A_904, %broadcast_in_dim3A_921, %select_n3A_850 : vector<16xi1>, vector<16xf32>
      %add3A_923 = arith.constant 10 : i32
      %add3A_924 = arith.addi %mul3A_200, %add3A_923 : i32
      %get3A_925 = arith.index_cast %add3A_924 : i32 to index
      %get3A_926 = arith.constant 0 : index
      %get3A_927 = tpu.vector_load %arg11[%get3A_925, %get3A_926] {strides = array<i32>} : memref<512x64xf32, #tpu.memory_space<vmem>>, vector<16xf32>,
      %get3A_928 = arith.index_cast %add3A_924 : i32 to index
      %get3A_929 = arith.constant 16 : index
      %get3A_930 = tpu.vector_load %arg11[%get3A_928, %get3A_929] {strides = array<i32>} : memref<512x64xf32, #tpu.memory_space<vmem>>, vector<16xf32>,
      %get3A_931 = arith.index_cast %add3A_924 : i32 to index
      %get3A_932 = arith.constant 32 : index
      %get3A_933 = tpu.vector_load %arg11[%get3A_931, %get3A_932] {strides = array<i32>} : memref<512x64xf32, #tpu.memory_space<vmem>>, vector<16xf32>,
      %get3A_934 = arith.index_cast %add3A_924 : i32 to index
      %get3A_935 = arith.constant 48 : index
      %get3A_936 = tpu.vector_load %arg11[%get3A_934, %get3A_935] {strides = array<i32>} : memref<512x64xf32, #tpu.memory_space<vmem>>, vector<16xf32>,
      %get3A_937 = arith.index_cast %add3A_924 : i32 to index
      %get3A_938 = arith.constant 0 : index
      %get3A_939 = tpu.vector_load %arg12[%get3A_937, %get3A_938] {strides = array<i32>} : memref<512x64xf32, #tpu.memory_space<vmem>>, vector<16xf32>,
      %get3A_940 = arith.index_cast %add3A_924 : i32 to index
      %get3A_941 = arith.constant 16 : index
      %get3A_942 = tpu.vector_load %arg12[%get3A_940, %get3A_941] {strides = array<i32>} : memref<512x64xf32, #tpu.memory_space<vmem>>, vector<16xf32>,
      %get3A_943 = arith.index_cast %add3A_924 : i32 to index
      %get3A_944 = arith.constant 32 : index
      %get3A_945 = tpu.vector_load %arg12[%get3A_943, %get3A_944] {strides = array<i32>} : memref<512x64xf32, #tpu.memory_space<vmem>>, vector<16xf32>,
      %get3A_946 = arith.index_cast %add3A_924 : i32 to index
      %get3A_947 = arith.constant 48 : index
      %get3A_948 = tpu.vector_load %arg12[%get3A_946, %get3A_947] {strides = array<i32>} : memref<512x64xf32, #tpu.memory_space<vmem>>, vector<16xf32>,
      %mul3A_949 = arith.mulf %get3A_927, %get3A_927 : vector<16xf32>
      %mul3A_950 = arith.mulf %get3A_939, %get3A_939 : vector<16xf32>
      %mul3A_951 = arith.mulf %get3A_927, %get3A_939 : vector<16xf32>
      %mul3A_952 = arith.mulf %mul3A_951, %get3A_184 : vector<16xf32>
      %mul3A_953 = arith.mulf %get3A_930, %get3A_930 : vector<16xf32>
      %add3A_954 = arith.addf %mul3A_949, %mul3A_953 : vector<16xf32>
      %mul3A_955 = arith.mulf %get3A_942, %get3A_942 : vector<16xf32>
      %add3A_956 = arith.addf %mul3A_950, %mul3A_955 : vector<16xf32>
      %mul3A_957 = arith.mulf %get3A_930, %get3A_942 : vector<16xf32>
      %mul3A_958 = arith.mulf %mul3A_957, %get3A_186 : vector<16xf32>
      %add3A_959 = arith.addf %mul3A_952, %mul3A_958 : vector<16xf32>
      %mul3A_960 = arith.mulf %get3A_933, %get3A_933 : vector<16xf32>
      %add3A_961 = arith.addf %add3A_954, %mul3A_960 : vector<16xf32>
      %mul3A_962 = arith.mulf %get3A_945, %get3A_945 : vector<16xf32>
      %add3A_963 = arith.addf %add3A_956, %mul3A_962 : vector<16xf32>
      %mul3A_964 = arith.mulf %get3A_933, %get3A_945 : vector<16xf32>
      %mul3A_965 = arith.mulf %mul3A_964, %get3A_188 : vector<16xf32>
      %add3A_966 = arith.addf %add3A_959, %mul3A_965 : vector<16xf32>
      %mul3A_967 = arith.mulf %get3A_936, %get3A_936 : vector<16xf32>
      %add3A_968 = arith.addf %add3A_961, %mul3A_967 : vector<16xf32>
      %mul3A_969 = arith.mulf %get3A_948, %get3A_948 : vector<16xf32>
      %add3A_970 = arith.addf %add3A_963, %mul3A_969 : vector<16xf32>
      %mul3A_971 = arith.mulf %get3A_936, %get3A_948 : vector<16xf32>
      %mul3A_972 = arith.mulf %mul3A_971, %get3A_190 : vector<16xf32>
      %add3A_973 = arith.addf %add3A_966, %mul3A_972 : vector<16xf32>
      %eq3A_974 = arith.constant 10 : i32
      %eq3A_975 = vector.broadcast %eq3A_974 : i32 to vector<16xi32>
      %eq3A_976 = arith.cmpi eq, %iota3A, %eq3A_975 : vector<16xi32>
      %reduce_sum3A_977 = arith.constant true
      %reduce_sum3A_978 = vector.broadcast %reduce_sum3A_977 : i1 to vector<16xi1>
      %reduce_sum3A_979 = tpu.scan <sum>, %add3A_968 masked %reduce_sum3A_978 : vector<16xf32>, vector<16xi1> -> vector<16xf32>
      %reduce_sum3A_980 = vector.extract %reduce_sum3A_979[15] : f32 from vector<16xf32>
      %broadcast_in_dim3A_981 = vector.broadcast %reduce_sum3A_980 : f32 to vector<16xf32>
      %select_n3A_982 = arith.select %eq3A_976, %broadcast_in_dim3A_981, %select_n3A_910 : vector<16xi1>, vector<16xf32>
      %reduce_sum3A_983 = arith.constant true
      %reduce_sum3A_984 = vector.broadcast %reduce_sum3A_983 : i1 to vector<16xi1>
      %reduce_sum3A_985 = tpu.scan <sum>, %add3A_970 masked %reduce_sum3A_984 : vector<16xf32>, vector<16xi1> -> vector<16xf32>
      %reduce_sum3A_986 = vector.extract %reduce_sum3A_985[15] : f32 from vector<16xf32>
      %broadcast_in_dim3A_987 = vector.broadcast %reduce_sum3A_986 : f32 to vector<16xf32>
      %select_n3A_988 = arith.select %eq3A_976, %broadcast_in_dim3A_987, %select_n3A_916 : vector<16xi1>, vector<16xf32>
      %reduce_sum3A_989 = arith.constant true
      %reduce_sum3A_990 = vector.broadcast %reduce_sum3A_989 : i1 to vector<16xi1>
      %reduce_sum3A_991 = tpu.scan <sum>, %add3A_973 masked %reduce_sum3A_990 : vector<16xf32>, vector<16xi1> -> vector<16xf32>
      %reduce_sum3A_992 = vector.extract %reduce_sum3A_991[15] : f32 from vector<16xf32>
      %broadcast_in_dim3A_993 = vector.broadcast %reduce_sum3A_992 : f32 to vector<16xf32>
      %select_n3A_994 = arith.select %eq3A_976, %broadcast_in_dim3A_993, %select_n3A_922 : vector<16xi1>, vector<16xf32>
      %add3A_995 = arith.constant 11 : i32
      %add3A_996 = arith.addi %mul3A_200, %add3A_995 : i32
      %get3A_997 = arith.index_cast %add3A_996 : i32 to index
      %get3A_998 = arith.constant 0 : index
      %get3A_999 = tpu.vector_load %arg11[%get3A_997, %get3A_998] {strides = array<i32>} : memref<512x64xf32, #tpu.memory_space<vmem>>, vector<16xf32>,
      %get3A_1000 = arith.index_cast %add3A_996 : i32 to index
      %get3A_1001 = arith.constant 16 : index
      %get3A_1002 = tpu.vector_load %arg11[%get3A_1000, %get3A_1001] {strides = array<i32>} : memref<512x64xf32, #tpu.memory_space<vmem>>, vector<16xf32>,
      %get3A_1003 = arith.index_cast %add3A_996 : i32 to index
      %get3A_1004 = arith.constant 32 : index
      %get3A_1005 = tpu.vector_load %arg11[%get3A_1003, %get3A_1004] {strides = array<i32>} : memref<512x64xf32, #tpu.memory_space<vmem>>, vector<16xf32>,
      %get3A_1006 = arith.index_cast %add3A_996 : i32 to index
      %get3A_1007 = arith.constant 48 : index
      %get3A_1008 = tpu.vector_load %arg11[%get3A_1006, %get3A_1007] {strides = array<i32>} : memref<512x64xf32, #tpu.memory_space<vmem>>, vector<16xf32>,
      %get3A_1009 = arith.index_cast %add3A_996 : i32 to index
      %get3A_1010 = arith.constant 0 : index
      %get3A_1011 = tpu.vector_load %arg12[%get3A_1009, %get3A_1010] {strides = array<i32>} : memref<512x64xf32, #tpu.memory_space<vmem>>, vector<16xf32>,
      %get3A_1012 = arith.index_cast %add3A_996 : i32 to index
      %get3A_1013 = arith.constant 16 : index
      %get3A_1014 = tpu.vector_load %arg12[%get3A_1012, %get3A_1013] {strides = array<i32>} : memref<512x64xf32, #tpu.memory_space<vmem>>, vector<16xf32>,
      %get3A_1015 = arith.index_cast %add3A_996 : i32 to index
      %get3A_1016 = arith.constant 32 : index
      %get3A_1017 = tpu.vector_load %arg12[%get3A_1015, %get3A_1016] {strides = array<i32>} : memref<512x64xf32, #tpu.memory_space<vmem>>, vector<16xf32>,
      %get3A_1018 = arith.index_cast %add3A_996 : i32 to index
      %get3A_1019 = arith.constant 48 : index
      %get3A_1020 = tpu.vector_load %arg12[%get3A_1018, %get3A_1019] {strides = array<i32>} : memref<512x64xf32, #tpu.memory_space<vmem>>, vector<16xf32>,
      %mul3A_1021 = arith.mulf %get3A_999, %get3A_999 : vector<16xf32>
      %mul3A_1022 = arith.mulf %get3A_1011, %get3A_1011 : vector<16xf32>
      %mul3A_1023 = arith.mulf %get3A_999, %get3A_1011 : vector<16xf32>
      %mul3A_1024 = arith.mulf %mul3A_1023, %get3A_184 : vector<16xf32>
      %mul3A_1025 = arith.mulf %get3A_1002, %get3A_1002 : vector<16xf32>
      %add3A_1026 = arith.addf %mul3A_1021, %mul3A_1025 : vector<16xf32>
      %mul3A_1027 = arith.mulf %get3A_1014, %get3A_1014 : vector<16xf32>
      %add3A_1028 = arith.addf %mul3A_1022, %mul3A_1027 : vector<16xf32>
      %mul3A_1029 = arith.mulf %get3A_1002, %get3A_1014 : vector<16xf32>
      %mul3A_1030 = arith.mulf %mul3A_1029, %get3A_186 : vector<16xf32>
      %add3A_1031 = arith.addf %mul3A_1024, %mul3A_1030 : vector<16xf32>
      %mul3A_1032 = arith.mulf %get3A_1005, %get3A_1005 : vector<16xf32>
      %add3A_1033 = arith.addf %add3A_1026, %mul3A_1032 : vector<16xf32>
      %mul3A_1034 = arith.mulf %get3A_1017, %get3A_1017 : vector<16xf32>
      %add3A_1035 = arith.addf %add3A_1028, %mul3A_1034 : vector<16xf32>
      %mul3A_1036 = arith.mulf %get3A_1005, %get3A_1017 : vector<16xf32>
      %mul3A_1037 = arith.mulf %mul3A_1036, %get3A_188 : vector<16xf32>
      %add3A_1038 = arith.addf %add3A_1031, %mul3A_1037 : vector<16xf32>
      %mul3A_1039 = arith.mulf %get3A_1008, %get3A_1008 : vector<16xf32>
      %add3A_1040 = arith.addf %add3A_1033, %mul3A_1039 : vector<16xf32>
      %mul3A_1041 = arith.mulf %get3A_1020, %get3A_1020 : vector<16xf32>
      %add3A_1042 = arith.addf %add3A_1035, %mul3A_1041 : vector<16xf32>
      %mul3A_1043 = arith.mulf %get3A_1008, %get3A_1020 : vector<16xf32>
      %mul3A_1044 = arith.mulf %mul3A_1043, %get3A_190 : vector<16xf32>
      %add3A_1045 = arith.addf %add3A_1038, %mul3A_1044 : vector<16xf32>
      %eq3A_1046 = arith.constant 11 : i32
      %eq3A_1047 = vector.broadcast %eq3A_1046 : i32 to vector<16xi32>
      %eq3A_1048 = arith.cmpi eq, %iota3A, %eq3A_1047 : vector<16xi32>
      %reduce_sum3A_1049 = arith.constant true
      %reduce_sum3A_1050 = vector.broadcast %reduce_sum3A_1049 : i1 to vector<16xi1>
      %reduce_sum3A_1051 = tpu.scan <sum>, %add3A_1040 masked %reduce_sum3A_1050 : vector<16xf32>, vector<16xi1> -> vector<16xf32>
      %reduce_sum3A_1052 = vector.extract %reduce_sum3A_1051[15] : f32 from vector<16xf32>
      %broadcast_in_dim3A_1053 = vector.broadcast %reduce_sum3A_1052 : f32 to vector<16xf32>
      %select_n3A_1054 = arith.select %eq3A_1048, %broadcast_in_dim3A_1053, %select_n3A_982 : vector<16xi1>, vector<16xf32>
      %reduce_sum3A_1055 = arith.constant true
      %reduce_sum3A_1056 = vector.broadcast %reduce_sum3A_1055 : i1 to vector<16xi1>
      %reduce_sum3A_1057 = tpu.scan <sum>, %add3A_1042 masked %reduce_sum3A_1056 : vector<16xf32>, vector<16xi1> -> vector<16xf32>
      %reduce_sum3A_1058 = vector.extract %reduce_sum3A_1057[15] : f32 from vector<16xf32>
      %broadcast_in_dim3A_1059 = vector.broadcast %reduce_sum3A_1058 : f32 to vector<16xf32>
      %select_n3A_1060 = arith.select %eq3A_1048, %broadcast_in_dim3A_1059, %select_n3A_988 : vector<16xi1>, vector<16xf32>
      %reduce_sum3A_1061 = arith.constant true
      %reduce_sum3A_1062 = vector.broadcast %reduce_sum3A_1061 : i1 to vector<16xi1>
      %reduce_sum3A_1063 = tpu.scan <sum>, %add3A_1045 masked %reduce_sum3A_1062 : vector<16xf32>, vector<16xi1> -> vector<16xf32>
      %reduce_sum3A_1064 = vector.extract %reduce_sum3A_1063[15] : f32 from vector<16xf32>
      %broadcast_in_dim3A_1065 = vector.broadcast %reduce_sum3A_1064 : f32 to vector<16xf32>
      %select_n3A_1066 = arith.select %eq3A_1048, %broadcast_in_dim3A_1065, %select_n3A_994 : vector<16xi1>, vector<16xf32>
      %add3A_1067 = arith.constant 12 : i32
      %add3A_1068 = arith.addi %mul3A_200, %add3A_1067 : i32
      %get3A_1069 = arith.index_cast %add3A_1068 : i32 to index
      %get3A_1070 = arith.constant 0 : index
      %get3A_1071 = tpu.vector_load %arg11[%get3A_1069, %get3A_1070] {strides = array<i32>} : memref<512x64xf32, #tpu.memory_space<vmem>>, vector<16xf32>,
      %get3A_1072 = arith.index_cast %add3A_1068 : i32 to index
      %get3A_1073 = arith.constant 16 : index
      %get3A_1074 = tpu.vector_load %arg11[%get3A_1072, %get3A_1073] {strides = array<i32>} : memref<512x64xf32, #tpu.memory_space<vmem>>, vector<16xf32>,
      %get3A_1075 = arith.index_cast %add3A_1068 : i32 to index
      %get3A_1076 = arith.constant 32 : index
      %get3A_1077 = tpu.vector_load %arg11[%get3A_1075, %get3A_1076] {strides = array<i32>} : memref<512x64xf32, #tpu.memory_space<vmem>>, vector<16xf32>,
      %get3A_1078 = arith.index_cast %add3A_1068 : i32 to index
      %get3A_1079 = arith.constant 48 : index
      %get3A_1080 = tpu.vector_load %arg11[%get3A_1078, %get3A_1079] {strides = array<i32>} : memref<512x64xf32, #tpu.memory_space<vmem>>, vector<16xf32>,
      %get3A_1081 = arith.index_cast %add3A_1068 : i32 to index
      %get3A_1082 = arith.constant 0 : index
      %get3A_1083 = tpu.vector_load %arg12[%get3A_1081, %get3A_1082] {strides = array<i32>} : memref<512x64xf32, #tpu.memory_space<vmem>>, vector<16xf32>,
      %get3A_1084 = arith.index_cast %add3A_1068 : i32 to index
      %get3A_1085 = arith.constant 16 : index
      %get3A_1086 = tpu.vector_load %arg12[%get3A_1084, %get3A_1085] {strides = array<i32>} : memref<512x64xf32, #tpu.memory_space<vmem>>, vector<16xf32>,
      %get3A_1087 = arith.index_cast %add3A_1068 : i32 to index
      %get3A_1088 = arith.constant 32 : index
      %get3A_1089 = tpu.vector_load %arg12[%get3A_1087, %get3A_1088] {strides = array<i32>} : memref<512x64xf32, #tpu.memory_space<vmem>>, vector<16xf32>,
      %get3A_1090 = arith.index_cast %add3A_1068 : i32 to index
      %get3A_1091 = arith.constant 48 : index
      %get3A_1092 = tpu.vector_load %arg12[%get3A_1090, %get3A_1091] {strides = array<i32>} : memref<512x64xf32, #tpu.memory_space<vmem>>, vector<16xf32>,
      %mul3A_1093 = arith.mulf %get3A_1071, %get3A_1071 : vector<16xf32>
      %mul3A_1094 = arith.mulf %get3A_1083, %get3A_1083 : vector<16xf32>
      %mul3A_1095 = arith.mulf %get3A_1071, %get3A_1083 : vector<16xf32>
      %mul3A_1096 = arith.mulf %mul3A_1095, %get3A_184 : vector<16xf32>
      %mul3A_1097 = arith.mulf %get3A_1074, %get3A_1074 : vector<16xf32>
      %add3A_1098 = arith.addf %mul3A_1093, %mul3A_1097 : vector<16xf32>
      %mul3A_1099 = arith.mulf %get3A_1086, %get3A_1086 : vector<16xf32>
      %add3A_1100 = arith.addf %mul3A_1094, %mul3A_1099 : vector<16xf32>
      %mul3A_1101 = arith.mulf %get3A_1074, %get3A_1086 : vector<16xf32>
      %mul3A_1102 = arith.mulf %mul3A_1101, %get3A_186 : vector<16xf32>
      %add3A_1103 = arith.addf %mul3A_1096, %mul3A_1102 : vector<16xf32>
      %mul3A_1104 = arith.mulf %get3A_1077, %get3A_1077 : vector<16xf32>
      %add3A_1105 = arith.addf %add3A_1098, %mul3A_1104 : vector<16xf32>
      %mul3A_1106 = arith.mulf %get3A_1089, %get3A_1089 : vector<16xf32>
      %add3A_1107 = arith.addf %add3A_1100, %mul3A_1106 : vector<16xf32>
      %mul3A_1108 = arith.mulf %get3A_1077, %get3A_1089 : vector<16xf32>
      %mul3A_1109 = arith.mulf %mul3A_1108, %get3A_188 : vector<16xf32>
      %add3A_1110 = arith.addf %add3A_1103, %mul3A_1109 : vector<16xf32>
      %mul3A_1111 = arith.mulf %get3A_1080, %get3A_1080 : vector<16xf32>
      %add3A_1112 = arith.addf %add3A_1105, %mul3A_1111 : vector<16xf32>
      %mul3A_1113 = arith.mulf %get3A_1092, %get3A_1092 : vector<16xf32>
      %add3A_1114 = arith.addf %add3A_1107, %mul3A_1113 : vector<16xf32>
      %mul3A_1115 = arith.mulf %get3A_1080, %get3A_1092 : vector<16xf32>
      %mul3A_1116 = arith.mulf %mul3A_1115, %get3A_190 : vector<16xf32>
      %add3A_1117 = arith.addf %add3A_1110, %mul3A_1116 : vector<16xf32>
      %eq3A_1118 = arith.constant 12 : i32
      %eq3A_1119 = vector.broadcast %eq3A_1118 : i32 to vector<16xi32>
      %eq3A_1120 = arith.cmpi eq, %iota3A, %eq3A_1119 : vector<16xi32>
      %reduce_sum3A_1121 = arith.constant true
      %reduce_sum3A_1122 = vector.broadcast %reduce_sum3A_1121 : i1 to vector<16xi1>
      %reduce_sum3A_1123 = tpu.scan <sum>, %add3A_1112 masked %reduce_sum3A_1122 : vector<16xf32>, vector<16xi1> -> vector<16xf32>
      %reduce_sum3A_1124 = vector.extract %reduce_sum3A_1123[15] : f32 from vector<16xf32>
      %broadcast_in_dim3A_1125 = vector.broadcast %reduce_sum3A_1124 : f32 to vector<16xf32>
      %select_n3A_1126 = arith.select %eq3A_1120, %broadcast_in_dim3A_1125, %select_n3A_1054 : vector<16xi1>, vector<16xf32>
      %reduce_sum3A_1127 = arith.constant true
      %reduce_sum3A_1128 = vector.broadcast %reduce_sum3A_1127 : i1 to vector<16xi1>
      %reduce_sum3A_1129 = tpu.scan <sum>, %add3A_1114 masked %reduce_sum3A_1128 : vector<16xf32>, vector<16xi1> -> vector<16xf32>
      %reduce_sum3A_1130 = vector.extract %reduce_sum3A_1129[15] : f32 from vector<16xf32>
      %broadcast_in_dim3A_1131 = vector.broadcast %reduce_sum3A_1130 : f32 to vector<16xf32>
      %select_n3A_1132 = arith.select %eq3A_1120, %broadcast_in_dim3A_1131, %select_n3A_1060 : vector<16xi1>, vector<16xf32>
      %reduce_sum3A_1133 = arith.constant true
      %reduce_sum3A_1134 = vector.broadcast %reduce_sum3A_1133 : i1 to vector<16xi1>
      %reduce_sum3A_1135 = tpu.scan <sum>, %add3A_1117 masked %reduce_sum3A_1134 : vector<16xf32>, vector<16xi1> -> vector<16xf32>
      %reduce_sum3A_1136 = vector.extract %reduce_sum3A_1135[15] : f32 from vector<16xf32>
      %broadcast_in_dim3A_1137 = vector.broadcast %reduce_sum3A_1136 : f32 to vector<16xf32>
      %select_n3A_1138 = arith.select %eq3A_1120, %broadcast_in_dim3A_1137, %select_n3A_1066 : vector<16xi1>, vector<16xf32>
      %add3A_1139 = arith.constant 13 : i32
      %add3A_1140 = arith.addi %mul3A_200, %add3A_1139 : i32
      %get3A_1141 = arith.index_cast %add3A_1140 : i32 to index
      %get3A_1142 = arith.constant 0 : index
      %get3A_1143 = tpu.vector_load %arg11[%get3A_1141, %get3A_1142] {strides = array<i32>} : memref<512x64xf32, #tpu.memory_space<vmem>>, vector<16xf32>,
      %get3A_1144 = arith.index_cast %add3A_1140 : i32 to index
      %get3A_1145 = arith.constant 16 : index
      %get3A_1146 = tpu.vector_load %arg11[%get3A_1144, %get3A_1145] {strides = array<i32>} : memref<512x64xf32, #tpu.memory_space<vmem>>, vector<16xf32>,
      %get3A_1147 = arith.index_cast %add3A_1140 : i32 to index
      %get3A_1148 = arith.constant 32 : index
      %get3A_1149 = tpu.vector_load %arg11[%get3A_1147, %get3A_1148] {strides = array<i32>} : memref<512x64xf32, #tpu.memory_space<vmem>>, vector<16xf32>,
      %get3A_1150 = arith.index_cast %add3A_1140 : i32 to index
      %get3A_1151 = arith.constant 48 : index
      %get3A_1152 = tpu.vector_load %arg11[%get3A_1150, %get3A_1151] {strides = array<i32>} : memref<512x64xf32, #tpu.memory_space<vmem>>, vector<16xf32>,
      %get3A_1153 = arith.index_cast %add3A_1140 : i32 to index
      %get3A_1154 = arith.constant 0 : index
      %get3A_1155 = tpu.vector_load %arg12[%get3A_1153, %get3A_1154] {strides = array<i32>} : memref<512x64xf32, #tpu.memory_space<vmem>>, vector<16xf32>,
      %get3A_1156 = arith.index_cast %add3A_1140 : i32 to index
      %get3A_1157 = arith.constant 16 : index
      %get3A_1158 = tpu.vector_load %arg12[%get3A_1156, %get3A_1157] {strides = array<i32>} : memref<512x64xf32, #tpu.memory_space<vmem>>, vector<16xf32>,
      %get3A_1159 = arith.index_cast %add3A_1140 : i32 to index
      %get3A_1160 = arith.constant 32 : index
      %get3A_1161 = tpu.vector_load %arg12[%get3A_1159, %get3A_1160] {strides = array<i32>} : memref<512x64xf32, #tpu.memory_space<vmem>>, vector<16xf32>,
      %get3A_1162 = arith.index_cast %add3A_1140 : i32 to index
      %get3A_1163 = arith.constant 48 : index
      %get3A_1164 = tpu.vector_load %arg12[%get3A_1162, %get3A_1163] {strides = array<i32>} : memref<512x64xf32, #tpu.memory_space<vmem>>, vector<16xf32>,
      %mul3A_1165 = arith.mulf %get3A_1143, %get3A_1143 : vector<16xf32>
      %mul3A_1166 = arith.mulf %get3A_1155, %get3A_1155 : vector<16xf32>
      %mul3A_1167 = arith.mulf %get3A_1143, %get3A_1155 : vector<16xf32>
      %mul3A_1168 = arith.mulf %mul3A_1167, %get3A_184 : vector<16xf32>
      %mul3A_1169 = arith.mulf %get3A_1146, %get3A_1146 : vector<16xf32>
      %add3A_1170 = arith.addf %mul3A_1165, %mul3A_1169 : vector<16xf32>
      %mul3A_1171 = arith.mulf %get3A_1158, %get3A_1158 : vector<16xf32>
      %add3A_1172 = arith.addf %mul3A_1166, %mul3A_1171 : vector<16xf32>
      %mul3A_1173 = arith.mulf %get3A_1146, %get3A_1158 : vector<16xf32>
      %mul3A_1174 = arith.mulf %mul3A_1173, %get3A_186 : vector<16xf32>
      %add3A_1175 = arith.addf %mul3A_1168, %mul3A_1174 : vector<16xf32>
      %mul3A_1176 = arith.mulf %get3A_1149, %get3A_1149 : vector<16xf32>
      %add3A_1177 = arith.addf %add3A_1170, %mul3A_1176 : vector<16xf32>
      %mul3A_1178 = arith.mulf %get3A_1161, %get3A_1161 : vector<16xf32>
      %add3A_1179 = arith.addf %add3A_1172, %mul3A_1178 : vector<16xf32>
      %mul3A_1180 = arith.mulf %get3A_1149, %get3A_1161 : vector<16xf32>
      %mul3A_1181 = arith.mulf %mul3A_1180, %get3A_188 : vector<16xf32>
      %add3A_1182 = arith.addf %add3A_1175, %mul3A_1181 : vector<16xf32>
      %mul3A_1183 = arith.mulf %get3A_1152, %get3A_1152 : vector<16xf32>
      %add3A_1184 = arith.addf %add3A_1177, %mul3A_1183 : vector<16xf32>
      %mul3A_1185 = arith.mulf %get3A_1164, %get3A_1164 : vector<16xf32>
      %add3A_1186 = arith.addf %add3A_1179, %mul3A_1185 : vector<16xf32>
      %mul3A_1187 = arith.mulf %get3A_1152, %get3A_1164 : vector<16xf32>
      %mul3A_1188 = arith.mulf %mul3A_1187, %get3A_190 : vector<16xf32>
      %add3A_1189 = arith.addf %add3A_1182, %mul3A_1188 : vector<16xf32>
      %eq3A_1190 = arith.constant 13 : i32
      %eq3A_1191 = vector.broadcast %eq3A_1190 : i32 to vector<16xi32>
      %eq3A_1192 = arith.cmpi eq, %iota3A, %eq3A_1191 : vector<16xi32>
      %reduce_sum3A_1193 = arith.constant true
      %reduce_sum3A_1194 = vector.broadcast %reduce_sum3A_1193 : i1 to vector<16xi1>
      %reduce_sum3A_1195 = tpu.scan <sum>, %add3A_1184 masked %reduce_sum3A_1194 : vector<16xf32>, vector<16xi1> -> vector<16xf32>
      %reduce_sum3A_1196 = vector.extract %reduce_sum3A_1195[15] : f32 from vector<16xf32>
      %broadcast_in_dim3A_1197 = vector.broadcast %reduce_sum3A_1196 : f32 to vector<16xf32>
      %select_n3A_1198 = arith.select %eq3A_1192, %broadcast_in_dim3A_1197, %select_n3A_1126 : vector<16xi1>, vector<16xf32>
      %reduce_sum3A_1199 = arith.constant true
      %reduce_sum3A_1200 = vector.broadcast %reduce_sum3A_1199 : i1 to vector<16xi1>
      %reduce_sum3A_1201 = tpu.scan <sum>, %add3A_1186 masked %reduce_sum3A_1200 : vector<16xf32>, vector<16xi1> -> vector<16xf32>
      %reduce_sum3A_1202 = vector.extract %reduce_sum3A_1201[15] : f32 from vector<16xf32>
      %broadcast_in_dim3A_1203 = vector.broadcast %reduce_sum3A_1202 : f32 to vector<16xf32>
      %select_n3A_1204 = arith.select %eq3A_1192, %broadcast_in_dim3A_1203, %select_n3A_1132 : vector<16xi1>, vector<16xf32>
      %reduce_sum3A_1205 = arith.constant true
      %reduce_sum3A_1206 = vector.broadcast %reduce_sum3A_1205 : i1 to vector<16xi1>
      %reduce_sum3A_1207 = tpu.scan <sum>, %add3A_1189 masked %reduce_sum3A_1206 : vector<16xf32>, vector<16xi1> -> vector<16xf32>
      %reduce_sum3A_1208 = vector.extract %reduce_sum3A_1207[15] : f32 from vector<16xf32>
      %broadcast_in_dim3A_1209 = vector.broadcast %reduce_sum3A_1208 : f32 to vector<16xf32>
      %select_n3A_1210 = arith.select %eq3A_1192, %broadcast_in_dim3A_1209, %select_n3A_1138 : vector<16xi1>, vector<16xf32>
      %add3A_1211 = arith.constant 14 : i32
      %add3A_1212 = arith.addi %mul3A_200, %add3A_1211 : i32
      %get3A_1213 = arith.index_cast %add3A_1212 : i32 to index
      %get3A_1214 = arith.constant 0 : index
      %get3A_1215 = tpu.vector_load %arg11[%get3A_1213, %get3A_1214] {strides = array<i32>} : memref<512x64xf32, #tpu.memory_space<vmem>>, vector<16xf32>,
      %get3A_1216 = arith.index_cast %add3A_1212 : i32 to index
      %get3A_1217 = arith.constant 16 : index
      %get3A_1218 = tpu.vector_load %arg11[%get3A_1216, %get3A_1217] {strides = array<i32>} : memref<512x64xf32, #tpu.memory_space<vmem>>, vector<16xf32>,
      %get3A_1219 = arith.index_cast %add3A_1212 : i32 to index
      %get3A_1220 = arith.constant 32 : index
      %get3A_1221 = tpu.vector_load %arg11[%get3A_1219, %get3A_1220] {strides = array<i32>} : memref<512x64xf32, #tpu.memory_space<vmem>>, vector<16xf32>,
      %get3A_1222 = arith.index_cast %add3A_1212 : i32 to index
      %get3A_1223 = arith.constant 48 : index
      %get3A_1224 = tpu.vector_load %arg11[%get3A_1222, %get3A_1223] {strides = array<i32>} : memref<512x64xf32, #tpu.memory_space<vmem>>, vector<16xf32>,
      %get3A_1225 = arith.index_cast %add3A_1212 : i32 to index
      %get3A_1226 = arith.constant 0 : index
      %get3A_1227 = tpu.vector_load %arg12[%get3A_1225, %get3A_1226] {strides = array<i32>} : memref<512x64xf32, #tpu.memory_space<vmem>>, vector<16xf32>,
      %get3A_1228 = arith.index_cast %add3A_1212 : i32 to index
      %get3A_1229 = arith.constant 16 : index
      %get3A_1230 = tpu.vector_load %arg12[%get3A_1228, %get3A_1229] {strides = array<i32>} : memref<512x64xf32, #tpu.memory_space<vmem>>, vector<16xf32>,
      %get3A_1231 = arith.index_cast %add3A_1212 : i32 to index
      %get3A_1232 = arith.constant 32 : index
      %get3A_1233 = tpu.vector_load %arg12[%get3A_1231, %get3A_1232] {strides = array<i32>} : memref<512x64xf32, #tpu.memory_space<vmem>>, vector<16xf32>,
      %get3A_1234 = arith.index_cast %add3A_1212 : i32 to index
      %get3A_1235 = arith.constant 48 : index
      %get3A_1236 = tpu.vector_load %arg12[%get3A_1234, %get3A_1235] {strides = array<i32>} : memref<512x64xf32, #tpu.memory_space<vmem>>, vector<16xf32>,
      %mul3A_1237 = arith.mulf %get3A_1215, %get3A_1215 : vector<16xf32>
      %mul3A_1238 = arith.mulf %get3A_1227, %get3A_1227 : vector<16xf32>
      %mul3A_1239 = arith.mulf %get3A_1215, %get3A_1227 : vector<16xf32>
      %mul3A_1240 = arith.mulf %mul3A_1239, %get3A_184 : vector<16xf32>
      %mul3A_1241 = arith.mulf %get3A_1218, %get3A_1218 : vector<16xf32>
      %add3A_1242 = arith.addf %mul3A_1237, %mul3A_1241 : vector<16xf32>
      %mul3A_1243 = arith.mulf %get3A_1230, %get3A_1230 : vector<16xf32>
      %add3A_1244 = arith.addf %mul3A_1238, %mul3A_1243 : vector<16xf32>
      %mul3A_1245 = arith.mulf %get3A_1218, %get3A_1230 : vector<16xf32>
      %mul3A_1246 = arith.mulf %mul3A_1245, %get3A_186 : vector<16xf32>
      %add3A_1247 = arith.addf %mul3A_1240, %mul3A_1246 : vector<16xf32>
      %mul3A_1248 = arith.mulf %get3A_1221, %get3A_1221 : vector<16xf32>
      %add3A_1249 = arith.addf %add3A_1242, %mul3A_1248 : vector<16xf32>
      %mul3A_1250 = arith.mulf %get3A_1233, %get3A_1233 : vector<16xf32>
      %add3A_1251 = arith.addf %add3A_1244, %mul3A_1250 : vector<16xf32>
      %mul3A_1252 = arith.mulf %get3A_1221, %get3A_1233 : vector<16xf32>
      %mul3A_1253 = arith.mulf %mul3A_1252, %get3A_188 : vector<16xf32>
      %add3A_1254 = arith.addf %add3A_1247, %mul3A_1253 : vector<16xf32>
      %mul3A_1255 = arith.mulf %get3A_1224, %get3A_1224 : vector<16xf32>
      %add3A_1256 = arith.addf %add3A_1249, %mul3A_1255 : vector<16xf32>
      %mul3A_1257 = arith.mulf %get3A_1236, %get3A_1236 : vector<16xf32>
      %add3A_1258 = arith.addf %add3A_1251, %mul3A_1257 : vector<16xf32>
      %mul3A_1259 = arith.mulf %get3A_1224, %get3A_1236 : vector<16xf32>
      %mul3A_1260 = arith.mulf %mul3A_1259, %get3A_190 : vector<16xf32>
      %add3A_1261 = arith.addf %add3A_1254, %mul3A_1260 : vector<16xf32>
      %eq3A_1262 = arith.constant 14 : i32
      %eq3A_1263 = vector.broadcast %eq3A_1262 : i32 to vector<16xi32>
      %eq3A_1264 = arith.cmpi eq, %iota3A, %eq3A_1263 : vector<16xi32>
      %reduce_sum3A_1265 = arith.constant true
      %reduce_sum3A_1266 = vector.broadcast %reduce_sum3A_1265 : i1 to vector<16xi1>
      %reduce_sum3A_1267 = tpu.scan <sum>, %add3A_1256 masked %reduce_sum3A_1266 : vector<16xf32>, vector<16xi1> -> vector<16xf32>
      %reduce_sum3A_1268 = vector.extract %reduce_sum3A_1267[15] : f32 from vector<16xf32>
      %broadcast_in_dim3A_1269 = vector.broadcast %reduce_sum3A_1268 : f32 to vector<16xf32>
      %select_n3A_1270 = arith.select %eq3A_1264, %broadcast_in_dim3A_1269, %select_n3A_1198 : vector<16xi1>, vector<16xf32>
      %reduce_sum3A_1271 = arith.constant true
      %reduce_sum3A_1272 = vector.broadcast %reduce_sum3A_1271 : i1 to vector<16xi1>
      %reduce_sum3A_1273 = tpu.scan <sum>, %add3A_1258 masked %reduce_sum3A_1272 : vector<16xf32>, vector<16xi1> -> vector<16xf32>
      %reduce_sum3A_1274 = vector.extract %reduce_sum3A_1273[15] : f32 from vector<16xf32>
      %broadcast_in_dim3A_1275 = vector.broadcast %reduce_sum3A_1274 : f32 to vector<16xf32>
      %select_n3A_1276 = arith.select %eq3A_1264, %broadcast_in_dim3A_1275, %select_n3A_1204 : vector<16xi1>, vector<16xf32>
      %reduce_sum3A_1277 = arith.constant true
      %reduce_sum3A_1278 = vector.broadcast %reduce_sum3A_1277 : i1 to vector<16xi1>
      %reduce_sum3A_1279 = tpu.scan <sum>, %add3A_1261 masked %reduce_sum3A_1278 : vector<16xf32>, vector<16xi1> -> vector<16xf32>
      %reduce_sum3A_1280 = vector.extract %reduce_sum3A_1279[15] : f32 from vector<16xf32>
      %broadcast_in_dim3A_1281 = vector.broadcast %reduce_sum3A_1280 : f32 to vector<16xf32>
      %select_n3A_1282 = arith.select %eq3A_1264, %broadcast_in_dim3A_1281, %select_n3A_1210 : vector<16xi1>, vector<16xf32>
      %add3A_1283 = arith.constant 15 : i32
      %add3A_1284 = arith.addi %mul3A_200, %add3A_1283 : i32
      %get3A_1285 = arith.index_cast %add3A_1284 : i32 to index
      %get3A_1286 = arith.constant 0 : index
      %get3A_1287 = tpu.vector_load %arg11[%get3A_1285, %get3A_1286] {strides = array<i32>} : memref<512x64xf32, #tpu.memory_space<vmem>>, vector<16xf32>,
      %get3A_1288 = arith.index_cast %add3A_1284 : i32 to index
      %get3A_1289 = arith.constant 16 : index
      %get3A_1290 = tpu.vector_load %arg11[%get3A_1288, %get3A_1289] {strides = array<i32>} : memref<512x64xf32, #tpu.memory_space<vmem>>, vector<16xf32>,
      %get3A_1291 = arith.index_cast %add3A_1284 : i32 to index
      %get3A_1292 = arith.constant 32 : index
      %get3A_1293 = tpu.vector_load %arg11[%get3A_1291, %get3A_1292] {strides = array<i32>} : memref<512x64xf32, #tpu.memory_space<vmem>>, vector<16xf32>,
      %get3A_1294 = arith.index_cast %add3A_1284 : i32 to index
      %get3A_1295 = arith.constant 48 : index
      %get3A_1296 = tpu.vector_load %arg11[%get3A_1294, %get3A_1295] {strides = array<i32>} : memref<512x64xf32, #tpu.memory_space<vmem>>, vector<16xf32>,
      %get3A_1297 = arith.index_cast %add3A_1284 : i32 to index
      %get3A_1298 = arith.constant 0 : index
      %get3A_1299 = tpu.vector_load %arg12[%get3A_1297, %get3A_1298] {strides = array<i32>} : memref<512x64xf32, #tpu.memory_space<vmem>>, vector<16xf32>,
      %get3A_1300 = arith.index_cast %add3A_1284 : i32 to index
      %get3A_1301 = arith.constant 16 : index
      %get3A_1302 = tpu.vector_load %arg12[%get3A_1300, %get3A_1301] {strides = array<i32>} : memref<512x64xf32, #tpu.memory_space<vmem>>, vector<16xf32>,
      %get3A_1303 = arith.index_cast %add3A_1284 : i32 to index
      %get3A_1304 = arith.constant 32 : index
      %get3A_1305 = tpu.vector_load %arg12[%get3A_1303, %get3A_1304] {strides = array<i32>} : memref<512x64xf32, #tpu.memory_space<vmem>>, vector<16xf32>,
      %get3A_1306 = arith.index_cast %add3A_1284 : i32 to index
      %get3A_1307 = arith.constant 48 : index
      %get3A_1308 = tpu.vector_load %arg12[%get3A_1306, %get3A_1307] {strides = array<i32>} : memref<512x64xf32, #tpu.memory_space<vmem>>, vector<16xf32>,
      %mul3A_1309 = arith.mulf %get3A_1287, %get3A_1287 : vector<16xf32>
      %mul3A_1310 = arith.mulf %get3A_1299, %get3A_1299 : vector<16xf32>
      %mul3A_1311 = arith.mulf %get3A_1287, %get3A_1299 : vector<16xf32>
      %mul3A_1312 = arith.mulf %mul3A_1311, %get3A_184 : vector<16xf32>
      %mul3A_1313 = arith.mulf %get3A_1290, %get3A_1290 : vector<16xf32>
      %add3A_1314 = arith.addf %mul3A_1309, %mul3A_1313 : vector<16xf32>
      %mul3A_1315 = arith.mulf %get3A_1302, %get3A_1302 : vector<16xf32>
      %add3A_1316 = arith.addf %mul3A_1310, %mul3A_1315 : vector<16xf32>
      %mul3A_1317 = arith.mulf %get3A_1290, %get3A_1302 : vector<16xf32>
      %mul3A_1318 = arith.mulf %mul3A_1317, %get3A_186 : vector<16xf32>
      %add3A_1319 = arith.addf %mul3A_1312, %mul3A_1318 : vector<16xf32>
      %mul3A_1320 = arith.mulf %get3A_1293, %get3A_1293 : vector<16xf32>
      %add3A_1321 = arith.addf %add3A_1314, %mul3A_1320 : vector<16xf32>
      %mul3A_1322 = arith.mulf %get3A_1305, %get3A_1305 : vector<16xf32>
      %add3A_1323 = arith.addf %add3A_1316, %mul3A_1322 : vector<16xf32>
      %mul3A_1324 = arith.mulf %get3A_1293, %get3A_1305 : vector<16xf32>
      %mul3A_1325 = arith.mulf %mul3A_1324, %get3A_188 : vector<16xf32>
      %add3A_1326 = arith.addf %add3A_1319, %mul3A_1325 : vector<16xf32>
      %mul3A_1327 = arith.mulf %get3A_1296, %get3A_1296 : vector<16xf32>
      %add3A_1328 = arith.addf %add3A_1321, %mul3A_1327 : vector<16xf32>
      %mul3A_1329 = arith.mulf %get3A_1308, %get3A_1308 : vector<16xf32>
      %add3A_1330 = arith.addf %add3A_1323, %mul3A_1329 : vector<16xf32>
      %mul3A_1331 = arith.mulf %get3A_1296, %get3A_1308 : vector<16xf32>
      %mul3A_1332 = arith.mulf %mul3A_1331, %get3A_190 : vector<16xf32>
      %add3A_1333 = arith.addf %add3A_1326, %mul3A_1332 : vector<16xf32>
      %eq3A_1334 = arith.constant 15 : i32
      %eq3A_1335 = vector.broadcast %eq3A_1334 : i32 to vector<16xi32>
      %eq3A_1336 = arith.cmpi eq, %iota3A, %eq3A_1335 : vector<16xi32>
      %reduce_sum3A_1337 = arith.constant true
      %reduce_sum3A_1338 = vector.broadcast %reduce_sum3A_1337 : i1 to vector<16xi1>
      %reduce_sum3A_1339 = tpu.scan <sum>, %add3A_1328 masked %reduce_sum3A_1338 : vector<16xf32>, vector<16xi1> -> vector<16xf32>
      %reduce_sum3A_1340 = vector.extract %reduce_sum3A_1339[15] : f32 from vector<16xf32>
      %broadcast_in_dim3A_1341 = vector.broadcast %reduce_sum3A_1340 : f32 to vector<16xf32>
      %select_n3A_1342 = arith.select %eq3A_1336, %broadcast_in_dim3A_1341, %select_n3A_1270 : vector<16xi1>, vector<16xf32>
      %reduce_sum3A_1343 = arith.constant true
      %reduce_sum3A_1344 = vector.broadcast %reduce_sum3A_1343 : i1 to vector<16xi1>
      %reduce_sum3A_1345 = tpu.scan <sum>, %add3A_1330 masked %reduce_sum3A_1344 : vector<16xf32>, vector<16xi1> -> vector<16xf32>
      %reduce_sum3A_1346 = vector.extract %reduce_sum3A_1345[15] : f32 from vector<16xf32>
      %broadcast_in_dim3A_1347 = vector.broadcast %reduce_sum3A_1346 : f32 to vector<16xf32>
      %select_n3A_1348 = arith.select %eq3A_1336, %broadcast_in_dim3A_1347, %select_n3A_1276 : vector<16xi1>, vector<16xf32>
      %reduce_sum3A_1349 = arith.constant true
      %reduce_sum3A_1350 = vector.broadcast %reduce_sum3A_1349 : i1 to vector<16xi1>
      %reduce_sum3A_1351 = tpu.scan <sum>, %add3A_1333 masked %reduce_sum3A_1350 : vector<16xf32>, vector<16xi1> -> vector<16xf32>
      %reduce_sum3A_1352 = vector.extract %reduce_sum3A_1351[15] : f32 from vector<16xf32>
      %broadcast_in_dim3A_1353 = vector.broadcast %reduce_sum3A_1352 : f32 to vector<16xf32>
      %select_n3A_1354 = arith.select %eq3A_1336, %broadcast_in_dim3A_1353, %select_n3A_1282 : vector<16xi1>, vector<16xf32>
      %gt3A = arith.constant 1.000000e+00 : f32
      %gt3A_1355 = vector.broadcast %gt3A : f32 to vector<16xf32>
      %gt3A_1356 = arith.cmpf ogt, %select_n3A_1342, %gt3A_1355 : vector<16xf32>
      %bitcast3A = vector.bitcast %select_n3A_1342 : vector<16xf32> to vector<16xi32>
      %shift_right_logical3A = arith.constant 1 : i32
      %shift_right_logical3A_1357 = vector.broadcast %shift_right_logical3A : i32 to vector<16xi32>
      %shift_right_logical3A_1358 = arith.shrui %bitcast3A, %shift_right_logical3A_1357 : vector<16xi32>
      %sub3A = arith.constant 1597463007 : i32
      %sub3A_1359 = vector.broadcast %sub3A : i32 to vector<16xi32>
      %sub3A_1360 = arith.subi %sub3A_1359, %shift_right_logical3A_1358 : vector<16xi32>
      %bitcast3A_1361 = vector.bitcast %sub3A_1360 : vector<16xi32> to vector<16xf32>
      %mul3A_1362 = arith.constant 5.000000e-01 : f32
      %mul3A_1363 = vector.broadcast %mul3A_1362 : f32 to vector<16xf32>
      %mul3A_1364 = arith.mulf %mul3A_1363, %select_n3A_1342 : vector<16xf32>
      %mul3A_1365 = arith.mulf %mul3A_1364, %bitcast3A_1361 : vector<16xf32>
      %mul3A_1366 = arith.mulf %mul3A_1365, %bitcast3A_1361 : vector<16xf32>
      %sub3A_1367 = arith.constant 1.500000e+00 : f32
      %sub3A_1368 = vector.broadcast %sub3A_1367 : f32 to vector<16xf32>
      %sub3A_1369 = arith.subf %sub3A_1368, %mul3A_1366 : vector<16xf32>
      %mul3A_1370 = arith.mulf %bitcast3A_1361, %sub3A_1369 : vector<16xf32>
      %mul3A_1371 = arith.constant 5.000000e-01 : f32
      %mul3A_1372 = vector.broadcast %mul3A_1371 : f32 to vector<16xf32>
      %mul3A_1373 = arith.mulf %mul3A_1372, %select_n3A_1342 : vector<16xf32>
      %mul3A_1374 = arith.mulf %mul3A_1373, %mul3A_1370 : vector<16xf32>
      %mul3A_1375 = arith.mulf %mul3A_1374, %mul3A_1370 : vector<16xf32>
      %sub3A_1376 = arith.constant 1.500000e+00 : f32
      %sub3A_1377 = vector.broadcast %sub3A_1376 : f32 to vector<16xf32>
      %sub3A_1378 = arith.subf %sub3A_1377, %mul3A_1375 : vector<16xf32>
      %mul3A_1379 = arith.mulf %mul3A_1370, %sub3A_1378 : vector<16xf32>
      %jit3A = arith.constant 1.000000e+00 : f32
      %broadcast_in_dim3A_1380 = vector.broadcast %jit3A : f32 to vector<16xf32>
      %select_n3A_1381 = arith.select %gt3A_1356, %mul3A_1379, %broadcast_in_dim3A_1380 : vector<16xi1>, vector<16xf32>
      %gt3A_1382 = arith.constant 1.000000e+00 : f32
      %gt3A_1383 = vector.broadcast %gt3A_1382 : f32 to vector<16xf32>
      %gt3A_1384 = arith.cmpf ogt, %select_n3A_1348, %gt3A_1383 : vector<16xf32>
      %bitcast3A_1385 = vector.bitcast %select_n3A_1348 : vector<16xf32> to vector<16xi32>
      %shift_right_logical3A_1386 = arith.constant 1 : i32
      %shift_right_logical3A_1387 = vector.broadcast %shift_right_logical3A_1386 : i32 to vector<16xi32>
      %shift_right_logical3A_1388 = arith.shrui %bitcast3A_1385, %shift_right_logical3A_1387 : vector<16xi32>
      %sub3A_1389 = arith.constant 1597463007 : i32
      %sub3A_1390 = vector.broadcast %sub3A_1389 : i32 to vector<16xi32>
      %sub3A_1391 = arith.subi %sub3A_1390, %shift_right_logical3A_1388 : vector<16xi32>
      %bitcast3A_1392 = vector.bitcast %sub3A_1391 : vector<16xi32> to vector<16xf32>
      %mul3A_1393 = arith.constant 5.000000e-01 : f32
      %mul3A_1394 = vector.broadcast %mul3A_1393 : f32 to vector<16xf32>
      %mul3A_1395 = arith.mulf %mul3A_1394, %select_n3A_1348 : vector<16xf32>
      %mul3A_1396 = arith.mulf %mul3A_1395, %bitcast3A_1392 : vector<16xf32>
      %mul3A_1397 = arith.mulf %mul3A_1396, %bitcast3A_1392 : vector<16xf32>
      %sub3A_1398 = arith.constant 1.500000e+00 : f32
      %sub3A_1399 = vector.broadcast %sub3A_1398 : f32 to vector<16xf32>
      %sub3A_1400 = arith.subf %sub3A_1399, %mul3A_1397 : vector<16xf32>
      %mul3A_1401 = arith.mulf %bitcast3A_1392, %sub3A_1400 : vector<16xf32>
      %mul3A_1402 = arith.constant 5.000000e-01 : f32
      %mul3A_1403 = vector.broadcast %mul3A_1402 : f32 to vector<16xf32>
      %mul3A_1404 = arith.mulf %mul3A_1403, %select_n3A_1348 : vector<16xf32>
      %mul3A_1405 = arith.mulf %mul3A_1404, %mul3A_1401 : vector<16xf32>
      %mul3A_1406 = arith.mulf %mul3A_1405, %mul3A_1401 : vector<16xf32>
      %sub3A_1407 = arith.constant 1.500000e+00 : f32
      %sub3A_1408 = vector.broadcast %sub3A_1407 : f32 to vector<16xf32>
      %sub3A_1409 = arith.subf %sub3A_1408, %mul3A_1406 : vector<16xf32>
      %mul3A_1410 = arith.mulf %mul3A_1401, %sub3A_1409 : vector<16xf32>
      %jit3A_1411 = arith.constant 1.000000e+00 : f32
      %broadcast_in_dim3A_1412 = vector.broadcast %jit3A_1411 : f32 to vector<16xf32>
      %select_n3A_1413 = arith.select %gt3A_1384, %mul3A_1410, %broadcast_in_dim3A_1412 : vector<16xi1>, vector<16xf32>
      %mul3A_1414 = arith.mulf %select_n3A_1381, %select_n3A_1413 : vector<16xf32>
      %mul3A_1415 = arith.mulf %mul3A_1414, %select_n3A_1354 : vector<16xf32>
      %add3A_1416 = arith.addf %mul3A_1415, %get3A_192 : vector<16xf32>
      %neg3A = arith.constant 0.000000e+00 : f32
      %neg3A_1417 = vector.broadcast %neg3A : f32 to vector<16xf32>
      %neg3A_1418 = arith.subf %neg3A_1417, %add3A_1416 : vector<16xf32>
      %exp3A = math.exp %neg3A_1418 : vector<16xf32>
      %add3A_1419 = arith.constant 1.000000e+00 : f32
      %add3A_1420 = vector.broadcast %add3A_1419 : f32 to vector<16xf32>
      %add3A_1421 = arith.addf %add3A_1420, %exp3A : vector<16xf32>
      %div3A = arith.constant 1.000000e+00 : f32
      %div3A_1422 = vector.broadcast %div3A : f32 to vector<16xf32>
      %div3A_1423 = arith.divf %div3A_1422, %add3A_1421 : vector<16xf32>
      %mul3A_1424 = arith.constant 16 : i32
      %mul3A_1425 = arith.muli %scan3A_198, %mul3A_1424 : i32
      %swap3A = arith.index_cast %mul3A_1425 : i32 to index
      %swap3A_1426 = tpu.vector_load %arg15[%swap3A] {strides = array<i32>} : memref<512xf32, #tpu.memory_space<vmem>>, vector<16xf32>,
      tpu.vector_store %arg15[%swap3A], %div3A_1423 {strides = array<i32>} : memref<512xf32, #tpu.memory_space<vmem>>, vector<16xf32>,
    }
    %scan3A_197 = arith.constant 32 : i32
    "tpu.region"() ({
      %run_scoped3A_198 = tpu.sem_alloc : memref<!tpu.dma_semaphore, #tpu.memory_space<semaphore_mem>>
      %dma_start3A_199 = tpu.memref_slice %arg8[%mul3A_2] : memref<16384xf32, #tpu.memory_space<hbm>> -> memref<512xf32, #tpu.memory_space<hbm>>
      %dma_start3A_200 = tpu.memref_slice %arg8[%mul3A_2] : memref<16384xf32, #tpu.memory_space<hbm>> -> memref<512xf32, #tpu.memory_space<hbm>>
      tpu.enqueue_dma source(%arg15 : memref<512xf32, #tpu.memory_space<vmem>>) target(%dma_start3A_200 : memref<512xf32, #tpu.memory_space<hbm>>) target_semaphore(%run_scoped3A_198 : memref<!tpu.dma_semaphore, #tpu.memory_space<semaphore_mem>>)
      %dma_wait3A_201 = tpu.memref_slice %arg8[%mul3A_2] : memref<16384xf32, #tpu.memory_space<hbm>> -> memref<512xf32, #tpu.memory_space<hbm>>
      %dma_wait3A_202 = tpu.memref_slice %arg8[%mul3A_2] : memref<16384xf32, #tpu.memory_space<hbm>> -> memref<512xf32, #tpu.memory_space<hbm>>
      tpu.wait_dma2 semaphore(%run_scoped3A_198 : memref<!tpu.dma_semaphore, #tpu.memory_space<semaphore_mem>>) src(%arg15 : memref<512xf32, #tpu.memory_space<vmem>>) dst(%dma_wait3A_202 : memref<512xf32, #tpu.memory_space<hbm>>)
      tpu.yield
    }) : () -> ()
    return
  }
}

</mosaic_0001>

<sc_bundles>
// kernel: kernel.3.cloned.1.call-start
scs
__scs_entry_jumppad:
0x0: {  	(pc) =	sbr.rel $0x88, $3  }
0x1: {  	(tag) =	ssettag $0x0;
	lr =	simm.s32 $0x1  }
0x2: {  	[smem:$0x3F9B] =	sst lr;
	_ =	strace $0xD0000000  }
0x3: {  	_ = 	snop  }
0x4: {  	_ = 	snop  }
0x5: {  	_ = 	snop  }
0x6: {  	_ = 	snop  }
0x7: {  	_ = 	snop  }
__scs_overlays_trampoline_lowered:
0x8: {  	[smem:$0x3FAA] =	sst s0  }
0x9: {  	[smem:$0x3FAB] =	sst s1  }
0xa: {  	[smem:$0x3FAC] =	sst s2  }
0xb: {  	[smem:$0x3FAD] =	sst s3  }
0xc: {  	[smem:$0x3FAE] =	sst s4  }
0xd: {  	[smem:$0x3FAF] =	sst s5  }
0xe: {  	[smem:$0x3FB0] =	sst s6  }
0xf: {  	[smem:$0x3FB1] =	sst s7  }
0x10: {  	[smem:$0x3FB2] =	sst s8  }
0x11: {  	[smem:$0x3FB3] =	sst s9;
	s0 =	simm.s32 @!p0 $0x0  }
0x12: {  	s1 =	sld [smem:$0x3F99];
	s0 =	simm.s32 @p0 $0x1  }
0x13: {  	[smem:$0x3FB4] =	sst s0;
	s0 =	simm.s32 @!p1 $0x0  }
0x14: {  	s2 =	sld [smem:$0x3F98];
	s0 =	simm.s32 @p1 $0x1  }
0x15: {  	[smem:$0x3FB5] =	sst s0;
	s0 =	simm.s32 @!p2 $0x0  }
0x16: {  	s3 =	sld [smem:$0x3FDB];
	s0 =	simm.s32 @p2 $0x1  }
0x17: {  	s4 =	simm.s32 $0x1BF5;
	[smem:$0x3FB7] =	sst s0  }
0x18: {  	s0 =	sld [smem:$0x3F9A];
	_ =	swait.ge [sflag:s4], $0x0  }
0x19: {  	s7 =	sld [smem:$0x3F9B]  }
0x1a: {  	s8 =	sadd.s32 $0xFFFFE003, lr  }
0x1b: {  	s9 =	sadd.s32 $0xFFFFFEF7, lr;
	s5 =	simm.s32 $0xFFFFFFFF;
	p2 =	slt.u32 s8, $0xFFFFF086  }
0x1c: {  	p1 =	slt.u32 s9, $0xF7A;
	s5 =	simm.s32 @!p2 $0x0  }
0x1d: {  	s5 =	simm.s32 @p1 $0x1;
	p0 =	seq.s32 s7, s2  }
0x1e: {  	s7 =	smul.u32 @!p0 $0xF7A, s2;
	p2 =	seq.s32 @!p0 s5, $0x0  }
0x1f: {  	s9 =	smul.u32 $0xF7A, s1;
	s8 =	simm.s32 @!p0 $0x1BF5;
	p2 =	por !p2, p0  }
0x20: {  	[sflag:s8] =	ssyncset.s32 @!p0 $0xFFFFF086;
	s6 =	sadd.s32 @!p0 s3, s7;
	s7 =	simm.s32 @!p0 $0x108  }
0x21: {  	s3 =	sadd.s32 s3, s9;
	s6 =	sadd.s32 @!p0 $0x88, s6;
	s7 =	simm.s32 @p2 $0x1082  }
0x22: {  	[simem:s7], [sflag:s8] =	dma.local @!p0 [hbm:s6], $0xF7A  }
0x23: {  	s9 =	sor.u32 $0xD0000000, s2;
	s6 =	simm.s32 $0x108;
	_ =	swait.ge @!p0 [sflag:s8], $0x0  }
0x24: {  	s3 =	sadd.s32 $0x88, s3;
	s6 =	simm.s32 @!p1 $0x1082;
	[sflag:s4] =	ssyncset.s32 $0xFFFFF086  }
0x25: {  	[simem:s6], [sflag:s4] =	dma.local [hbm:s3], $0xF7A  }
0x26: {  	[smem:$0x3F9B] =	sst s1;
	(tag) =	ssettag s2;
	_ =	strace s9  }
0x27: {  	s1 =	sld [smem:$0x3FAB]  }
0x28: {  	s2 =	sld [smem:$0x3FAC]  }
0x29: {  	s4 =	sld [smem:$0x3FAE]  }
0x2a: {  	p0 =	seq.s32 s5, $0x0;
	s5 =	sld [smem:$0x3FAF]  }
0x2b: {  	s6 =	sld [smem:$0x3FB0]  }
0x2c: {  	s7 =	sld [smem:$0x3FB1]  }
0x2d: {  	s3 =	simm.s32 $0x108;
	s8 =	sld [smem:$0x3FB2]  }
0x2e: {  	s3 =	simm.s32 @!p0 $0x1082;
	s9 =	sld [smem:$0x3FB3]  }
0x2f: {  	lr =	sadd.s32 s0, s3;
	s0 =	sld [smem:$0x3FAA]  }
0x30: {  	s3 =	sld [smem:$0x3FAD]  }
0x31: {  	[smem:$0x3FB6] =	sst s10  }
0x32: {  	s10 =	sld [smem:$0x3FB4];
	_ =	sdelay $0x3  }
0x33: {  	p0 =	seq.s32 s10, $0x1;
	s10 =	sld [smem:$0x3FB6];
	_ =	sdelay $0x3  }
0x34: {  	[smem:$0x3FB6] =	sst s10  }
0x35: {  	s10 =	sld [smem:$0x3FB5];
	_ =	sdelay $0x3  }
0x36: {  	p1 =	seq.s32 s10, $0x1;
	s10 =	sld [smem:$0x3FB6];
	_ =	sdelay $0x3  }
0x37: {  	[smem:$0x3FB6] =	sst s10  }
0x38: {  	s10 =	sld [smem:$0x3FB7]  }
0x39: {  	_ = 	snop;
	(pc) =	sbr.ind lr, $3  }
0x3a: {  	_ = 	snop  }
0x3b: {  	_ = 	snop  }
0x3c: {  	p2 =	seq.s32 s10, $0x1;
	s10 =	sld [smem:$0x3FB6]  }
0x3d: {  	_ =	shalt  }
0x3e: {  	_ =	shalt  }
0x3f: {  	_ =	shalt  }
0x40: {  	_ =	shalt  }
0x41: {  	_ =	shalt  }
0x42: {  	_ =	shalt  }
0x43: {  	_ =	shalt  }
0x44: {  	_ =	shalt  }
0x45: {  	_ =	shalt  }
0x46: {  	_ =	shalt  }
0x47: {  	_ =	shalt  }
0x48: {  	_ =	shalt  }
0x49: {  	_ =	shalt  }
0x4a: {  	_ =	shalt  }
0x4b: {  	_ =	shalt  }
0x4c: {  	_ =	shalt  }
0x4d: {  	_ =	shalt  }
0x4e: {  	_ =	shalt  }
0x4f: {  	_ =	shalt  }
0x50: {  	_ =	shalt  }
0x51: {  	_ =	shalt  }
0x52: {  	_ =	shalt  }
0x53: {  	_ =	shalt  }
0x54: {  	_ =	shalt  }
0x55: {  	_ =	shalt  }
0x56: {  	_ =	shalt  }
0x57: {  	_ =	shalt  }
0x58: {  	_ =	shalt  }
0x59: {  	_ =	shalt  }
0x5a: {  	_ =	shalt  }
0x5b: {  	_ =	shalt  }
0x5c: {  	_ =	shalt  }
0x5d: {  	_ =	shalt  }
0x5e: {  	_ =	shalt  }
0x5f: {  	_ =	shalt  }
0x60: {  	_ =	shalt  }
0x61: {  	_ =	shalt  }
0x62: {  	_ =	shalt  }
0x63: {  	_ =	shalt  }
0x64: {  	_ =	shalt  }
0x65: {  	_ =	shalt  }
0x66: {  	_ =	shalt  }
0x67: {  	_ =	shalt  }
0x68: {  	_ =	shalt  }
0x69: {  	_ =	shalt  }
0x6a: {  	_ =	shalt  }
0x6b: {  	_ =	shalt  }
0x6c: {  	_ =	shalt  }
0x6d: {  	_ =	shalt  }
0x6e: {  	_ =	shalt  }
0x6f: {  	_ =	shalt  }
0x70: {  	_ =	shalt  }
0x71: {  	_ =	shalt  }
0x72: {  	_ =	shalt  }
0x73: {  	_ =	shalt  }
0x74: {  	_ =	shalt  }
0x75: {  	_ =	shalt  }
0x76: {  	_ =	shalt  }
0x77: {  	_ =	shalt  }
0x78: {  	_ =	shalt  }
0x79: {  	_ =	shalt  }
0x7a: {  	_ =	shalt  }
0x7b: {  	_ =	shalt  }
0x7c: {  	_ =	shalt  }
0x7d: {  	_ =	shalt  }
0x7e: {  	_ =	shalt  }
0x7f: {  	_ =	shalt  }
0x80: {  	_ =	shalt  }
0x81: {  	_ =	shalt  }
0x82: {  	_ =	shalt  }
0x83: {  	_ =	shalt  }
0x84: {  	_ =	shalt  }
0x85: {  	_ =	shalt  }
0x86: {  	_ =	shalt  }
0x87: {  	_ =	shalt  }
.Lfunc_end0:
.L_simem_size_0:
called_computation_lowered:
.L_overlay_start_0:
0x88: {  	s2 =	sld [smem:$0x3FD9]  }
0x89: {  	s3 =	sld [smem:$0x3FFE];
	_ =	sdelay $0x1  }
0x8a: {  	s1 =	srdreg.scid  }
0x8b: {  	s0 =	sand.u32 $0x1, s1  }
0x8c: {  	s17 =	sshll.u32 s0, $0xA;
	s2 =	sadd.s32 s3, s2  }
0x8d: {  	s2 =	sadd.s32 s2, s17  }
0x8e: {  	[smem:$0x3FC2] =	sst s2  }
0x8f: {  	_ = 	snop  }
0x90: {  	s2 =	sld [smem:$0x3FC7]  }
0x91: {  	s18 =	sld [smem:$0x3FC5]  }
0x92: {  	s4 =	sld [smem:$0x3FC4]  }
0x93: {  	s5 =	sld [smem:$0x3FD0];
	(tm) =	ssettm $0x1  }
0x94: {  	s6 =	sld [smem:$0x3FFB];
	_ =	sdelay $0x3  }
0x95: {  	_ =	strace s6  }
0x96: {  	s6 =	sld [smem:$0x3FFC];
	_ =	sdelay $0x3  }
0x97: {  	_ =	strace s6  }
0x98: {  	s6 =	sld [smem:$0x3FFD];
	_ =	sdelay $0x3  }
0x99: {  	_ =	strace s6  }
0x9a: {  	_ =	strace $0x8FFFFFFF  }
0x9b: {  	s19 =	sld [smem:$0x3FDB];
	_ =	sdelay $0x1  }
0x9c: {  	s7 =	simm.s32 $_scs_section_size  }
0x9d: {  	s8 =	simm.s32 $_size__tile_overlayer_lowered;
	s9 =	simm.s32 $_tile_overlayer_lowered  }
0x9e: {  	s22 =	simm.s32 $0x1BFF;
	s21 =	sshll.u32 s9, $0x1;
	s6 =	sadd.s32 s7, s19  }
0x9f: {  	s10 =	simm.s32 $0x0;
	s20 =	sshll.u32 s8, $0x1;
	s8 =	sadd.s32 s21, s6  }
0xa0: {  	[timem:s10], [sflag:s22] =	dma.local [hbm:s8], s20  }
0xa1: {  	_ =	swait.ge [sflag:s22], s20  }
0xa2: {  	s7 =	ssub.s32 $0x0, s20;
	[sflag:s22] =	ssyncset.done $0x0  }
0xa3: {  	[sflag:s22] =	ssyncadd.s32 s7;
	_ =	sdelay $0x1  }
0xa4: {  	s23 =	simm.s32 $0x1B8B  }
0xa5: {  	_ =	swait.ge [sflag:s23], $0x1  }
0xa6: {  	[sflag:s23] =	ssyncset.done $0x0  }
0xa7: {  	s25 =	simm.s32 $0x1B8E;
	s24 =	sld [smem:$0x3FFE];
	[sflag:s23] =	ssyncadd.s32 $0xFFFFFFFF  }
0xa8: {  	s26 =	simm.s32 $execute0_lowered;
	[smem:$0x3FD2] =	sst s25  }
0xa9: {  	s8 =	sshll.u32 s26, $0x1;
	_ =	strace $0x80000046;
	[dreg:$0x1] =	wrdreg $0xFFFFFFFF  }
0xaa: {  	s28 =	simm.s32 $_size_execute0_lowered;
	s6 =	sadd.s32 s6, s8;
	[dreg:$0x0] =	wrdreg $0x0  }
0xab: {  	s8 =	sshll.u32 s28, $0x1;
	[dreg:$0x2] =	wrdreg s6  }
0xac: {  	[dreg:$0x3] =	wrdreg s8  }
0xad: {  	[dreg:$0x4] =	wrdreg $0xC0  }
0xae: {  	_ =	task [dreg:s10], $0x5FFFF  }
0xaf: {  	[dreg:$0x1] =	wrdreg $0xFFFFFFFF  }
0xb0: {  	[dreg:$0x0] =	wrdreg $0x60  }
0xb1: {  	[dreg:$0x2] =	wrdreg s24  }
0xb2: {  	[dreg:$0x3] =	wrdreg s18  }
0xb3: {  	[dreg:$0x4] =	wrdreg s4  }
0xb4: {  	[dreg:$0x5] =	wrdreg s2  }
0xb5: {  	[dreg:$0x6] =	wrdreg s5  }
0xb6: {  	[dreg:$0x7] =	wrdreg $0x9  }
0xb7: {  	_ =	task.clear_ibuf [dreg:s10], $0x8FFFF;
	_ =	strace $0x90000046  }
0xb8: {  	s29 =	simm.s32 $0x9;
	_ =	strace $0x80000048  }
0xb9: {  	_ =	swait.ge [sflag:s29], $0x1  }
0xba: {  	[sflag:s29] =	ssyncadd.s32 $0xFFFFFFFF  }
0xbb: {  	_ =	strace $0x90000048  }
0xbc: {  	_ =	sfence  }
0xbd: {  	s30 =	sld [smem:$0x0];
	_ =	sdelay $0x2  }
0xbe: {  	s31 =	sshll.u32 s1, $0xD;
	s1 =	sshrl.u32 s1, $0x2  }
0xbf: {  	s3 =	sand.u32 $0x4000, s31;
	s1 =	sadd.s32 s1, s30  }
0xc0: {  	s0 =	sor.u32 s3, s0;
	s1 =	sshll.u32 s1, $0x11  }
0xc1: {  	s0 =	sor.u32 s1, s0  }
0xc2: {  	s0 =	sadd.s32 $0x8F2B, s0  }
0xc3: {  	[sflag:s0] =	ssyncadd.remote.s32 $0x1  }
0xc4: {  	_ =	sfence.sel $0xFFFF  }
0xc5: {  	[dreg:$0x0] =	wrdreg $0xFFFFFFFF;
	(pc) =	sbr.abs _section_cstart, $3  }
0xc6: {  	[dreg:$0x1] =	wrdreg $0xFFFFFFFF  }
0xc7: {  	_ =	task.clear_ibuf [dreg:s10], $0x2FFFF;
	_ =	strace $0x9FFFFFFF  }
0xc8: {  	(tm) =	ssettm $0x7FFFFFFF  }
0xc9: {  	_ =	shalt  }
tec
execute0_lowered:
.L_overlay_start_1:
0x0: {  	(tag) =	ssettag $0x1  }
0x1: {  	s0 =	rddreg [dreg:$0x0]  }
0x2: {  	s1 =	rddreg [dreg:$0x1]  }
0x3: {  	s3 =	rddreg [dreg:$0x2]  }
0x4: {  	s15 =	rddreg [dreg:$0x4]  }
0x5: {  	s2 =	simm.s32 $0x0;
	s5 =	srdreg.scid;
	s6 =	stileid.u32  }
0x6: {  	s17 =	simm.s32 $0x2;
	s18 =	simm.s32 $0x200;
	s19 =	simm.s32 $0x80  }
0x7: {  	s20 =	simm.s32 $0x280;
	s21 =	simm.s32 $0x100;
	s22 =	simm.s32 $0x300  }
0x8: {  	s23 =	simm.s32 $0x180;
	s24 =	simm.s32 $0x380;
	s25 =	simm.s32 $0xE400  }
0x9: {  	s26 =	simm.s32 $0x1;
	s28 =	simm.s32 $0x10450;
	s29 =	simm.s32 $0x0  }
0xa: {  	[smem:$0x7FF] =	sst s2;
	s4 =	sadd.s32 $0x16E3E00, s0;
	s5 =	sand.u32 $0x1, s5  }
0xb: {  	s6 =	sshll.u32 s6, $0x7;
	_ =	strace $0x80000047;
	s7 =	ssub.s32 $0x2, s5  }
0xc: {  	s8 =	sshll.u32 s5, $0x6;
	s5 =	sadd.s32 $0xF42A00, s0;
	s9 =	sshrl.u32 s7, $0x1  }
0xd: {  	vm0 =	vmmov $0x1;
	v0 =	vimm.s32 $0x0;
	s16 =	sor.u32 s8, s6;
	s6 =	sadd.s32 $0x400, s0;
	s31 =	ssub.s32 s7, s9  }
0xe: {  	vm1 =	vmmov $0x3;
	vm2 =	vmmov $0x7;
	vm3 =	vmmov $0xf;
	s10 =	sor.u32 $0x10, s16;
	s7 =	sadd.s32 s1, s16;
	s8 =	sadd.s32 s3, s16  }
0xf: {  	vm4 =	vmmov $0x1f;
	vm5 =	vmmov $0x3f;
	vm6 =	vmmov $0x7f;
	s12 =	sor.u32 $0x20, s16;
	s14 =	sor.u32 $0x30, s16;
	s15 =	sadd.s32 s15, s16  }
0x10: {  	vm7 =	vmmov $0xff;
	vm8 =	vmmov $0x1ff;
	vm9 =	vmmov $0x3ff;
	s9 =	sadd.s32 s1, s10;
	s10 =	sadd.s32 s3, s10;
	s11 =	sadd.s32 s1, s12  }
0x11: {  	vm10 =	vmmov $0x7ff;
	vm11 =	vmmov $0xfff;
	v0 =	vsel vm0, $0xFFFFFFFF, v0;
	s12 =	sadd.s32 s3, s12;
	s13 =	sadd.s32 s1, s14;
	s14 =	sadd.s32 s3, s14  }
0x12: {  	vm12 =	vmmov $0x1fff;
	vm13 =	vmmov $0x3fff;
	vm14 =	vmmov $0x7fff;
	[tilespmem:$0x1FFF0] =	vst v0;
	s16 =	smax.u32 s31, $0x1;
	s3 =	simm.s32 $0xC400;
	s1 =	simm.s32 $0x6400  }
.LBB2_1:
0x13: {  	[tilespmem:s2], [sflag:$0x2] =	stream.linear.gather [hbm4b:s7+s2], $0x80, $0x38;
	[tilespmem:$0x10650] =	vst v63  }
0x14: {  	_ =	swait.ge [sflag:s17], $0x80  }
0x15: {  	[sflag:s17] =	ssyncset.done $0x0  }
0x16: {  	[sflag:s17] =	ssyncadd.s32 $0xFFFFFF80  }
0x17: {  	[tilespmem:s18], [sflag:$0x2] =	stream.linear.gather [hbm4b:s8+s2], $0x80, $0x38;
	[tilespmem:$0x10650] =	vst v63  }
0x18: {  	_ =	swait.ge [sflag:s17], $0x80  }
0x19: {  	[sflag:s17] =	ssyncset.done $0x0  }
0x1a: {  	[sflag:s17] =	ssyncadd.s32 $0xFFFFFF80  }
0x1b: {  	[tilespmem:s19], [sflag:$0x2] =	stream.linear.gather [hbm4b:s9+s2], $0x80, $0x38;
	[tilespmem:$0x10650] =	vst v63  }
0x1c: {  	_ =	swait.ge [sflag:s17], $0x80  }
0x1d: {  	[sflag:s17] =	ssyncset.done $0x0  }
0x1e: {  	[sflag:s17] =	ssyncadd.s32 $0xFFFFFF80  }
0x1f: {  	[tilespmem:s20], [sflag:$0x2] =	stream.linear.gather [hbm4b:s10+s2], $0x80, $0x38;
	[tilespmem:$0x10650] =	vst v63  }
0x20: {  	_ =	swait.ge [sflag:s17], $0x80  }
0x21: {  	[sflag:s17] =	ssyncset.done $0x0  }
0x22: {  	[sflag:s17] =	ssyncadd.s32 $0xFFFFFF80  }
0x23: {  	[tilespmem:s21], [sflag:$0x2] =	stream.linear.gather [hbm4b:s11+s2], $0x80, $0x38;
	[tilespmem:$0x10650] =	vst v63  }
0x24: {  	_ =	swait.ge [sflag:s17], $0x80  }
0x25: {  	[sflag:s17] =	ssyncset.done $0x0  }
0x26: {  	[sflag:s17] =	ssyncadd.s32 $0xFFFFFF80  }
0x27: {  	[tilespmem:s22], [sflag:$0x2] =	stream.linear.gather [hbm4b:s12+s2], $0x80, $0x38;
	[tilespmem:$0x10650] =	vst v63  }
0x28: {  	_ =	swait.ge [sflag:s17], $0x80  }
0x29: {  	[sflag:s17] =	ssyncset.done $0x0  }
0x2a: {  	[sflag:s17] =	ssyncadd.s32 $0xFFFFFF80  }
0x2b: {  	[tilespmem:s23], [sflag:$0x2] =	stream.linear.gather [hbm4b:s13+s2], $0x80, $0x38;
	[tilespmem:$0x10650] =	vst v63  }
0x2c: {  	_ =	swait.ge [sflag:s17], $0x80  }
0x2d: {  	[sflag:s17] =	ssyncset.done $0x0  }
0x2e: {  	[sflag:s17] =	ssyncadd.s32 $0xFFFFFF80  }
0x2f: {  	[tilespmem:s24], [sflag:$0x2] =	stream.linear.gather [hbm4b:s14+s2], $0x80, $0x38;
	[tilespmem:$0x10650] =	vst v63  }
0x30: {  	_ =	swait.ge [sflag:s17], $0x80  }
0x31: {  	[sflag:s17] =	ssyncset.done $0x0  }
0x32: {  	[sflag:s17] =	ssyncadd.s32 $0xFFFFFF80  }
0x33: {  	s30 =	simm.s32 $0x10400;
	s0 =	rddreg [dreg:$0x3]  }
0x34: {  	[tilespmem:s30], [sflag:$0x2] =	stream.linear.gather [hbm4b:s0+s2], $0x40, $0x38;
	[tilespmem:$0x10650] =	vst v63  }
0x35: {  	_ =	swait.ge [sflag:s17], $0x40  }
0x36: {  	[sflag:s17] =	ssyncset.done $0x0  }
0x37: {  	s0 =	simm.s32 $0x10440;
	[sflag:s17] =	ssyncadd.s32 $0xFFFFFFC0  }
0x38: {  	[tilespmem:s0], [sflag:$0x2] =	stream.linear.gather [hbm4b:s6+s2], $0x10, $0x38;
	[tilespmem:$0x10650] =	vst v63  }
0x39: {  	_ =	swait.ge [sflag:s17], $0x10  }
0x3a: {  	[sflag:s17] =	ssyncset.done $0x0  }
0x3b: {  	s0 =	simm.s32 $0x400;
	[sflag:s17] =	ssyncadd.s32 $0xFFFFFFF0  }
0x3c: {  	[tilespmem:s0], [sflag:$0x1] =	stream.indirect.gather [hbm4b:s4+s19], $0x40, s2, s19, $0xb8;
	[tilespmem:$0x10650] =	vst v63  }
0x3d: {  	s0 =	simm.s32 $0x8400  }
0x3e: {  	[tilespmem:s0], [sflag:$0x1] =	stream.indirect.gather [hbm4b:s5+s19], $0x40, s18, s19, $0xb8;
	[tilespmem:$0x10650] =	vst v63  }
0x3f: {  	s0 =	simm.s32 $0x2400  }
0x40: {  	[tilespmem:s0], [sflag:$0x1] =	stream.indirect.gather [hbm4b:s4+s19], $0x40, s19, s19, $0xb8;
	[tilespmem:$0x10650] =	vst v63  }
0x41: {  	s0 =	simm.s32 $0xA400  }
0x42: {  	[tilespmem:s0], [sflag:$0x1] =	stream.indirect.gather [hbm4b:s5+s19], $0x40, s20, s19, $0xb8;
	[tilespmem:$0x10650] =	vst v63  }
0x43: {  	s0 =	simm.s32 $0x4400  }
0x44: {  	[tilespmem:s0], [sflag:$0x1] =	stream.indirect.gather [hbm4b:s4+s19], $0x40, s21, s19, $0xb8;
	[tilespmem:$0x10650] =	vst v63  }
0x45: {  	_ = 	snop  }
0x46: {  	[tilespmem:s3], [sflag:$0x1] =	stream.indirect.gather [hbm4b:s5+s19], $0x40, s22, s19, $0xb8;
	[tilespmem:$0x10650] =	vst v63  }
0x47: {  	_ = 	snop  }
0x48: {  	[tilespmem:s1], [sflag:$0x1] =	stream.indirect.gather [hbm4b:s4+s19], $0x40, s23, s19, $0xb8;
	[tilespmem:$0x10650] =	vst v63  }
0x49: {  	_ = 	snop  }
0x4a: {  	[tilespmem:s25], [sflag:$0x1] =	stream.indirect.gather [hbm4b:s5+s19], $0x40, s24, s19, $0xb8;
	[tilespmem:$0x10650] =	vst v63  }
0x4b: {  	_ =	swait.ge [sflag:s26], $0x2000  }
0x4c: {  	[sflag:s26] =	ssyncset.done $0x0  }
0x4d: {  	[sflag:s26] =	ssyncadd.s32 $0xFFFFE000  }
0x4e: {  	_ =	swait.ge [sflag:s26], $0x2000  }
0x4f: {  	[sflag:s26] =	ssyncset.done $0x0  }
0x50: {  	[sflag:s26] =	ssyncadd.s32 $0xFFFFE000  }
0x51: {  	_ =	swait.ge [sflag:s26], $0x2000  }
0x52: {  	[sflag:s26] =	ssyncset.done $0x0  }
0x53: {  	[sflag:s26] =	ssyncadd.s32 $0xFFFFE000  }
0x54: {  	_ =	swait.ge [sflag:s26], $0x2000  }
0x55: {  	[sflag:s26] =	ssyncset.done $0x0  }
0x56: {  	[sflag:s26] =	ssyncadd.s32 $0xFFFFE000  }
0x57: {  	_ =	swait.ge [sflag:s26], $0x2000  }
0x58: {  	[sflag:s26] =	ssyncset.done $0x0  }
0x59: {  	[sflag:s26] =	ssyncadd.s32 $0xFFFFE000  }
0x5a: {  	_ =	swait.ge [sflag:s26], $0x2000  }
0x5b: {  	[sflag:s26] =	ssyncset.done $0x0  }
0x5c: {  	[sflag:s26] =	ssyncadd.s32 $0xFFFFE000  }
0x5d: {  	_ =	swait.ge [sflag:s26], $0x2000  }
0x5e: {  	[sflag:s26] =	ssyncset.done $0x0  }
0x5f: {  	[sflag:s26] =	ssyncadd.s32 $0xFFFFE000  }
0x60: {  	_ =	swait.ge [sflag:s26], $0x2000  }
0x61: {  	[sflag:s26] =	ssyncset.done $0x0  }
0x62: {  	[sflag:s26] =	ssyncadd.s32 $0xFFFFE000  }
0x63: {  	v2 =	vld [tilespmem:$0x10400]  }
0x64: {  	v1 =	vld [tilespmem:$0x10410]  }
0x65: {  	v3 =	vld [tilespmem:$0x10420]  }
0x66: {  	s0 =	simm.s32 $0x0;
	v0 =	vld [tilespmem:$0x10430]  }
0x67: {  	v4 =	vld [tilespmem:s0+$0x87F0]  }
0x68: {  	v5 =	vld [tilespmem:s0+$0x7F0]  }
0x69: {  	v6 =	vld [tilespmem:s0+$0x87E0]  }
0x6a: {  	v7 =	vld [tilespmem:s0+$0x7E0]  }
0x6b: {  	v8 =	vld [tilespmem:s0+$0x87B0]  }
0x6c: {  	v9 =	vld [tilespmem:s0+$0x7B0]  }
0x6d: {  	v10 =	vld [tilespmem:s0+$0x87C0]  }
0x6e: {  	v11 =	vld [tilespmem:s0+$0x7C0]  }
0x6f: {  	v20 =	vld [tilespmem:s0+$0x8780]  }
0x70: {  	v22 =	vld [tilespmem:s0+$0x8790]  }
0x71: {  	v17 =	vld [tilespmem:s0+$0x87A0]  }
0x72: {  	v25 =	vld [tilespmem:s0+$0x790]  }
0x73: {  	v24 =	vld [tilespmem:s0+$0x7A0]  }
0x74: {  	v32 =	vld [tilespmem:s0+$0x8750];
	v15 =	vmul.f32 v4, v5;
	v16 =	vmul.f32 v5, v5  }
0x75: {  	v36 =	vld [tilespmem:s0+$0x760];
	v14 =	vmul.f32 v4, v4;
	v5 =	vmul.f32 v6, v7  }
0x76: {  	v40 =	vld [tilespmem:s0+$0x8710];
	v18 =	vmul.f32 v6, v6;
	v6 =	vmul.f32 v8, v9  }
0x77: {  	v41 =	vld [tilespmem:s0+$0x700];
	v19 =	vmul.f32 v22, v22;
	v9 =	vmul.f32 v9, v9  }
0x78: {  	v60 =	vld [tilespmem:s0+$0x720];
	v8 =	vmul.f32 v8, v8;
	v21 =	vmul.f32 v17, v17  }
0x79: {  	v45 =	vld [tilespmem:s0+$0x86D0];
	v30 =	vmul.f32 v25, v25;
	v31 =	vmul.f32 v10, v11  }
0x7a: {  	v46 =	vld [tilespmem:s0+$0x86E0];
	v33 =	vmul.f32 v10, v10;
	v10 =	vmul.f32 v24, v24  }
0x7b: {  	v42 =	vld [tilespmem:s0+$0x86B0];
	v37 =	vmul.f32 v32, v32;
	v17 =	vmul.f32 v17, v24  }
0x7c: {  	v63 =	vld [tilespmem:s0+$0x6B0];
	v59 =	vmul.f32 v36, v36;
	v61 =	vmul.f32 v40, v40  }
0x7d: {  	v12 =	vld [tilespmem:s0+$0x87D0];
	v22 =	vmul.f32 v22, v25;
	v43 =	vmul.f32 v41, v41  }
0x7e: {  	v23 =	vld [tilespmem:s0+$0x780];
	v62 =	vmul.f32 v60, v60;
	v48 =	vmul.f32 v45, v45  }
0x7f: {  	v13 =	vld [tilespmem:s0+$0x7D0];
	v56 =	vmul.f32 v46, v46;
	v4 =	vmul.f32 v15, v0  }
0x80: {  	v26 =	vld [tilespmem:s0+$0x8770];
	v15 =	vmul.f32 v7, v7;
	v7 =	vmul.f32 v20, v20  }
0x81: {  	v27 =	vld [tilespmem:s0+$0x770];
	v58 =	vmul.f32 v42, v63;
	v42 =	vmul.f32 v42, v42  }
0x82: {  	v28 =	vld [tilespmem:s0+$0x8730];
	v17 =	vmul.f32 v17, v3;
	[tilespmem:$0x1FDE0] =	vst v4;
	v4 =	vmul.f32 v5, v3;
	v7 =	vadd.f32 v19, v7  }
0x83: {  	v29 =	vld [tilespmem:s0+$0x8740];
	v19 =	vmul.f32 v6, v0;
	v6 =	vmul.f32 v23, v23  }
0x84: {  	v52 =	vld [tilespmem:s0+$0x86A0];
	v22 =	vmul.f32 v22, v1;
	v23 =	vmul.f32 v20, v23;
	v7 =	vadd.f32 v21, v7  }
0x85: {  	v34 =	vld [tilespmem:s0+$0x8760];
	[tilespmem:$0x1FDD0] =	vst v4;
	v30 =	vadd.f32 v30, v6;
	v21 =	vmul.f32 v11, v11;
	v4 =	vmul.f32 v31, v2  }
0x86: {  	v35 =	vld [tilespmem:s0+$0x730];
	v31 =	vmul.f32 v13, v13;
	v23 =	vmul.f32 v23, v2;
	v8 =	vadd.f32 v8, v7  }
0x87: {  	v11 =	vld [tilespmem:s0+$0x740];
	v7 =	vmul.f32 v12, v13;
	v10 =	vadd.f32 v10, v30;
	v30 =	vmul.f32 v12, v12  }
0x88: {  	v13 =	vld [tilespmem:s0+$0x750];
	v12 =	vmul.f32 v26, v26;
	v26 =	vmul.f32 v26, v27  }
0x89: {  	[tilespmem:$0x1FDA0] =	vst v4;
	v21 =	vadd.f32 v31, v21;
	v31 =	vmul.f32 v52, v52;
	v4 =	vmul.f32 v7, v1  }
0x8a: {  	(xrf2) =	vadd.scan.msk.f32 $0xffff, v8;
	v8 =	vmul.f32 v29, v29;
	v9 =	vadd.f32 v9, v10;
	v10 =	vmul.f32 v27, v27  }
0x8b: {  	v27 =	vmul.f32 v34, v34;
	v24 =	vmul.f32 v26, v0  }
0x8c: {  	v26 =	vmul.f32 v28, v35;
	v34 =	vmul.f32 v34, v36  }
0x8d: {  	v36 =	vld [tilespmem:s0+$0x710];
	v8 =	vadd.f32 v37, v8;
	(xrf2) =	vadd.scan.msk.f32 $0xffff, v9;
	v9 =	vmul.f32 v11, v11;
	v39 =	vmul.f32 v13, v13  }
0x8e: {  	v28 =	vmul.f32 v28, v28;
	v35 =	vmul.f32 v35, v35;
	v37 =	vld [tilespmem:s0+$0x8700]  }
0x8f: {  	v20 =	vmul.f32 v34, v3;
	v34 =	vld [tilespmem:s0+$0x6D0];
	v8 =	vadd.f32 v27, v8;
	v9 =	vadd.f32 v39, v9  }
0x90: {  	v30 =	vadd.f32 v30, v33;
	v33 =	vmul.f32 v58, v0;
	v29 =	vmul.f32 v29, v11;
	v27 =	vld [tilespmem:s0+$0x8720]  }
0x91: {  	v38 =	vld [tilespmem:s0+$0x86F0];
	v13 =	vmul.f32 v32, v13;
	v12 =	vadd.f32 v12, v8;
	v9 =	vadd.f32 v59, v9  }
0x92: {  	[tilespmem:$0x1FDB0] =	vst v4;
	v4 =	vmul.f32 v26, v0;
	v39 =	vld [tilespmem:s0+$0x86C0];
	v44 =	vmul.f32 v36, v36  }
0x93: {  	v26 =	vld [tilespmem:s0+$0x6F0];
	v51 =	vmul.f32 v13, v1;
	(xrf2) =	vadd.scan.msk.f32 $0xffff, v12;
	v12 =	vmul.f32 v37, v37;
	v10 =	vadd.f32 v10, v9  }
0x94: {  	v21 =	vadd.f32 v15, v21;
	v36 =	vmul.f32 v40, v36;
	v57 =	vmul.f32 v34, v34  }
0x95: {  	v47 =	vld [tilespmem:s0+$0x6C0];
	[tilespmem:$0x1FDC0] =	vst v4;
	v34 =	vmul.f32 v45, v34;
	v25 =	vmul.f32 v27, v27;
	v12 =	vadd.f32 v61, v12;
	v9, _, _ =	vpop (xrf2)  }
0x96: {  	v43 =	vadd.f32 v44, v43;
	v37 =	vmul.f32 v37, v41;
	(xrf2) =	vadd.scan.msk.f32 $0xffff, v10;
	v4 =	vbroadcast v9, $0xF  }
0x97: {  	v27 =	vmul.f32 v27, v60;
	v55 =	vmul.f32 v39, v39;
	v12 =	vadd.f32 v25, v12;
	v10, _, _ =	vpop (xrf2)  }
0x98: {  	v18 =	vadd.f32 v18, v30;
	v25 =	vmul.f32 v38, v26;
	[tilespmem:$0x1FD70] =	vst v4;
	v4 =	vbroadcast v10, $0xF  }
0x99: {  	v54 =	vld [tilespmem:s0+$0x690];
	v12 =	vadd.f32 v28, v12;
	v28 =	vmul.f32 v26, v26;
	v26 =	vadd.f32 v62, v43  }
0x9a: {  	v21 =	vadd.f32 v16, v21;
	v39 =	vmul.f32 v39, v47;
	[tilespmem:$0x1FD80] =	vst v4;
	v4 =	vmul.f32 v27, v3;
	v27 =	vld [tilespmem:s0+$0x6E0]  }
0x9b: {  	v26 =	vadd.f32 v35, v26;
	v35 =	vmul.f32 v29, v2;
	v29 =	vadd.f32 v48, v55;
	v48 =	vld [tilespmem:s0+$0x8690]  }
0x9c: {  	v32 =	vld [tilespmem:s0+$0x8680];
	v18 =	vadd.f32 v14, v18;
	v34 =	vmul.f32 v34, v1;
	v38 =	vmul.f32 v38, v38;
	(xrf2) =	vadd.scan.msk.f32 $0xffff, v12  }
0x9d: {  	v41 =	vld [tilespmem:s0+$0x6A0];
	v39 =	vmul.f32 v39, v2;
	v25 =	vmul.f32 v25, v0;
	v12, _, _ =	vpop (xrf2);
	v29 =	vadd.f32 v56, v29  }
0x9e: {  	v49 =	vld [tilespmem:s0+$0x8670];
	[tilespmem:$0x1FD50] =	vst v4;
	(xrf2) =	vadd.scan.msk.f32 $0xffff, v26;
	v26 =	vmul.f32 v47, v47;
	v4 =	vbroadcast v12, $0xF  }
0x9f: {  	v5 =	vld [tilespmem:s0+$0x5B0];
	v29 =	vadd.f32 v38, v29;
	v38 =	vmul.f32 v63, v63;
	v53 =	vmul.f32 v27, v27  }
0xa0: {  	v43 =	vld [tilespmem:s0+$0x670];
	v26 =	vadd.f32 v57, v26;
	v50, _, _ =	vpop (xrf2);
	v27 =	vmul.f32 v46, v27;
	v60 =	vmul.f32 v48, v48  }
0xa1: {  	[tilespmem:$0x1FD40] =	vst v4;
	v4 =	vbroadcast v50, $0xF;
	v50 =	vld [tilespmem:s0+$0x680];
	(xrf2) =	vadd.scan.msk.f32 $0xffff, v29;
	v29 =	vmul.f32 v32, v32  }
0xa2: {  	v44 =	vld [tilespmem:s0+$0x8650];
	v63 =	vmul.f32 v54, v54;
	v57 =	vmul.f32 v41, v41;
	v59 =	vadd.f32 v53, v26  }
0xa3: {  	v41 =	vmul.f32 v52, v41;
	v26 =	vmul.f32 v27, v3;
	v53 =	vld [tilespmem:s0+$0x8640];
	v62 =	vadd.f32 v60, v29  }
0xa4: {  	v40 =	vld [tilespmem:s0+$0x8660];
	v27 =	vmul.f32 v37, v2;
	v29 =	vmul.f32 v36, v1;
	v28 =	vadd.f32 v28, v59  }
0xa5: {  	v36 =	vld [tilespmem:s0+$0x640];
	v60 =	vmul.f32 v49, v43;
	v49 =	vmul.f32 v49, v49;
	v31 =	vadd.f32 v31, v62  }
0xa6: {  	v34 =	vadd.f32 v34, v39;
	v56 =	vld [tilespmem:s0+$0x650];
	v43 =	vmul.f32 v43, v43;
	v61, _, _ =	vpop (xrf2);
	(xrf2) =	vadd.scan.msk.f32 $0xffff, v28;
	v28 =	vmul.f32 v50, v50  }
0xa7: {  	v46 =	vld [tilespmem:s0+$0x660];
	[tilespmem:$0x1FD60] =	vst v4;
	v37 =	vmul.f32 v60, v0;
	v4 =	vbroadcast v61, $0xF;
	v31 =	vadd.f32 v42, v31  }
0xa8: {  	v58 =	vld [tilespmem:s0+$0x630];
	v62 =	vmul.f32 v53, v53;
	v28 =	vadd.f32 v63, v28;
	v63 =	vmul.f32 v44, v44  }
0xa9: {  	v30 =	vld [tilespmem:s0+$0x8630];
	v55, _, _ =	vpop (xrf2);
	(xrf2) =	vadd.scan.msk.f32 $0xffff, v18;
	v18 =	vadd.f32 v22, v23;
	v22 =	vmul.f32 v40, v40;
	[tilespmem:$0x1FD20] =	vst v4  }
0xaa: {  	v59 =	vld [tilespmem:s0+$0x8610];
	v4 =	vbroadcast v55, $0xF;
	v23 =	vmul.f32 v36, v36;
	(xrf2) =	vadd.scan.msk.f32 $0xffff, v31;
	v31 =	vadd.f32 v63, v62  }
0xab: {  	v42 =	vld [tilespmem:s0+$0x8620];
	v36 =	vmul.f32 v53, v36;
	v44 =	vmul.f32 v44, v56;
	v61 =	vadd.f32 v57, v28  }
0xac: {  	v11 =	vld [tilespmem:s0+$0x8400];
	v28 =	vmul.f32 v41, v3;
	v16, _, _ =	vpop (xrf2);
	v22 =	vadd.f32 v22, v31;
	v31 =	vmul.f32 v40, v46  }
0xad: {  	[tilespmem:$0x1FD30] =	vst v4;
	v41 =	vmul.f32 v56, v56;
	v38 =	vadd.f32 v38, v61;
	v4 =	vbroadcast v16, $0xF;
	v61 =	vld [tilespmem:s0+$0x610]  }
0xae: {  	v57 =	vld [tilespmem:s0+$0x8600];
	v40 =	vmul.f32 v30, v30;
	v22 =	vadd.f32 v49, v22;
	v49 =	vmul.f32 v31, v3  }
0xaf: {  	v8 =	vld [tilespmem:s0+$0x8530];
	v31 =	vmul.f32 v32, v50;
	v50 =	vmul.f32 v59, v59  }
0xb0: {  	v34 =	vadd.f32 v26, v34;
	v55 =	vld [tilespmem:s0+$0x600];
	(xrf2) =	vadd.scan.msk.f32 $0xffff, v38;
	v38 =	vmul.f32 v48, v54;
	v54 =	vmul.f32 v42, v42;
	v45, _, _ =	vpop (xrf2)  }
0xb1: {  	v23 =	vadd.f32 v41, v23;
	v41 =	vld [tilespmem:s0+$0x85C0];
	[tilespmem:$0x1FCF0] =	vst v4;
	v4 =	vbroadcast v45, $0xF;
	v45 =	vmul.f32 v46, v46  }
0xb2: {  	v60 =	vadd.f32 v17, v18;
	v38 =	vmul.f32 v38, v1;
	v46 =	vld [tilespmem:s0+$0x620];
	v62 =	vmul.f32 v61, v61  }
0xb3: {  	v32 =	vld [tilespmem:s0+$0x85D0];
	[tilespmem:$0x1FD10] =	vst v4;
	v4 =	vmul.f32 v30, v58;
	v23 =	vadd.f32 v45, v23;
	v45 =	vmul.f32 v57, v57  }
0xb4: {  	v63 =	vld [tilespmem:s0+$0x5D0];
	v48 =	vadd.f32 v19, v60;
	v59 =	vmul.f32 v59, v61;
	v30 =	vmul.f32 v58, v58  }
0xb5: {  	v58 =	vld [tilespmem:s0+$0x85E0];
	v57 =	vmul.f32 v57, v55;
	v45 =	vadd.f32 v50, v45;
	v50 =	vmul.f32 v55, v55  }
0xb6: {  	v60 =	vld [tilespmem:s0+$0x5C0];
	(xrf2) =	vadd.scan.msk.f32 $0xffff, v21;
	v23 =	vadd.f32 v43, v23;
	v43 =	vmul.f32 v31, v2;
	v31 =	vadd.f32 v51, v35  }
0xb7: {  	v47 =	vld [tilespmem:s0+$0x85F0];
	[tilespmem:$0x1FD00] =	vst v4;
	v51 =	vmul.f32 v46, v46;
	v4, _, _ =	vpop (xrf2);
	v45 =	vadd.f32 v54, v45;
	v50 =	vadd.f32 v62, v50  }
0xb8: {  	v54 =	vld [tilespmem:s0+$0x5E0];
	v62 =	vadd.f32 v20, v31;
	v31 =	vmul.f32 v41, v41;
	[tilespmem:$0x1FD90] =	vst v4;
	v21, _, _ =	vpop (xrf2);
	v4 =	vmul.f32 v32, v32  }
0xb9: {  	v52 =	vld [tilespmem:s0+$0x5F0];
	(xrf2) =	vadd.scan.msk.f32 $0xffff, v22;
	v6 =	vbroadcast v21, $0xF;
	v21 =	vadd.f32 v40, v45;
	v22 =	vadd.f32 v51, v50  }
0xba: {  	v39 =	vld [tilespmem:s0+$0x580];
	v45 =	vmul.f32 v42, v46;
	v4 =	vadd.f32 v4, v31;
	v31 =	vmul.f32 v58, v58  }
0xbb: {  	v10 =	vld [tilespmem:s0+$0x84E0];
	v42 =	vmul.f32 v60, v60;
	v40 =	vadd.f32 v30, v22;
	v22 =	vmul.f32 v63, v63  }
0xbc: {  	v12 =	vld [tilespmem:s0+$0x8430];
	v41 =	vmul.f32 v41, v60;
	v4 =	vadd.f32 v31, v4;
	v31 =	vmul.f32 v47, v47  }
0xbd: {  	v56 =	vld [tilespmem:s0+$0x8580];
	v38 =	vadd.f32 v38, v43;
	v53 =	vmul.f32 v54, v54;
	v22 =	vadd.f32 v22, v42  }
0xbe: {  	(xrf2) =	vadd.scan.msk.f32 $0xffff, v23;
	v43 =	vmul.f32 v32, v63;
	v42 =	vadd.f32 v31, v4;
	v4 =	vmul.f32 v47, v52;
	v47 =	vld [tilespmem:s0+$0x8590]  }
0xbf: {  	(xrf2) =	vadd.scan.msk.f32 $0xffff, v48;
	v48 =	vadd.f32 v25, v34;
	v46 =	vld [tilespmem:s0+$0x5A0];
	v52 =	vmul.f32 v52, v52;
	v53 =	vadd.f32 v53, v22  }
0xc0: {  	v34 =	vmul.f32 v39, v39;
	v38 =	vadd.f32 v28, v38;
	v28 =	vmul.f32 v57, v2;
	v30 =	vld [tilespmem:s0+$0x85A0];
	v31, _, _ =	vpop (xrf2)  }
0xc1: {  	v23 =	vmul.f32 v45, v3;
	v22 =	vbroadcast v31, $0xF;
	v45 =	vadd.f32 v52, v53;
	v52 =	vld [tilespmem:s0+$0x590]  }
0xc2: {  	v35 =	vld [tilespmem:s0+$0x85B0];
	v31 =	vmul.f32 v4, v0;
	v4 =	vmul.f32 v36, v2  }
0xc3: {  	v61 =	vld [tilespmem:s0+$0x8560];
	v36 =	vmul.f32 v56, v56;
	v55 =	vmul.f32 v47, v47  }
0xc4: {  	v25 =	vld [tilespmem:s0+$0x84F0];
	v7 =	vmul.f32 v41, v2;
	v43 =	vmul.f32 v43, v1;
	(xrf2) =	vadd.scan.msk.f32 $0xffff, v21;
	v21 =	vadd.f32 v24, v62  }
0xc5: {  	v50 =	vld [tilespmem:s0+$0x8570];
	v24 =	vadd.f32 v29, v27;
	v29 =	vmul.f32 v30, v30;
	v27 =	vadd.f32 v55, v36  }
0xc6: {  	[tilespmem:$0x1FCE0] =	vst v6;
	v6 =	vld [tilespmem:s0+$0x4C0];
	v36 =	vmul.f32 v30, v46;
	v55 =	vmul.f32 v52, v52  }
0xc7: {  	v51 =	vld [tilespmem:s0+$0x570];
	v30 =	vmul.f32 v46, v46;
	v27 =	vadd.f32 v29, v27;
	v29 =	vmul.f32 v35, v35  }
0xc8: {  	v32 =	vadd.f32 v55, v34;
	v34 =	vmul.f32 v56, v39;
	v39 =	vmul.f32 v35, v5;
	v35 =	vld [tilespmem:s0+$0x8550]  }
0xc9: {  	v54 =	vmul.f32 v58, v54;
	v55 =	vadd.f32 v29, v27;
	v27 =	vmul.f32 v44, v1;
	v44 =	vld [tilespmem:s0+$0x8540]  }
0xca: {  	v58, _, _ =	vpop (xrf2);
	v47 =	vmul.f32 v47, v52;
	v52 =	vld [tilespmem:s0+$0x540];
	v5 =	vmul.f32 v5, v5  }
0xcb: {  	v62 =	vld [tilespmem:s0+$0x560];
	v33 =	vadd.f32 v33, v38;
	v9 =	vmul.f32 v6, v6;
	v26, _, _ =	vpop (xrf2);
	v29 =	vadd.f32 v30, v32  }
0xcc: {  	v30, _, _ =	vpop (xrf2);
	v32 =	vmul.f32 v39, v0;
	v39 =	vmul.f32 v54, v3;
	v54 =	vld [tilespmem:s0+$0x550];
	v4 =	vadd.f32 v27, v4  }
0xcd: {  	v63 =	vld [tilespmem:s0+$0x8520];
	v27 =	vbroadcast v30, $0xF;
	v20, _, _ =	vpop (xrf2);
	v56 =	vadd.f32 v5, v29;
	v29 =	vmul.f32 v59, v1  }
0xce: {  	v38 =	vld [tilespmem:s0+$0x8500];
	v5, _, _ =	vpop (xrf2);
	v4 =	vadd.f32 v49, v4;
	v41 =	vmul.f32 v35, v35;
	v49 =	vmul.f32 v44, v44  }
0xcf: {  	v17 =	vadd.f32 v43, v7;
	v30 =	vbroadcast v5, $0xF;
	v5 =	vld [tilespmem:s0+$0x8510];
	v18 =	vmul.f32 v44, v52  }
0xd0: {  	v44 =	vmul.f32 v52, v52;
	v52 =	vld [tilespmem:s0+$0x500];
	v41 =	vadd.f32 v41, v49;
	v49 =	vmul.f32 v61, v61  }
0xd1: {  	v53 =	vld [tilespmem:s0+$0x530];
	v37 =	vadd.f32 v37, v4;
	v43 =	vmul.f32 v35, v54;
	v35 =	vmul.f32 v54, v54  }
0xd2: {  	v54 =	vmul.f32 v50, v50;
	v49 =	vadd.f32 v49, v41;
	v41 =	vmul.f32 v50, v51;
	v50 =	vld [tilespmem:s0+$0x510]  }
0xd3: {  	v46 =	vld [tilespmem:s0+$0x520];
	v35 =	vadd.f32 v35, v44;
	v44 =	vmul.f32 v61, v62;
	v61 =	vmul.f32 v62, v62  }
0xd4: {  	v4 =	vmul.f32 v5, v5;
	v15 =	vadd.f32 v54, v49;
	v54 =	vld [tilespmem:s0+$0x84C0];
	v49 =	vmul.f32 v38, v38  }
0xd5: {  	v51 =	vmul.f32 v51, v51;
	v61 =	vadd.f32 v61, v35;
	v35 =	vmul.f32 v38, v52;
	v38 =	vld [tilespmem:s0+$0x84D0]  }
0xd6: {  	v60 =	vld [tilespmem:s0+$0x4F0];
	v52 =	vmul.f32 v52, v52;
	v49 =	vadd.f32 v4, v49;
	v4 =	vmul.f32 v63, v63  }
0xd7: {  	v57 =	vld [tilespmem:s0+$0x84B0];
	v61 =	vadd.f32 v51, v61;
	v19 =	vmul.f32 v5, v50;
	v50 =	vmul.f32 v50, v50  }
0xd8: {  	v51 =	vmul.f32 v8, v53;
	v4 =	vadd.f32 v4, v49;
	v49 =	vmul.f32 v8, v8;
	v8 =	vld [tilespmem:s0+$0x4D0]  }
0xd9: {  	v62 =	vld [tilespmem:s0+$0x4E0];
	v50 =	vadd.f32 v50, v52;
	v52 =	vmul.f32 v63, v46;
	v46 =	vmul.f32 v46, v46  }
0xda: {  	(xrf2) =	vadd.scan.msk.f32 $0xffff, v40;
	v5 =	vmul.f32 v54, v54;
	v14 =	vadd.f32 v49, v4;
	v49 =	vld [tilespmem:s0+$0x8480];
	v4 =	vmul.f32 v38, v38  }
0xdb: {  	(xrf2) =	vadd.scan.msk.f32 $0xffff, v42;
	v53 =	vmul.f32 v53, v53;
	v46 =	vadd.f32 v46, v50;
	v50 =	vmul.f32 v54, v6;
	v54 =	vld [tilespmem:s0+$0x8490]  }
0xdc: {  	v7 =	vld [tilespmem:s0+$0x480];
	(xrf2) =	vadd.scan.msk.f32 $0xffff, v45;
	v45 =	vmul.f32 v11, v11;
	v5 =	vadd.f32 v4, v5;
	v4 =	vmul.f32 v10, v10  }
0xdd: {  	v46 =	vadd.f32 v53, v46;
	v38 =	vmul.f32 v38, v8;
	v8 =	vmul.f32 v8, v8;
	v53 =	vld [tilespmem:s0+$0x84A0]  }
0xde: {  	v16 =	vmul.f32 v10, v62;
	v6 =	vadd.f32 v4, v5;
	v5 =	vmul.f32 v25, v25;
	v4 =	vld [tilespmem:s0+$0x490]  }
0xdf: {  	v10 =	vmul.f32 v62, v62;
	v62 =	vld [tilespmem:s0+$0x4A0];
	v25 =	vmul.f32 v25, v60;
	v9 =	vadd.f32 v8, v9  }
0xe0: {  	v59 =	vld [tilespmem:s0+$0x4B0];
	v13 =	vadd.f32 v5, v6;
	v6 =	vmul.f32 v49, v49;
	v5 =	vmul.f32 v54, v54  }
0xe1: {  	v8 =	vmul.f32 v7, v7;
	v9 =	vadd.f32 v10, v9;
	v10 =	vmul.f32 v60, v60;
	v60 =	vld [tilespmem:s0+$0x8410]  }
0xe2: {  	v49 =	vmul.f32 v49, v7;
	v5 =	vadd.f32 v5, v6;
	v7 =	vmul.f32 v53, v53;
	v6 =	vld [tilespmem:s0+$0x400]  }
0xe3: {  	v9 =	vadd.f32 v10, v9;
	v10 =	vmul.f32 v54, v4;
	v4 =	vmul.f32 v4, v4;
	v54 =	vld [tilespmem:s0+$0x8420]  }
0xe4: {  	v40 =	vld [tilespmem:s0+$0x410];
	v5 =	vadd.f32 v7, v5;
	v7 =	vmul.f32 v53, v62;
	v53 =	vmul.f32 v57, v57  }
0xe5: {  	v42 =	vmul.f32 v57, v59;
	v57 =	vld [tilespmem:s0+$0x420];
	v4 =	vadd.f32 v4, v8;
	v8 =	vmul.f32 v62, v62  }
0xe6: {  	v41 =	vmul.f32 v41, v0;
	v62 =	vld [tilespmem:s0+$0x8440];
	v5 =	vadd.f32 v53, v5;
	v53 =	vmul.f32 v60, v60  }
0xe7: {  	(xrf2) =	vadd.scan.msk.f32 $0xffff, v21;
	v21 =	vld [tilespmem:s0+$0x8450];
	v4 =	vadd.f32 v8, v4;
	v8 =	vmul.f32 v59, v59;
	v11 =	vmul.f32 v11, v6  }
0xe8: {  	(xrf2) =	vadd.scan.msk.f32 $0xffff, v48;
	v63 =	vld [tilespmem:s0+$0x430];
	v6 =	vmul.f32 v6, v6;
	v45 =	vadd.f32 v53, v45;
	v59 =	vmul.f32 v54, v54  }
0xe9: {  	(xrf2) =	vadd.scan.msk.f32 $0xffff, v55;
	v53 =	vld [tilespmem:s0+$0x440];
	v4 =	vadd.f32 v8, v4;
	v8 =	vmul.f32 v60, v40;
	v40 =	vmul.f32 v40, v40  }
0xea: {  	v55 =	vld [tilespmem:s0+$0x8460];
	(xrf2) =	vadd.scan.msk.f32 $0xffff, v56;
	v48 =	vmul.f32 v54, v57;
	v60 =	vmul.f32 v12, v12;
	v45 =	vadd.f32 v59, v45  }
0xeb: {  	v56 =	vld [tilespmem:s0+$0x450];
	(xrf2) =	vadd.scan.msk.f32 $0xffff, v33;
	v33 =	vmul.f32 v57, v57;
	v54 =	vmul.f32 v62, v62  }
0xec: {  	(xrf2) =	vadd.scan.msk.f32 $0xffff, v37;
	v6 =	vadd.f32 v40, v6;
	v40 =	vld [tilespmem:s0+$0x8470];
	v37 =	vadd.f32 v60, v45;
	v60 =	vmul.f32 v21, v21  }
0xed: {  	v35 =	vmul.f32 v35, v2;
	(xrf2) =	vadd.scan.msk.f32 $0xffff, v15;
	v15 =	vmul.f32 v63, v63;
	v45 =	vld [tilespmem:s0+$0x460]  }
0xee: {  	v6 =	vadd.f32 v33, v6;
	v59 =	vmul.f32 v62, v53;
	v33 =	vadd.f32 v60, v54  }
0xef: {  	(xrf2) =	vadd.scan.msk.f32 $0xffff, v61;
	v53 =	vmul.f32 v53, v53;
	v54, _, _ =	vpop (xrf2);
	v60 =	vmul.f32 v55, v55  }
0xf0: {  	v57 =	vld [tilespmem:s0+$0x470];
	(xrf2) =	vadd.scan.msk.f32 $0xffff, v14;
	v14 =	vmul.f32 v21, v56;
	v6 =	vadd.f32 v15, v6;
	v15 =	vmul.f32 v56, v56;
	v21, _, _ =	vpop (xrf2)  }
0xf1: {  	v16 =	vmul.f32 v16, v3;
	(xrf2) =	vadd.scan.msk.f32 $0xffff, v46;
	v46 =	vadd.f32 v60, v33;
	v56, _, _ =	vpop (xrf2);
	v60 =	vmul.f32 v40, v40  }
0xf2: {  	v19 =	vmul.f32 v19, v1;
	(xrf2) =	vadd.scan.msk.f32 $0xffff, v13;
	v13 =	vadd.f32 v15, v53;
	v15 =	vmul.f32 v55, v45;
	v33, _, _ =	vpop (xrf2)  }
0xf3: {  	v45 =	vmul.f32 v45, v45;
	(xrf2) =	vadd.scan.msk.f32 $0xffff, v9;
	v9 =	vadd.f32 v60, v46;
	v46 =	vmul.f32 v36, v3;
	v36, _, _ =	vpop (xrf2)  }
0xf4: {  	v38 =	vmul.f32 v38, v1;
	v12 =	vmul.f32 v12, v63;
	(xrf2) =	vadd.scan.msk.f32 $0xffff, v5;
	v61, _, _ =	vpop (xrf2)  }
0xf5: {  	v60 =	vmul.f32 v57, v57;
	v5 =	vadd.f32 v45, v13;
	(xrf2) =	vadd.scan.msk.f32 $0xffff, v4;
	v4 =	vadd.f32 v39, v17;
	v62, _, _ =	vpop (xrf2)  }
0xf6: {  	v63 =	vmul.f32 v34, v2;
	v53 =	vmul.f32 v47, v1;
	(xrf2) =	vadd.scan.msk.f32 $0xffff, v37;
	v34, _, _ =	vpop (xrf2)  }
0xf7: {  	v13 =	vmul.f32 v40, v57;
	v5 =	vadd.f32 v60, v5;
	(xrf2) =	vadd.scan.msk.f32 $0xffff, v6;
	v4 =	vadd.f32 v31, v4;
	v31, _, _ =	vpop (xrf2)  }
0xf8: {  	v17 =	vbroadcast v21, $0xF;
	v21 =	vbroadcast v56, $0xF;
	(xrf2) =	vadd.scan.msk.f32 $0xffff, v9;
	v56, _, _ =	vpop (xrf2)  }
0xf9: {  	v6 =	vmul.f32 v18, v2;
	v18 =	vmul.f32 v43, v1;
	(xrf2) =	vadd.scan.msk.f32 $0xffff, v5;
	v57, _, _ =	vpop (xrf2)  }
0xfa: {  	v25 =	vmul.f32 v25, v0;
	v10 =	vmul.f32 v10, v1;
	v9 =	vadd.f32 v53, v63;
	v60, _, _ =	vpop (xrf2)  }
0xfb: {  	v63 =	vmul.f32 v49, v2;
	v5 =	vadd.f32 v18, v6;
	v6 =	vbroadcast v61, $0xF;
	v61, _, _ =	vpop (xrf2)  }
0xfc: {  	v18 =	vbroadcast v62, $0xF;
	v62 =	vmul.f32 v50, v2;
	v9 =	vadd.f32 v46, v9;
	v46, _, _ =	vpop (xrf2)  }
0xfd: {  	v7 =	vmul.f32 v7, v3;
	v55 =	vmul.f32 v44, v3;
	v10 =	vadd.f32 v10, v63;
	v47, _, _ =	vpop (xrf2)  }
0xfe: {  	v11 =	vmul.f32 v11, v2;
	v9 =	vadd.f32 v32, v9;
	v32 =	vadd.f32 v38, v62;
	v50, _, _ =	vpop (xrf2)  }
0xff: {  	v8 =	vmul.f32 v8, v1;
	v37 =	vmul.f32 v51, v0;
	v51, _, _ =	vpop (xrf2)  }
0x100: {  	v7 =	vadd.f32 v7, v10;
	v10 =	vbroadcast v61, $0xF;
	v61 =	vld [tilespmem:$0x1FFF0];
	v16 =	vadd.f32 v16, v32;
	v53, _, _ =	vpop (xrf2)  }
0x101: {  	v44 =	vmul.f32 v52, v3;
	v49 =	vmul.f32 v42, v0;
	v5 =	vadd.f32 v55, v5;
	v55, _, _ =	vpop (xrf2)  }
0x102: {  	v40 =	vbroadcast v56, $0xF;
	v39 =	vbroadcast v57, $0xF;
	v16 =	vadd.f32 v25, v16;
	v25, _, _ =	vpop (xrf2)  }
0x103: {  	v8 =	vadd.f32 v8, v11;
	v52 =	vbroadcast v60, $0xF;
	v63 =	vbroadcast v46, $0xF;
	v57, _, _ =	vpop (xrf2)  }
0x104: {  	v5 =	vadd.f32 v41, v5;
	v11 =	vbroadcast v55, $0xF;
	v60 =	vbroadcast v57, $0xF  }
0x105: {  	v46 =	vbroadcast v47, $0xF;
	v41 =	vbroadcast v51, $0xF;
	vm0 =	vnez.u8 v61  }
0x106: {  	v56 =	vbroadcast v53, $0xF;
	v25 =	vbroadcast v25, $0xF;
	v11 =	vsel vm0, v11, v60  }
0x107: {  	v14 =	vmul.f32 v14, v1;
	v62 =	vbroadcast v50, $0xF;
	v11 =	vsel vm1, v11, v41  }
0x108: {  	(xrf2) =	vadd.scan.msk.f32 $0xffff, v4;
	v7 =	vadd.f32 v49, v7;
	v25 =	vsel vm0, v56, v25;
	v11 =	vsel vm2, v11, v46  }
0x109: {  	(xrf2) =	vadd.scan.msk.f32 $0xffff, v9;
	v47 =	vmul.f32 v59, v2;
	v25 =	vsel vm1, v25, v62;
	v9 =	vsel vm3, v11, v10  }
0x10a: {  	(xrf2) =	vadd.scan.msk.f32 $0xffff, v5;
	v25 =	vsel vm2, v25, v63;
	v5 =	vsel vm4, v9, v39;
	v9 =	vadd.f32 v19, v35  }
0x10b: {  	v4 =	vadd.f32 v14, v47;
	(xrf2) =	vadd.scan.msk.f32 $0xffff, v16;
	v14 =	vsel vm3, v25, v52  }
0x10c: {  	(xrf2) =	vadd.scan.msk.f32 $0xffff, v7;
	v10 =	vsel vm4, v14, v40;
	v7 =	vadd.f32 v44, v9;
	v9 =	vld [tilespmem:$0x1FCE0]  }
0x10d: {  	v26 =	vbroadcast v26, $0xF;
	v6 =	vsel vm5, v10, v6  }
0x10e: {  	v12 =	vmul.f32 v12, v0;
	v45 =	vmul.f32 v48, v3;
	v6 =	vsel vm6, v6, v17  }
0x10f: {  	v54 =	vbroadcast v54, $0xF;
	v15 =	vmul.f32 v15, v3;
	v6 =	vsel vm7, v6, v30  }
0x110: {  	v13 =	vmul.f32 v13, v0;
	v8 =	vadd.f32 v45, v8;
	v6 =	vsel vm8, v6, v26  }
0x111: {  	v4 =	vadd.f32 v15, v4;
	v5 =	vsel vm5, v5, v18;
	v6 =	vsel vm9, v6, v9;
	v9 =	vld [tilespmem:$0x1FD10]  }
0x112: {  	v8 =	vadd.f32 v12, v8;
	v5 =	vsel vm6, v5, v21  }
0x113: {  	v4 =	vadd.f32 v13, v4;
	v5 =	vsel vm7, v5, v54  }
0x114: {  	(xrf2) =	vadd.scan.msk.f32 $0xffff, v8;
	v5 =	vsel vm8, v5, v27  }
0x115: {  	(xrf2) =	vadd.scan.msk.f32 $0xffff, v4;
	v4 =	vadd.f32 v37, v7;
	v7 =	vld [tilespmem:$0x1FCF0];
	v5 =	vsel vm9, v5, v22  }
0x116: {  	v5 =	vsel vm10, v5, v9;
	v9 =	vld [tilespmem:$0x1FD20];
	_ =	sdelay $0x3  }
0x117: {  	v6 =	vsel vm10, v6, v7;
	v7 =	vld [tilespmem:$0x1FD00]  }
0x118: {  	v6 =	vsel vm11, v6, v9;
	v9 =	vld [tilespmem:$0x1FD30];
	_ =	sdelay $0x1  }
0x119: {  	v8 =	vadd.f32 v29, v28;
	_ =	sdelay $0x1  }
0x11a: {  	v8 =	vadd.f32 v23, v8;
	v10 =	vld [tilespmem:$0x1FD60];
	v7 =	vmul.f32 v7, v0  }
0x11b: {  	v5 =	vsel vm11, v5, v9;
	v9 =	vld [tilespmem:$0x1FD40]  }
0x11c: {  	v7 =	vadd.f32 v7, v8;
	v8 =	vld [tilespmem:$0x1FD80];
	_ =	sdelay $0x2  }
0x11d: {  	v5 =	vsel vm12, v5, v10;
	v10 =	vld [tilespmem:$0x1FD70]  }
0x11e: {  	v6 =	vsel vm12, v6, v9;
	v9 =	vld [tilespmem:$0x1FD50]  }
0x11f: {  	v5 =	vsel vm13, v5, v8;
	v8 =	vld [tilespmem:$0x1FD90]  }
0x120: {  	v19 =	vld [tilespmem:$0x1FDC0]  }
0x121: {  	v16 =	vld [tilespmem:$0x1FDA0]  }
0x122: {  	v17 =	vld [tilespmem:$0x1FDB0];
	(xrf2) =	vadd.scan.msk.f32 $0xffff, v4;
	v5 =	vsel vm14, v5, v58  }
0x123: {  	v4, _, _ =	vpop (xrf2);
	v14 =	vshrl.u32 v5, $0x1;
	v6 =	vsel vm13, v6, v10;
	v9 =	vadd.f32 v9, v24  }
0x124: {  	v21 =	vld [tilespmem:$0x1FDD0];
	v15 =	vmul.f32 $5.000000000e-01, v5;
	v14 =	vsub.s32 $0x5F3759DF, v14;
	v10, _, _ =	vpop (xrf2);
	v6 =	vsel vm14, v6, v8  }
0x125: {  	v8, _, _ =	vpop (xrf2);
	v11 =	vshrl.u32 v6, $0x1;
	v12 =	vmul.f32 $5.000000000e-01, v6;
	v9 =	vadd.f32 v19, v9  }
0x126: {  	v13, _, _ =	vpop (xrf2);
	(xrf2) =	vadd.scan.msk.f32 $0xffff, v7;
	v11 =	vsub.s32 $0x5F3759DF, v11;
	v19 =	vbroadcast v20, $0xF;
	v20 =	vmul.f32 v14, v15  }
0x127: {  	v16 =	vadd.f32 v17, v16;
	v7, _, _ =	vpop (xrf2);
	v17 =	vmul.f32 v11, v12;
	(xrf2) =	vadd.scan.msk.f32 $0xffff, v9;
	v9 =	vbroadcast v13, $0xF;
	v13 =	vld [tilespmem:$0x1FDE0]  }
0x128: {  	v18, _, _ =	vpop (xrf2);
	v20 =	vmul.f32 v14, v20  }
0x129: {  	v16 =	vadd.f32 v21, v16;
	v21, _, _ =	vpop (xrf2);
	v17 =	vmul.f32 v11, v17  }
0x12a: {  	v18 =	vbroadcast v18, $0xF;
	v21 =	vbroadcast v21, $0xF  }
0x12b: {  	v7 =	vbroadcast v7, $0xF;
	v17 =	vsub.f32 $1.500000000e+00, v17  }
0x12c: {  	v13 =	vadd.f32 v13, v16;
	v16 =	vsel vm0, v18, v21;
	v18 =	vsub.f32 $1.500000000e+00, v20;
	v20, _, _ =	vpop (xrf2)  }
0x12d: {  	v8 =	vbroadcast v8, $0xF;
	v7 =	vsel vm1, v16, v7;
	v16 =	vbroadcast v20, $0xF  }
0x12e: {  	v11 =	vmul.f32 v11, v17;
	v7 =	vsel vm2, v7, v9;
	v9 =	vmul.f32 v14, v18  }
0x12f: {  	v4 =	vbroadcast v4, $0xF;
	v10 =	vbroadcast v10, $0xF;
	v7 =	vsel vm3, v7, v16  }
0x130: {  	v12 =	vmul.f32 v11, v12;
	(xrf2) =	vadd.scan.msk.f32 $0xffff, v13;
	v7 =	vsel vm4, v7, v8;
	v8 =	vmul.f32 v9, v15;
	v13, _, _ =	vpop (xrf2)  }
0x131: {  	v7 =	vsel vm5, v7, v10;
	v10 =	vbroadcast v13, $0xF;
	v13 =	vbroadcast v31, $0xF  }
0x132: {  	v4 =	vsel vm6, v7, v4;
	v7 =	vmul.f32 v8, v9;
	v8 =	vmul.f32 v12, v11;
	_ =	sdelay $0x1  }
0x133: {  	vm0 =	vgt.f32 v6, $1.000000000e+00;
	v8 =	vsub.f32 $1.500000000e+00, v8  }
0x134: {  	v12 =	vbroadcast v36, $0xF;
	v4 =	vsel vm7, v4, v10;
	v10 =	vbroadcast v34, $0xF  }
0x135: {  	v4 =	vsel vm8, v4, v13;
	v7 =	vsub.f32 $1.500000000e+00, v7;
	v13, _, _ =	vpop (xrf2);
	v8 =	vmul.f32 v8, v11  }
0x136: {  	v4 =	vsel vm9, v4, v10;
	v10 =	vbroadcast v13, $0xF;
	v13 =	vbroadcast v33, $0xF  }
0x137: {  	v4 =	vsel vm10, v4, v12;
	v7 =	vmul.f32 v7, v9;
	v6 =	vnsel vm0, $0x3F800000, v8  }
0x138: {  	vm15 =	vgt.f32 v5, $1.000000000e+00;
	v4 =	vsel vm11, v4, v10  }
0x139: {  	v5 =	vnsel vm15, $0x3F800000, v7;
	v7 =	vld [tilespmem:$0x10440];
	v4 =	vsel vm12, v4, v13  }
0x13a: {  	v5 =	vmul.f32 v6, v5;
	v4 =	vsel vm13, v4, v19;
	v6, _, _ =	vpop (xrf2)  }
0x13b: {  	v4 =	vsel vm14, v4, v6  }
0x13c: {  	v4 =	vmul.f32 v5, v4;
	_ =	sdelay $0x1  }
0x13d: {  	v4 =	vadd.f32 v4, v7;
	_ =	sdelay $0x1  }
0x13e: {  	v4 =	vsub.f32 $0.0e+00, v4;
	_ =	sdelay $0x1  }
0x13f: {  	v4 =	vmul.f32 $1.442695020e+00, v4;
	_ =	sdelay $0x1  }
0x140: {  	(erf) = vpow2.f32 v4;
	_ =	sdelay $0x8  }
0x141: {  	v4 =	vpop (erf)  }
0x142: {  	v4 =	vadd.f32 $1.000000000e+00, v4;
	_ =	sdelay $0x1  }
0x143: {  	(erf) = vrcp.f32 v4;
	_ =	sdelay $0x8  }
0x144: {  	v4 =	vpop (erf)  }
0x145: {  	s31 =	simm.s32 $0x400;
	[tilespmem:s28+$0x0] =	vst v4  }
0x146: {  	v4 =	vld [tilespmem:s31+$0x87F0]  }
0x147: {  	v5 =	vld [tilespmem:s31+$0x7F0]  }
0x148: {  	v6 =	vld [tilespmem:s31+$0x87E0]  }
0x149: {  	[tilespmem:$0x1FDF0] =	vst v7;
	v7 =	vld [tilespmem:s31+$0x7E0]  }
0x14a: {  	v13 =	vld [tilespmem:s31+$0x87C0]  }
0x14b: {  	v14 =	vld [tilespmem:s31+$0x7C0]  }
0x14c: {  	v18 =	vld [tilespmem:s31+$0x8780]  }
0x14d: {  	v19 =	vld [tilespmem:s31+$0x8790]  }
0x14e: {  	v21 =	vld [tilespmem:s31+$0x790]  }
0x14f: {  	v24 =	vld [tilespmem:s31+$0x770]  }
0x150: {  	v29 =	vld [tilespmem:s31+$0x8750];
	v8 =	vmul.f32 v4, v5;
	v9 =	vmul.f32 v5, v5  }
0x151: {  	v10 =	vld [tilespmem:s31+$0x87B0];
	v11 =	vmul.f32 v4, v4;
	v4 =	vmul.f32 v6, v7  }
0x152: {  	v59 =	vld [tilespmem:s31+$0x86D0];
	v22 =	vmul.f32 v6, v6;
	v15 =	vmul.f32 v18, v18  }
0x153: {  	v20 =	vld [tilespmem:s31+$0x87A0];
	v23 =	vmul.f32 v19, v19;
	v28 =	vmul.f32 v21, v21  }
0x154: {  	v12 =	vld [tilespmem:s31+$0x7B0];
	v30 =	vmul.f32 v13, v13;
	v13 =	vmul.f32 v13, v14  }
0x155: {  	v16 =	vld [tilespmem:s31+$0x87D0];
	v49 =	vmul.f32 v29, v29;
	v50 =	vmul.f32 v24, v24  }
0x156: {  	v5 =	vld [tilespmem:s31+$0x780];
	v19 =	vmul.f32 v19, v21;
	v4 =	vmul.f32 v4, v3  }
0x157: {  	v17 =	vld [tilespmem:s31+$0x7D0];
	v44 =	vmul.f32 v59, v59;
	v8 =	vmul.f32 v8, v0  }
0x158: {  	v15 =	vadd.f32 v23, v15;
	v23 =	vmul.f32 v20, v20;
	v13 =	vmul.f32 v13, v2;
	[tilespmem:$0x1FE10] =	vst v4;
	v4 =	vld [tilespmem:s31+$0x7A0]  }
0x159: {  	v25 =	vld [tilespmem:s31+$0x8730];
	v19 =	vmul.f32 v19, v1;
	[tilespmem:$0x1FE00] =	vst v8;
	v8 =	vmul.f32 v7, v7  }
0x15a: {  	v51 =	vld [tilespmem:s31+$0x8700];
	v7 =	vmul.f32 v10, v12;
	v12 =	vmul.f32 v12, v12  }
0x15b: {  	v26 =	vld [tilespmem:s31+$0x8740];
	v10 =	vmul.f32 v10, v10;
	v27 =	vmul.f32 v5, v5  }
0x15c: {  	v31 =	vld [tilespmem:s31+$0x8760];
	v23 =	vadd.f32 v23, v15;
	v15 =	vmul.f32 v14, v14;
	[tilespmem:$0x1FE20] =	vst v13;
	v13 =	vmul.f32 v16, v17  }
0x15d: {  	v6 =	vld [tilespmem:s31+$0x8770];
	v17 =	vmul.f32 v17, v17;
	v27 =	vadd.f32 v28, v27;
	v28 =	vmul.f32 v4, v4  }
0x15e: {  	v16 =	vmul.f32 v16, v16;
	v10 =	vadd.f32 v10, v23;
	v23 =	vld [tilespmem:s31+$0x750];
	v13 =	vmul.f32 v13, v1  }
0x15f: {  	v48 =	vld [tilespmem:s31+$0x740];
	v5 =	vmul.f32 v18, v5;
	v18 =	vmul.f32 v51, v51;
	v14 =	vadd.f32 v28, v27  }
0x160: {  	v7 =	vmul.f32 v7, v0;
	[tilespmem:$0x1FE30] =	vst v13;
	(xrf2) =	vadd.scan.msk.f32 $0xffff, v10;
	v10 =	vld [tilespmem:s31+$0x760];
	v13 =	vmul.f32 v26, v26  }
0x161: {  	v53 =	vld [tilespmem:s31+$0x8710];
	v35 =	vmul.f32 v5, v2;
	v20 =	vmul.f32 v20, v4;
	v12 =	vadd.f32 v12, v14  }
0x162: {  	v55 =	vld [tilespmem:s31+$0x700];
	v13 =	vadd.f32 v49, v13;
	v28 =	vmul.f32 v6, v6;
	v14 =	vmul.f32 v31, v31  }
0x163: {  	v62 =	vld [tilespmem:s31+$0x6C0];
	v6 =	vmul.f32 v6, v24;
	v52 =	vmul.f32 v23, v23;
	(xrf2) =	vadd.scan.msk.f32 $0xffff, v12  }
0x164: {  	v27 =	vld [tilespmem:s31+$0x730];
	v23 =	vmul.f32 v29, v23;
	v12 =	vmul.f32 v48, v48;
	v13 =	vadd.f32 v14, v13  }
0x165: {  	v29 =	vld [tilespmem:s31+$0x8680];
	v4 =	vmul.f32 v6, v0;
	v54 =	vmul.f32 v10, v10  }
0x166: {  	v6 =	vld [tilespmem:s31+$0x8720];
	v10 =	vmul.f32 v31, v10;
	v12 =	vadd.f32 v52, v12;
	v13 =	vadd.f32 v28, v13  }
0x167: {  	v31 =	vmul.f32 v53, v53;
	v23 =	vmul.f32 v23, v1;
	v28 =	vld [tilespmem:s31+$0x710]  }
0x168: {  	v14 =	vmul.f32 v20, v3;
	v10 =	vmul.f32 v10, v3;
	v12 =	vadd.f32 v54, v12;
	(xrf2) =	vadd.scan.msk.f32 $0xffff, v13;
	v13 =	vld [tilespmem:s31+$0x720]  }
0x169: {  	v63 =	vld [tilespmem:s31+$0x6B0];
	v20 =	vmul.f32 v25, v27;
	v25 =	vmul.f32 v25, v25  }
0x16a: {  	v47 =	vld [tilespmem:s31+$0x680];
	v27 =	vmul.f32 v27, v27;
	v49 =	vmul.f32 v29, v29;
	v12 =	vadd.f32 v50, v12  }
0x16b: {  	v46 =	vld [tilespmem:s31+$0x8690];
	v18 =	vadd.f32 v31, v18;
	v20 =	vmul.f32 v20, v0;
	v31 =	vmul.f32 v6, v6  }
0x16c: {  	v37 =	vld [tilespmem:s31+$0x8650];
	v56, _, _ =	vpop (xrf2);
	v57 =	vmul.f32 v28, v28;
	(xrf2) =	vadd.scan.msk.f32 $0xffff, v12;
	v12 =	vmul.f32 v55, v55  }
0x16d: {  	v21 =	vld [tilespmem:s31+$0x86C0];
	v61 =	vmul.f32 v13, v13;
	v13 =	vmul.f32 v6, v13;
	v58, _, _ =	vpop (xrf2)  }
0x16e: {  	v24 =	vld [tilespmem:s31+$0x86F0];
	v18 =	vadd.f32 v31, v18;
	v12 =	vadd.f32 v57, v12;
	v31 =	vbroadcast v58, $0xF  }
0x16f: {  	v15 =	vadd.f32 v17, v15;
	v29 =	vmul.f32 v29, v47;
	[tilespmem:$0x1FE40] =	vst v20;
	v20 =	vld [tilespmem:s31+$0x6F0];
	v13 =	vmul.f32 v13, v3  }
0x170: {  	v5 =	vbroadcast v56, $0xF;
	v18 =	vadd.f32 v25, v18;
	v25 =	vld [tilespmem:s31+$0x6D0];
	v12 =	vadd.f32 v61, v12;
	[tilespmem:$0x1FE60] =	vst v31  }
0x171: {  	v19 =	vadd.f32 v19, v35;
	v29 =	vmul.f32 v29, v2;
	v31 =	vld [tilespmem:s31+$0x86E0];
	[tilespmem:$0x1FE70] =	vst v13;
	v13 =	vmul.f32 v26, v48  }
0x172: {  	v56 =	vmul.f32 v37, v37;
	[tilespmem:$0x1FE50] =	vst v5;
	v5 =	vld [tilespmem:s31+$0x86B0];
	v50 =	vmul.f32 v46, v46;
	v12 =	vadd.f32 v27, v12;
	v27, _, _ =	vpop (xrf2)  }
0x173: {  	v14 =	vadd.f32 v14, v19;
	(xrf2) =	vadd.scan.msk.f32 $0xffff, v18;
	v18 =	vld [tilespmem:s31+$0x6E0];
	v45 =	vmul.f32 v13, v2;
	v13 =	vbroadcast v27, $0xF  }
0x174: {  	v28 =	vmul.f32 v53, v28;
	v53 =	vadd.f32 v8, v15;
	v26 =	vmul.f32 v21, v21;
	(xrf2) =	vadd.scan.msk.f32 $0xffff, v12  }
0x175: {  	v12 =	vmul.f32 v62, v62;
	[tilespmem:$0x1FE80] =	vst v13;
	v13 =	vadd.f32 v16, v30;
	v30 =	vmul.f32 v25, v25  }
0x176: {  	v15 =	vmul.f32 v28, v1;
	v26 =	vadd.f32 v44, v26;
	v27 =	vmul.f32 v31, v31  }
0x177: {  	v60 =	vmul.f32 v24, v20;
	v24 =	vmul.f32 v24, v24;
	v12 =	vadd.f32 v30, v12  }
0x178: {  	v30 =	vmul.f32 v18, v18;
	v26 =	vadd.f32 v27, v26;
	v27 =	vmul.f32 v5, v63  }
0x179: {  	v57 =	vld [tilespmem:s31+$0x85F0];
	v48 =	vmul.f32 v5, v5;
	v21 =	vmul.f32 v21, v62;
	v13 =	vadd.f32 v22, v13;
	v22, _, _ =	vpop (xrf2)  }
0x17a: {  	v34 =	vld [tilespmem:s31+$0x640];
	v22 =	vbroadcast v22, $0xF;
	v5 =	vmul.f32 v27, v0;
	v27 =	vadd.f32 v30, v12  }
0x17b: {  	v17 =	vld [tilespmem:s31+$0x8630];
	v20 =	vmul.f32 v20, v20;
	v18 =	vmul.f32 v31, v18  }
0x17c: {  	v7 =	vadd.f32 v7, v14;
	v6 =	vmul.f32 v60, v0;
	v21 =	vmul.f32 v21, v2;
	[tilespmem:$0x1FE90] =	vst v22;
	v22 =	vld [tilespmem:s31+$0x86A0]  }
0x17d: {  	v24 =	vadd.f32 v24, v26;
	v26 =	vld [tilespmem:s31+$0x690];
	v12 =	vmul.f32 v18, v3;
	v18 =	vmul.f32 v51, v55  }
0x17e: {  	v42 =	vmul.f32 v57, v57;
	v25 =	vmul.f32 v59, v25;
	v55 =	vld [tilespmem:s31+$0x630];
	v20 =	vadd.f32 v20, v27;
	v27, _, _ =	vpop (xrf2)  }
0x17f: {  	v11 =	vadd.f32 v11, v13;
	(xrf2) =	vadd.scan.msk.f32 $0xffff, v24;
	v24 =	vld [tilespmem:s31+$0x6A0];
	v13 =	vmul.f32 v18, v2;
	v18 =	vbroadcast v27, $0xF  }
0x180: {  	v43 =	vld [tilespmem:s31+$0x8610];
	v59 =	vmul.f32 v34, v34;
	v23 =	vadd.f32 v23, v45;
	v31 =	vmul.f32 v63, v63;
	(xrf2) =	vadd.scan.msk.f32 $0xffff, v20  }
0x181: {  	v16 =	vld [tilespmem:s31+$0x8670];
	v25 =	vmul.f32 v25, v1;
	v27 =	vmul.f32 v22, v22;
	[tilespmem:$0x1FEA0] =	vst v18;
	v18 =	vadd.f32 v50, v49  }
0x182: {  	v10 =	vadd.f32 v10, v23;
	v63 =	vmul.f32 v17, v17;
	v30 =	vld [tilespmem:s31+$0x670];
	v51 =	vmul.f32 v47, v47  }
0x183: {  	v20 =	vld [tilespmem:s31+$0x8640];
	v52 =	vmul.f32 v26, v26;
	v17 =	vmul.f32 v17, v55;
	v18 =	vadd.f32 v27, v18  }
0x184: {  	v21 =	vadd.f32 v25, v21;
	v54 =	vmul.f32 v24, v24;
	v22 =	vmul.f32 v22, v24;
	v24 =	vld [tilespmem:s31+$0x650]  }
0x185: {  	v8, _, _ =	vpop (xrf2);
	v26 =	vmul.f32 v46, v26;
	v28 =	vadd.f32 v52, v51;
	v27 =	vld [tilespmem:s31+$0x8660];
	v18 =	vadd.f32 v48, v18  }
0x186: {  	(xrf2) =	vadd.scan.msk.f32 $0xffff, v11;
	v8 =	vbroadcast v8, $0xF;
	v11 =	vmul.f32 v22, v3;
	v22 =	vadd.f32 v9, v53;
	v9 =	vld [tilespmem:s31+$0x660]  }
0x187: {  	v51 =	vmul.f32 v43, v43;
	v26 =	vmul.f32 v26, v1;
	v28 =	vadd.f32 v54, v28;
	(xrf2) =	vadd.scan.msk.f32 $0xffff, v18  }
0x188: {  	v4 =	vadd.f32 v4, v10;
	[tilespmem:$0x1FEB0] =	vst v8;
	v8 =	vmul.f32 v16, v30;
	v18 =	vmul.f32 v20, v20  }
0x189: {  	v14 =	vld [tilespmem:s31+$0x85C0];
	v16 =	vmul.f32 v16, v16;
	v28 =	vadd.f32 v31, v28;
	v31, _, _ =	vpop (xrf2);
	v60 =	vmul.f32 v24, v24  }
0x18a: {  	[tilespmem:$0x1FEE0] =	vst v17;
	v17 =	vld [tilespmem:s31+$0x610];
	v30 =	vmul.f32 v30, v30;
	v58 =	vmul.f32 v27, v27;
	v19, _, _ =	vpop (xrf2);
	v18 =	vadd.f32 v56, v18  }
0x18b: {  	(xrf2) =	vadd.scan.msk.f32 $0xffff, v28;
	v28 =	vld [tilespmem:s31+$0x8600];
	v61 =	vadd.f32 v60, v59;
	v62 =	vmul.f32 v9, v9;
	v19 =	vbroadcast v19, $0xF  }
0x18c: {  	v31 =	vbroadcast v31, $0xF;
	v9 =	vmul.f32 v27, v9;
	v27 =	vld [tilespmem:s31+$0x600];
	v18 =	vadd.f32 v58, v18  }
0x18d: {  	v24 =	vmul.f32 v37, v24;
	v20 =	vmul.f32 v20, v34;
	v48 =	vadd.f32 v62, v61;
	[tilespmem:$0x1FED0] =	vst v19;
	v19 =	vld [tilespmem:s31+$0x8620]  }
0x18e: {  	v8 =	vmul.f32 v8, v0;
	v59 =	vmul.f32 v14, v14;
	[tilespmem:$0x1FEC0] =	vst v31;
	v31 =	vld [tilespmem:s31+$0x5F0];
	v16 =	vadd.f32 v16, v18  }
0x18f: {  	v50 =	vld [tilespmem:s31+$0x620];
	v24 =	vmul.f32 v24, v1;
	(xrf2) =	vadd.scan.msk.f32 $0xffff, v22;
	v20 =	vmul.f32 v20, v2;
	v30 =	vadd.f32 v30, v48  }
0x190: {  	v41 =	vld [tilespmem:s31+$0x5D0];
	v12 =	vadd.f32 v12, v21;
	v49, _, _ =	vpop (xrf2);
	v18 =	vmul.f32 v55, v55;
	v22 =	vmul.f32 v28, v28;
	(xrf2) =	vadd.scan.msk.f32 $0xffff, v16  }
0x191: {  	v13 =	vadd.f32 v15, v13;
	v54 =	vmul.f32 v27, v27;
	v55 =	vmul.f32 v17, v17;
	v52, _, _ =	vpop (xrf2);
	(xrf2) =	vadd.scan.msk.f32 $0xffff, v30;
	v30 =	vld [tilespmem:s31+$0x5C0]  }
0x192: {  	v16 =	vld [tilespmem:s31+$0x85D0];
	v22 =	vadd.f32 v51, v22;
	v53 =	vmul.f32 v19, v19;
	v33 =	vbroadcast v52, $0xF  }
0x193: {  	v6 =	vadd.f32 v6, v12;
	v58 =	vld [tilespmem:s31+$0x5E0];
	v17 =	vmul.f32 v43, v17;
	v56 =	vmul.f32 v57, v31  }
0x194: {  	v57 =	vmul.f32 v50, v50;
	v31 =	vmul.f32 v31, v31;
	v22 =	vadd.f32 v53, v22;
	[tilespmem:$0x1FF00] =	vst v33;
	v33 =	vld [tilespmem:s31+$0x85E0]  }
0x195: {  	v10 =	vld [tilespmem:s31+$0x590];
	v36 =	vadd.f32 v55, v54;
	v51 =	vmul.f32 v41, v41;
	v19 =	vmul.f32 v19, v50  }
0x196: {  	v61 =	vld [tilespmem:s31+$0x5B0];
	v32 =	vmul.f32 v56, v0;
	v23, _, _ =	vpop (xrf2);
	(xrf2) =	vadd.scan.msk.f32 $0xffff, v7;
	v22 =	vadd.f32 v63, v22;
	v50 =	vmul.f32 v30, v30  }
0x197: {  	v26 =	vadd.f32 v26, v29;
	v56 =	vld [tilespmem:s31+$0x8580];
	v19 =	vmul.f32 v19, v3;
	v60 =	vmul.f32 v16, v16  }
0x198: {  	v54 =	vld [tilespmem:s31+$0x5A0];
	v55 =	vmul.f32 v58, v58;
	v36 =	vadd.f32 v57, v36;
	(xrf2) =	vadd.scan.msk.f32 $0xffff, v22;
	v22 =	vadd.f32 v51, v50  }
0x199: {  	v23 =	vbroadcast v23, $0xF;
	[tilespmem:$0x1FF40] =	vst v19;
	v19 =	vld [tilespmem:s31+$0x85A0];
	v63 =	vadd.f32 v60, v59;
	v48 =	vmul.f32 v33, v33  }
0x19a: {  	v18 =	vadd.f32 v18, v36;
	v33 =	vmul.f32 v33, v58;
	v58 =	vld [tilespmem:s31+$0x8590];
	v22 =	vadd.f32 v55, v22  }
0x19b: {  	v9 =	vmul.f32 v9, v3;
	v17 =	vmul.f32 v17, v1;
	[tilespmem:$0x1FF10] =	vst v23;
	v23 =	vld [tilespmem:s31+$0x85B0];
	v7 =	vadd.f32 v48, v63  }
0x19c: {  	v16 =	vmul.f32 v16, v41;
	v21 =	vmul.f32 v56, v56;
	(xrf2) =	vadd.scan.msk.f32 $0xffff, v18;
	v18 =	vadd.f32 v31, v22;
	v31 =	vld [tilespmem:s31+$0x580]  }
0x19d: {  	[tilespmem:$0x1FF70] =	vst v13;
	v13 =	vld [tilespmem:s31+$0x560];
	v52, _, _ =	vpop (xrf2);
	v14 =	vmul.f32 v14, v30;
	v60 =	vmul.f32 v10, v10;
	v7 =	vadd.f32 v42, v7  }
0x19e: {  	v29 =	vld [tilespmem:s31+$0x4F0];
	[tilespmem:$0x1FEF0] =	vst v49;
	v20 =	vadd.f32 v24, v20;
	v53, _, _ =	vpop (xrf2);
	v12 =	vmul.f32 v19, v19;
	v19 =	vmul.f32 v19, v54  }
0x19f: {  	v62 =	vld [tilespmem:s31+$0x8570];
	[tilespmem:$0x1FFB0] =	vst v17;
	v57, _, _ =	vpop (xrf2);
	(xrf2) =	vadd.scan.msk.f32 $0xffff, v7;
	v7 =	vmul.f32 v28, v27;
	v28 =	vmul.f32 v58, v58  }
0x1a0: {  	v49 =	vld [tilespmem:s31+$0x570];
	v9 =	vadd.f32 v9, v20;
	[tilespmem:$0x1FF30] =	vst v32;
	v32 =	vbroadcast v53, $0xF;
	v59 =	vmul.f32 v23, v61;
	v15, _, _ =	vpop (xrf2)  }
0x1a1: {  	v20 =	vld [tilespmem:s31+$0x84E0];
	v23 =	vmul.f32 v23, v23;
	[tilespmem:$0x1FF80] =	vst v15;
	v15 =	vadd.f32 v28, v21;
	v28 =	vmul.f32 v56, v31  }
0x1a2: {  	v17 =	vld [tilespmem:s31+$0x8540];
	[tilespmem:$0x1FF20] =	vst v52;
	v31 =	vmul.f32 v31, v31;
	v7 =	vmul.f32 v7, v2  }
0x1a3: {  	v63 =	vld [tilespmem:s31+$0x540];
	v45 =	vmul.f32 v19, v3;
	v25 =	vbroadcast v57, $0xF;
	(xrf2) =	vadd.scan.msk.f32 $0xffff, v18;
	v30, _, _ =	vpop (xrf2);
	v12 =	vadd.f32 v12, v15  }
0x1a4: {  	v52 =	vld [tilespmem:s31+$0x84C0];
	[tilespmem:$0x1FF90] =	vst v7;
	v7 =	vbroadcast v30, $0xF;
	v15 =	vadd.f32 v60, v31;
	v30 =	vmul.f32 v54, v54  }
0x1a5: {  	v53 =	vld [tilespmem:s31+$0x8510];
	v22 =	vmul.f32 v61, v61;
	v10 =	vmul.f32 v58, v10;
	v12 =	vadd.f32 v23, v12  }
0x1a6: {  	v61, _, _ =	vpop (xrf2);
	v15 =	vadd.f32 v30, v15;
	v23 =	vmul.f32 v62, v62;
	v30 =	vmul.f32 v62, v49;
	v62 =	vld [tilespmem:s31+$0x8550]  }
0x1a7: {  	v8 =	vadd.f32 v8, v9;
	v19 =	vld [tilespmem:s31+$0x550];
	v39 =	vmul.f32 v59, v0;
	(xrf2) =	vadd.scan.msk.f32 $0xffff, v4;
	v24 =	vbroadcast v61, $0xF  }
0x1a8: {  	[tilespmem:$0x1FF60] =	vst v25;
	v18 =	vld [tilespmem:s31+$0x8560];
	v9 =	vmul.f32 v63, v63;
	v58 =	vmul.f32 v10, v1;
	(xrf2) =	vadd.scan.msk.f32 $0xffff, v6  }
0x1a9: {  	v25 =	vld [tilespmem:s31+$0x8530];
	v6 =	vadd.f32 v11, v26;
	v11 =	vmul.f32 v14, v2;
	v54 =	vmul.f32 v28, v2;
	[tilespmem:$0x1FFC0] =	vst v24  }
0x1aa: {  	v27 =	vld [tilespmem:s31+$0x530];
	v24 =	vmul.f32 v49, v49;
	v4 =	vadd.f32 v22, v15;
	v15, _, _ =	vpop (xrf2);
	(xrf2) =	vadd.scan.msk.f32 $0xffff, v12;
	v12 =	vmul.f32 v16, v1  }
0x1ab: {  	v59 =	vld [tilespmem:s31+$0x510];
	v6 =	vadd.f32 v5, v6;
	v5 =	vmul.f32 v17, v17;
	v16 =	vmul.f32 v62, v62  }
0x1ac: {  	v56 =	vld [tilespmem:s31+$0x8500];
	v17 =	vmul.f32 v17, v63;
	[tilespmem:$0x1FFA0] =	vst v7;
	v49 =	vadd.f32 v12, v11;
	v11 =	vmul.f32 v19, v19  }
0x1ad: {  	v7 =	vld [tilespmem:s31+$0x8520];
	v22 =	vmul.f32 v18, v18;
	v37 =	vbroadcast v15, $0xF;
	v14, _, _ =	vpop (xrf2);
	(xrf2) =	vadd.scan.msk.f32 $0xffff, v4;
	v4 =	vadd.f32 v16, v5  }
0x1ae: {  	v38 =	vbroadcast v14, $0xF;
	v12 =	vmul.f32 v25, v25;
	v5 =	vld [tilespmem:s31+$0x500];
	v9 =	vadd.f32 v11, v9  }
0x1af: {  	v55 =	vld [tilespmem:s31+$0x84D0];
	v16 =	vmul.f32 v62, v19;
	v19 =	vmul.f32 v25, v27;
	v4 =	vadd.f32 v22, v4  }
0x1b0: {  	v31 =	vld [tilespmem:s31+$0x520];
	v11 =	vmul.f32 v18, v13;
	v13 =	vmul.f32 v13, v13  }
0x1b1: {  	v10 =	vld [tilespmem:s31+$0x430];
	(xrf2) =	vadd.scan.msk.f32 $0xffff, v6;
	v25 =	vmul.f32 v53, v53;
	v23 =	vadd.f32 v23, v4;
	v4 =	vmul.f32 v56, v56  }
0x1b2: {  	v21 =	vld [tilespmem:s31+$0x84F0];
	(xrf2) =	vadd.scan.msk.f32 $0xffff, v8;
	v41 =	vmul.f32 v19, v0;
	v19 =	vmul.f32 v59, v59;
	v6 =	vadd.f32 v13, v9;
	v9, _, _ =	vpop (xrf2)  }
0x1b3: {  	v61 =	vld [tilespmem:s31+$0x8480];
	v13 =	vmul.f32 v5, v5;
	[tilespmem:$0x1FFD0] =	vst v9;
	v8 =	vadd.f32 v25, v4;
	v9 =	vmul.f32 v7, v7  }
0x1b4: {  	v60 =	vld [tilespmem:s31+$0x4C0];
	v22 =	vmul.f32 v27, v27;
	v48 =	vmul.f32 v11, v3;
	(xrf2) =	vadd.scan.msk.f32 $0xffff, v23  }
0x1b5: {  	v62 =	vld [tilespmem:s31+$0x4D0];
	v4, _, _ =	vpop (xrf2);
	v8 =	vadd.f32 v9, v8;
	v9 =	vadd.f32 v19, v13;
	v13 =	vmul.f32 v7, v31  }
0x1b6: {  	v18 =	vld [tilespmem:s31+$0x4E0];
	v6 =	vadd.f32 v24, v6;
	v7 =	vmul.f32 v31, v31;
	v19 =	vmul.f32 v55, v55;
	v11, _, _ =	vpop (xrf2)  }
0x1b7: {  	v63 =	vld [tilespmem:s31+$0x8490];
	v44 =	vbroadcast v11, $0xF;
	v8 =	vadd.f32 v12, v8;
	v11, _, _ =	vpop (xrf2);
	v12 =	vmul.f32 v52, v52  }
0x1b8: {  	v15 =	vld [tilespmem:s31+$0x84B0];
	v23 =	vmul.f32 v21, v21;
	v7 =	vadd.f32 v7, v9;
	v46 =	vbroadcast v11, $0xF  }
0x1b9: {  	(xrf2) =	vadd.scan.msk.f32 $0xffff, v6;
	v6 =	vld [tilespmem:s31+$0x480];
	v9 =	vadd.f32 v19, v12;
	v12 =	vmul.f32 v21, v29;
	v19 =	vmul.f32 v20, v20  }
0x1ba: {  	v11 =	vld [tilespmem:s31+$0x84A0];
	v7 =	vadd.f32 v22, v7;
	v21 =	vmul.f32 v60, v60;
	v22 =	vmul.f32 v62, v62  }
0x1bb: {  	v24 =	vmul.f32 v29, v29;
	v26 =	vmul.f32 v20, v18;
	(xrf2) =	vadd.scan.msk.f32 $0xffff, v8;
	v8 =	vadd.f32 v19, v9;
	v9 =	vld [tilespmem:s31+$0x490]  }
0x1bc: {  	v14 =	vld [tilespmem:s31+$0x4B0];
	v36, _, _ =	vpop (xrf2);
	v51 =	vmul.f32 v12, v0;
	v12 =	vadd.f32 v22, v21;
	v19 =	vmul.f32 v18, v18  }
0x1bd: {  	v40, _, _ =	vpop (xrf2);
	v20 =	vmul.f32 v61, v61;
	v18 =	vld [tilespmem:s31+$0x4A0];
	v22 =	vmul.f32 v63, v63  }
0x1be: {  	v47 =	vmul.f32 v13, v3;
	(xrf2) =	vadd.scan.msk.f32 $0xffff, v7;
	v7 =	vld [tilespmem:s31+$0x8400];
	v21 =	vadd.f32 v23, v8;
	v12 =	vadd.f32 v19, v12;
	v13, _, _ =	vpop (xrf2)  }
0x1bf: {  	v8 =	vld [tilespmem:s31+$0x8410];
	v20 =	vadd.f32 v22, v20;
	v50 =	vbroadcast v13, $0xF;
	v13 =	vmul.f32 v11, v11  }
0x1c0: {  	[tilespmem:$0x1FFE0] =	vst v4;
	v4 =	vld [tilespmem:s31+$0x8430];
	v22 =	vmul.f32 v6, v6;
	v23 =	vadd.f32 v24, v12;
	v24 =	vmul.f32 v9, v9  }
0x1c1: {  	v19 =	vld [tilespmem:s31+$0x8420];
	v25 =	vadd.f32 v13, v20;
	v20 =	vmul.f32 v16, v1;
	v16 =	vmul.f32 v15, v15  }
0x1c2: {  	v43 =	vmul.f32 v30, v0;
	v12 =	vld [tilespmem:s31+$0x400];
	v28 =	vmul.f32 v18, v18;
	v24 =	vadd.f32 v24, v22  }
0x1c3: {  	v27 =	vmul.f32 v15, v14;
	v13 =	vld [tilespmem:s31+$0x410];
	v30 =	vadd.f32 v16, v25;
	v25 =	vmul.f32 v7, v7  }
0x1c4: {  	(xrf2) =	vadd.scan.msk.f32 $0xffff, v21;
	v15 =	vld [tilespmem:s31+$0x8440];
	v29 =	vmul.f32 v8, v8;
	v21 =	vadd.f32 v28, v24;
	v24 =	vmul.f32 v14, v14  }
0x1c5: {  	v42 =	vmul.f32 v33, v3;
	v22 =	vld [tilespmem:s31+$0x420]  }
0x1c6: {  	v17 =	vmul.f32 v17, v2;
	v16, _, _ =	vpop (xrf2);
	v28 =	vadd.f32 v29, v25;
	v14 =	vmul.f32 v27, v0;
	v25 =	vld [tilespmem:s31+$0x8460]  }
0x1c7: {  	[tilespmem:$0x1FF50] =	vst v32;
	(xrf2) =	vadd.scan.msk.f32 $0xffff, v23;
	v29 =	vmul.f32 v19, v19;
	v57 =	vbroadcast v16, $0xF;
	v16 =	vld [tilespmem:s31+$0x8450];
	v23, _, _ =	vpop (xrf2)  }
0x1c8: {  	s30 =	simm.s32 $0x10450;
	s0 =	simm.s32 $0x2000;
	(xrf2) =	vadd.scan.msk.f32 $0xffff, v30;
	v30 =	vmul.f32 v12, v12;
	v31 =	vmul.f32 v13, v13;
	v27 =	vadd.f32 v24, v21;
	v21 =	vld [tilespmem:s31+$0x440];
	v24, _, _ =	vpop (xrf2)  }
.LBB2_2:
0x1c9: {  	_ = 	snop  }
0x1ca: {  	v5 =	vmul.f32 v56, v5  }
0x1cb: {  	v32 =	vld [tilespmem:s31+$0x450];
	v53 =	vmul.f32 v53, v59;
	v28 =	vadd.f32 v29, v28;
	v29 =	vmul.f32 v4, v4  }
0x1cc: {  	v33 =	vld [tilespmem:s31+$0x8470];
	v23 =	vbroadcast v23, $0xF;
	v30 =	vadd.f32 v31, v30;
	v31 =	vmul.f32 v22, v22  }
0x1cd: {  	(xrf2) =	vadd.scan.msk.f32 $0xffff, v27;
	v56 =	vmul.f32 v16, v16;
	v27 =	vadd.f32 v29, v28;
	v28 =	vld [tilespmem:s31+$0x460];
	v29 =	vmul.f32 v15, v15  }
0x1ce: {  	v24 =	vbroadcast v24, $0xF;
	v30 =	vadd.f32 v31, v30;
	v31 =	vmul.f32 v10, v10  }
0x1cf: {  	v35 =	vld [tilespmem:s31+$0x470];
	v11 =	vmul.f32 v11, v18;
	v29 =	vadd.f32 v56, v29;
	v56 =	vmul.f32 v25, v25  }
0x1d0: {  	v34, _, _ =	vpop (xrf2);
	(xrf2) =	vadd.scan.msk.f32 $0xffff, v27;
	v27 =	vadd.f32 v31, v30;
	v30 =	vmul.f32 v21, v21;
	v31 =	vmul.f32 v32, v32  }
0x1d1: {  	v6 =	vmul.f32 v61, v6;
	v9 =	vmul.f32 v63, v9;
	v29 =	vadd.f32 v56, v29  }
0x1d2: {  	v56 =	vmul.f32 v33, v33;
	v30 =	vadd.f32 v31, v30;
	v31 =	vmul.f32 v28, v28  }
0x1d3: {  	v7 =	vmul.f32 v7, v12;
	v4 =	vmul.f32 v4, v10  }
0x1d4: {  	v10 =	vadd.f32 v56, v29;
	v29 =	vadd.f32 v31, v30;
	v30 =	vmul.f32 v35, v35  }
0x1d5: {  	v17 =	vadd.f32 v20, v17;
	v8 =	vmul.f32 v8, v13;
	v26 =	vmul.f32 v26, v3;
	v59, _, _ =	vpop (xrf2);
	(xrf2) =	vadd.scan.msk.f32 $0xffff, v27  }
0x1d6: {  	v11 =	vmul.f32 v11, v3;
	v6 =	vmul.f32 v6, v2;
	v27, _, _ =	vpop (xrf2);
	(xrf2) =	vadd.scan.msk.f32 $0xffff, v10;
	v10 =	vadd.f32 v30, v29  }
0x1d7: {  	v17 =	vadd.f32 v48, v17;
	v9 =	vmul.f32 v9, v1;
	v30 =	vmul.f32 v52, v60;
	v60 =	vld [tilespmem:$0x1FF30]  }
0x1d8: {  	v18 =	vadd.f32 v42, v49;
	v7 =	vmul.f32 v7, v2;
	v8 =	vmul.f32 v8, v1;
	v31, _, _ =	vpop (xrf2);
	(xrf2) =	vadd.scan.msk.f32 $0xffff, v10  }
0x1d9: {  	v19 =	vmul.f32 v19, v22;
	v17 =	vadd.f32 v43, v17;
	v6 =	vadd.f32 v9, v6  }
0x1da: {  	v7 =	vadd.f32 v8, v7;
	v34 =	vbroadcast v34, $0xF;
	v56 =	vmul.f32 v55, v62  }
0x1db: {  	v6 =	vadd.f32 v11, v6;
	v11 =	vmul.f32 v15, v21;
	v62 =	vadd.f32 v58, v54  }
0x1dc: {  	v30 =	vmul.f32 v30, v2;
	v10 =	vmul.f32 v56, v1;
	v18 =	vadd.f32 v60, v18  }
0x1dd: {  	v8 =	vmul.f32 v11, v2;
	v11 =	vld [tilespmem:$0x1FFF0];
	v22 =	vmul.f32 v25, v28;
	v28 =	vadd.f32 v45, v62  }
0x1de: {  	v16 =	vmul.f32 v16, v32;
	v4 =	vmul.f32 v4, v0;
	v20, _, _ =	vpop (xrf2);
	v10 =	vadd.f32 v10, v30;
	(xrf2) =	vadd.scan.msk.f32 $0xffff, v18  }
0x1df: {  	v25, _, _ =	vpop (xrf2);
	v18 =	vmul.f32 v19, v3;
	v19 =	vmul.f32 v22, v3;
	v22 =	vadd.f32 v39, v28  }
0x1e0: {  	v42 =	vbroadcast v59, $0xF;
	v33 =	vmul.f32 v33, v35;
	v10 =	vadd.f32 v26, v10;
	v13, _, _ =	vpop (xrf2)  }
0x1e1: {  	v6 =	vadd.f32 v14, v6;
	v20 =	vbroadcast v20, $0xF;
	(xrf2) =	vadd.scan.msk.f32 $0xffff, v22;
	v13 =	vbroadcast v13, $0xF  }
0x1e2: {  	v12 =	vbroadcast v27, $0xF;
	vm0 =	vnez.u8 v11;
	v10 =	vadd.f32 v51, v10;
	v15, _, _ =	vpop (xrf2)  }
0x1e3: {  	v22 =	vbroadcast v25, $0xF;
	(xrf2) =	vadd.scan.msk.f32 $0xffff, v17;
	v11 =	vsel vm0, v20, v13;
	v15 =	vbroadcast v15, $0xF  }
0x1e4: {  	v9 =	vbroadcast v31, $0xF;
	(xrf2) =	vadd.scan.msk.f32 $0xffff, v10;
	v10 =	vmul.f32 v16, v1;
	v11 =	vsel vm1, v11, v12  }
0x1e5: {  	v7 =	vadd.f32 v18, v7;
	v11 =	vsel vm2, v11, v34;
	v13 =	vsel vm0, v22, v15  }
0x1e6: {  	v8 =	vadd.f32 v10, v8;
	v10 =	vsel vm3, v11, v23;
	v14 =	vsel vm1, v13, v9  }
0x1e7: {  	v4 =	vadd.f32 v4, v7;
	v7 =	vsel vm4, v10, v50;
	v10 =	vld [tilespmem:$0x1FFC0];
	v13 =	vsel vm2, v14, v42  }
0x1e8: {  	v12, _, _ =	vpop (xrf2);
	(xrf2) =	vadd.scan.msk.f32 $0xffff, v6;
	v6 =	vsel vm3, v13, v24  }
0x1e9: {  	v29 =	vmul.f32 v33, v0;
	v8 =	vadd.f32 v19, v8;
	v6 =	vsel vm4, v6, v57  }
0x1ea: {  	v6 =	vsel vm5, v6, v46  }
0x1eb: {  	v9, _, _ =	vpop (xrf2);
	(xrf2) =	vadd.scan.msk.f32 $0xffff, v4;
	v4 =	vadd.f32 v29, v8;
	v8 =	vld [tilespmem:$0x1FFA0];
	v6 =	vsel vm6, v6, v38  }
0x1ec: {  	v6 =	vsel vm7, v6, v10;
	v10 =	vld [tilespmem:$0x1FF50];
	_ =	sdelay $0x1  }
0x1ed: {  	v7 =	vsel vm5, v7, v44  }
0x1ee: {  	v7 =	vsel vm6, v7, v37  }
0x1ef: {  	v11 =	vld [tilespmem:$0x1FFB0];
	v7 =	vsel vm7, v7, v8  }
0x1f0: {  	v13 =	vsel vm8, v7, v10;
	v10 =	vld [tilespmem:$0x1FF90];
	_ =	sdelay $0x4  }
0x1f1: {  	v10 =	vadd.f32 v11, v10;
	v11 =	vld [tilespmem:$0x1FF60];
	_ =	sdelay $0x2  }
0x1f2: {  	v5 =	vmul.f32 v5, v2;
	v53 =	vmul.f32 v53, v1;
	_ =	sdelay $0x1  }
0x1f3: {  	v5 =	vadd.f32 v53, v5;
	v6 =	vsel vm8, v6, v11;
	v11 =	vld [tilespmem:$0x1FF00];
	_ =	sdelay $0x1  }
0x1f4: {  	v5 =	vadd.f32 v47, v5;
	_ =	sdelay $0x1  }
0x1f5: {  	v8, _, _ =	vpop (xrf2);
	(xrf2) =	vadd.scan.msk.f32 $0xffff, v4;
	v4 =	vadd.f32 v41, v5;
	v5 =	vld [tilespmem:$0x1FF10]  }
0x1f6: {  	v11 =	vsel vm9, v13, v11;
	v13 =	vld [tilespmem:$0x1FED0];
	_ =	sdelay $0x3  }
0x1f7: {  	v5 =	vsel vm9, v6, v5;
	v6 =	vld [tilespmem:$0x1FEC0]  }
0x1f8: {  	v5 =	vsel vm10, v5, v13;
	v13 =	vld [tilespmem:$0x1FEA0];
	_ =	sdelay $0x3  }
0x1f9: {  	v6 =	vsel vm10, v11, v6  }
0x1fa: {  	v6 =	vsel vm11, v6, v13;
	v13 =	vld [tilespmem:$0x1FF40];
	_ =	sdelay $0x4  }
0x1fb: {  	v10 =	vadd.f32 v13, v10;
	v13 =	vld [tilespmem:$0x1FEB0];
	_ =	sdelay $0x4  }
0x1fc: {  	v5 =	vsel vm11, v5, v13;
	v13 =	vld [tilespmem:$0x1FE80];
	_ =	sdelay $0x2  }
0x1fd: {  	v7, _, _ =	vpop (xrf2);
	(xrf2) =	vadd.scan.msk.f32 $0xffff, v4;
	v4 =	vld [tilespmem:$0x1FE70]  }
0x1fe: {  	v11 =	vld [tilespmem:$0x1FEE0]  }
0x1ff: {  	v6 =	vsel vm12, v6, v13;
	v13 =	vld [tilespmem:$0x1FF70];
	_ =	sdelay $0x3  }
0x200: {  	v11 =	vmul.f32 v11, v0  }
0x201: {  	v4 =	vadd.f32 v4, v13;
	v13 =	vld [tilespmem:$0x1FE90]  }
0x202: {  	v10 =	vadd.f32 v11, v10;
	v11 =	vld [tilespmem:$0x1FE60];
	_ =	sdelay $0x3  }
0x203: {  	v5 =	vsel vm12, v5, v13;
	v13 =	vld [tilespmem:$0x1FE50]  }
0x204: {  	v5 =	vsel vm13, v5, v11;
	v11 =	vld [tilespmem:$0x1FEF0];
	_ =	sdelay $0x2  }
0x205: {  	v18 =	vld [tilespmem:$0x1FE30]  }
0x206: {  	v19 =	vld [tilespmem:$0x1FE40];
	v6 =	vsel vm13, v6, v13  }
0x207: {  	v13, _, _ =	vpop (xrf2);
	v6 =	vsel vm14, v6, v11;
	v11 =	vld [tilespmem:$0x1FF20]  }
0x208: {  	v17, _, _ =	vpop (xrf2);
	(xrf2) =	vadd.scan.msk.f32 $0xffff, v10;
	v10 =	vld [tilespmem:$0x1FE20];
	_ =	sdelay $0x1  }
0x209: {  	v21 =	vld [tilespmem:$0x1FE10];
	_ =	sdelay $0x1  }
0x20a: {  	v4 =	vadd.f32 v19, v4  }
0x20b: {  	v14 =	vmul.f32 $5.000000000e-01, v6;
	v5 =	vsel vm14, v5, v11;
	v10 =	vadd.f32 v18, v10  }
0x20c: {  	v11 =	vshrl.u32 v6, $0x1;
	v15 =	vshrl.u32 v5, $0x1;
	v16 =	vmul.f32 $5.000000000e-01, v5  }
0x20d: {  	v15 =	vsub.s32 $0x5F3759DF, v15;
	v10 =	vadd.f32 v21, v10;
	v21, _, _ =	vpop (xrf2);
	(xrf2) =	vadd.scan.msk.f32 $0xffff, v4;
	v4 =	vbroadcast v13, $0xF;
	v13 =	vld [tilespmem:$0x1FE00]  }
0x20e: {  	v11 =	vsub.s32 $0x5F3759DF, v11;
	v20 =	vmul.f32 v15, v16  }
0x20f: {  	v18 =	vmul.f32 v11, v14  }
0x210: {  	v17 =	vbroadcast v17, $0xF;
	v21 =	vbroadcast v21, $0xF  }
0x211: {  	v7 =	vbroadcast v7, $0xF;
	v18 =	vmul.f32 v11, v18  }
0x212: {  	v22 =	vmul.f32 v15, v20;
	v10 =	vadd.f32 v13, v10;
	v13 =	vsel vm0, v17, v21;
	v20, _, _ =	vpop (xrf2)  }
0x213: {  	v4 =	vsel vm1, v13, v4;
	v20 =	vbroadcast v20, $0xF  }
0x214: {  	v8 =	vbroadcast v8, $0xF;
	v18 =	vsub.f32 $1.500000000e+00, v18;
	v4 =	vsel vm2, v4, v7  }
0x215: {  	v9 =	vbroadcast v9, $0xF;
	v17 =	vsub.f32 $1.500000000e+00, v22;
	v4 =	vsel vm3, v4, v20  }
0x216: {  	v12 =	vbroadcast v12, $0xF;
	v11 =	vmul.f32 v11, v18;
	v13, _, _ =	vpop (xrf2);
	v4 =	vsel vm4, v4, v8  }
0x217: {  	v7 =	vmul.f32 v15, v17;
	v4 =	vsel vm5, v4, v9;
	v9 =	vbroadcast v13, $0xF  }
0x218: {  	(xrf2) =	vadd.scan.msk.f32 $0xffff, v10;
	v10 =	vmul.f32 v11, v14;
	v14 =	vbroadcast v40, $0xF;
	v4 =	vsel vm6, v4, v12  }
0x219: {  	v8 =	vmul.f32 v7, v16;
	v12 =	vld [tilespmem:$0x1FFE0];
	v4 =	vsel vm7, v4, v9;
	v9 =	vbroadcast v36, $0xF  }
0x21a: {  	v19 =	vld [tilespmem:$0x1FF80];
	v13, _, _ =	vpop (xrf2);
	v4 =	vsel vm8, v4, v14  }
0x21b: {  	v8 =	vmul.f32 v8, v7;
	v4 =	vsel vm9, v4, v9;
	v9 =	vbroadcast v13, $0xF;
	v13 =	vld [tilespmem:$0x1FFD0]  }
0x21c: {  	v10 =	vmul.f32 v10, v11  }
0x21d: {  	v8 =	vsub.f32 $1.500000000e+00, v8  }
0x21e: {  	v10 =	vsub.f32 $1.500000000e+00, v10;
	v12 =	vbroadcast v12, $0xF  }
0x21f: {  	v19 =	vbroadcast v19, $0xF;
	v7 =	vmul.f32 v8, v7  }
0x220: {  	v8 =	vmul.f32 v10, v11;
	v4 =	vsel vm10, v4, v12;
	v13 =	vbroadcast v13, $0xF  }
0x221: {  	vm15 =	vgt.f32 v5, $1.000000000e+00;
	vm0 =	vgt.f32 v6, $1.000000000e+00;
	v4 =	vsel vm11, v4, v9  }
0x222: {  	v5 =	vnsel vm15, $0x3F800000, v7;
	v7 =	vnsel vm0, $0x3F800000, v8;
	v4 =	vsel vm12, v4, v13  }
0x223: {  	v6, _, _ =	vpop (xrf2);
	v5 =	vmul.f32 v7, v5;
	v4 =	vsel vm13, v4, v19  }
0x224: {  	v4 =	vsel vm14, v4, v6  }
0x225: {  	v4 =	vmul.f32 v5, v4;
	v5 =	vld [tilespmem:$0x1FDF0];
	_ =	sdelay $0x4  }
0x226: {  	v4 =	vadd.f32 v4, v5;
	_ =	sdelay $0x1  }
0x227: {  	v4 =	vsub.f32 $0.0e+00, v4;
	_ =	sdelay $0x1  }
0x228: {  	v4 =	vmul.f32 $1.442695020e+00, v4;
	_ =	sdelay $0x1  }
0x229: {  	(erf) = vpow2.f32 v4;
	_ =	sdelay $0x8  }
0x22a: {  	v4 =	vpop (erf)  }
0x22b: {  	v4 =	vadd.f32 $1.000000000e+00, v4;
	_ =	sdelay $0x1  }
0x22c: {  	(erf) = vrcp.f32 v4;
	_ =	sdelay $0x8  }
0x22d: {  	s30 =	sadd.s32 $0x10, s30;
	v4 =	vpop (erf)  }
0x22e: {  	s31 =	sshra.s32 s0, $0x2;
	[tilespmem:s30+$0x0] =	vst v4  }
0x22f: {  	v4 =	vld [tilespmem:s31+$0x87F0]  }
0x230: {  	v5 =	vld [tilespmem:s31+$0x7F0]  }
0x231: {  	v9 =	vld [tilespmem:s31+$0x87E0]  }
0x232: {  	v6 =	vld [tilespmem:s31+$0x7E0]  }
0x233: {  	v11 =	vld [tilespmem:s31+$0x87B0]  }
0x234: {  	v12 =	vld [tilespmem:s31+$0x7B0]  }
0x235: {  	v13 =	vld [tilespmem:s31+$0x87C0]  }
0x236: {  	v14 =	vld [tilespmem:s31+$0x7C0]  }
0x237: {  	v15 =	vld [tilespmem:s31+$0x87D0]  }
0x238: {  	v16 =	vld [tilespmem:s31+$0x7D0]  }
0x239: {  	v19 =	vld [tilespmem:s31+$0x8790]  }
0x23a: {  	v17 =	vld [tilespmem:s31+$0x87A0]  }
0x23b: {  	v20 =	vld [tilespmem:s31+$0x790];
	v10 =	vmul.f32 v4, v5;
	v7 =	vmul.f32 v5, v5  }
0x23c: {  	v49 =	vld [tilespmem:s31+$0x740];
	v8 =	vmul.f32 v4, v4;
	v5 =	vmul.f32 v9, v6  }
0x23d: {  	v37 =	vld [tilespmem:s31+$0x700];
	v6 =	vmul.f32 v6, v6;
	v21 =	vmul.f32 v11, v12  }
0x23e: {  	v61 =	vld [tilespmem:s31+$0x86E0];
	v23 =	vmul.f32 v19, v19;
	v12 =	vmul.f32 v12, v12  }
0x23f: {  	v18 =	vld [tilespmem:s31+$0x8780];
	v11 =	vmul.f32 v11, v11;
	v26 =	vmul.f32 v17, v17  }
0x240: {  	v40 =	vld [tilespmem:s31+$0x6C0];
	v28 =	vmul.f32 v20, v20;
	v30 =	vmul.f32 v13, v14  }
0x241: {  	v4 =	vld [tilespmem:s31+$0x780];
	v50 =	vmul.f32 v15, v15;
	v51 =	vmul.f32 v49, v49  }
0x242: {  	v22 =	vld [tilespmem:s31+$0x7A0];
	v19 =	vmul.f32 v19, v20;
	v5 =	vmul.f32 v5, v3  }
0x243: {  	v24 =	vld [tilespmem:s31+$0x770];
	v58 =	vmul.f32 v37, v37;
	v47 =	vmul.f32 v61, v61  }
0x244: {  	v25 =	vld [tilespmem:s31+$0x8730];
	v10 =	vmul.f32 v10, v0;
	[tilespmem:$0x1FE10] =	vst v5;
	v5 =	vmul.f32 v18, v18  }
0x245: {  	v29 =	vld [tilespmem:s31+$0x8750];
	v48 =	vmul.f32 v40, v40;
	v20 =	vmul.f32 v19, v1  }
0x246: {  	v34 =	vld [tilespmem:s31+$0x8700];
	[tilespmem:$0x1FE00] =	vst v10;
	v10 =	vmul.f32 v9, v9;
	v27 =	vmul.f32 v4, v4;
	v23 =	vadd.f32 v23, v5  }
0x247: {  	v31 =	vld [tilespmem:s31+$0x8760];
	v4 =	vmul.f32 v18, v4;
	v5 =	vmul.f32 v21, v0  }
0x248: {  	v9 =	vld [tilespmem:s31+$0x8770];
	v27 =	vadd.f32 v28, v27;
	v28 =	vmul.f32 v22, v22;
	v23 =	vadd.f32 v26, v23  }
0x249: {  	v21 =	vld [tilespmem:s31+$0x8740];
	v26 =	vmul.f32 v13, v13;
	v13 =	vmul.f32 v14, v14  }
0x24a: {  	v14 =	vmul.f32 v30, v2;
	v30 =	vld [tilespmem:s31+$0x750];
	v11 =	vadd.f32 v11, v23;
	v23 =	vmul.f32 v15, v16  }
0x24b: {  	v18 =	vmul.f32 v34, v34;
	v22 =	vmul.f32 v17, v22;
	v17 =	vld [tilespmem:s31+$0x8710];
	v27 =	vadd.f32 v28, v27  }
0x24c: {  	v28 =	vmul.f32 v29, v29;
	v23 =	vmul.f32 v23, v1;
	(xrf2) =	vadd.scan.msk.f32 $0xffff, v11;
	v11 =	vld [tilespmem:s31+$0x760]  }
0x24d: {  	[tilespmem:$0x1FE20] =	vst v14;
	v14 =	vmul.f32 v16, v16;
	v15 =	vld [tilespmem:s31+$0x730];
	v16 =	vmul.f32 v9, v9;
	v12 =	vadd.f32 v12, v27  }
0x24e: {  	v63 =	vld [tilespmem:s31+$0x6B0];
	v9 =	vmul.f32 v9, v24;
	[tilespmem:$0x1FE30] =	vst v23;
	v23 =	vmul.f32 v21, v21  }
0x24f: {  	v27 =	vmul.f32 v24, v24;
	(xrf2) =	vadd.scan.msk.f32 $0xffff, v12;
	v52 =	vmul.f32 v30, v30  }
0x250: {  	v29 =	vmul.f32 v29, v30;
	v30 =	vld [tilespmem:s31+$0x8680];
	v23 =	vadd.f32 v28, v23;
	v28 =	vmul.f32 v31, v31  }
0x251: {  	v42 =	vld [tilespmem:s31+$0x680];
	v56 =	vmul.f32 v17, v17;
	v35 =	vadd.f32 v52, v51;
	v53 =	vmul.f32 v11, v11  }
0x252: {  	v23 =	vadd.f32 v28, v23;
	v28 =	vmul.f32 v9, v0;
	v9 =	vmul.f32 v25, v15  }
0x253: {  	v12 =	vmul.f32 v22, v3;
	v22 =	vld [tilespmem:s31+$0x8720];
	v52 =	vmul.f32 v63, v63;
	v54 =	vadd.f32 v53, v35  }
0x254: {  	v55 =	vld [tilespmem:s31+$0x6F0];
	v11 =	vmul.f32 v31, v11;
	v16 =	vadd.f32 v16, v23;
	v9 =	vmul.f32 v9, v0  }
0x255: {  	v25 =	vmul.f32 v25, v25;
	v23 =	vld [tilespmem:s31+$0x710];
	v27 =	vadd.f32 v27, v54;
	v54 =	vmul.f32 v30, v30  }
0x256: {  	v30 =	vmul.f32 v30, v42;
	[tilespmem:$0x1FE40] =	vst v9;
	v9 =	vmul.f32 v11, v3;
	(xrf2) =	vadd.scan.msk.f32 $0xffff, v16;
	v11 =	vld [tilespmem:s31+$0x720];
	v31, _, _ =	vpop (xrf2)  }
0x257: {  	v24 =	vld [tilespmem:s31+$0x86F0];
	v16 =	vmul.f32 v4, v2;
	v4 =	vbroadcast v31, $0xF  }
0x258: {  	v15 =	vmul.f32 v15, v15;
	v57 =	vmul.f32 v22, v22  }
0x259: {  	v35 =	vmul.f32 v55, v55;
	v60, _, _ =	vpop (xrf2);
	v30 =	vmul.f32 v30, v2;
	[tilespmem:$0x1FE50] =	vst v4;
	v4 =	vadd.f32 v56, v18;
	v18 =	vld [tilespmem:s31+$0x86D0]  }
0x25a: {  	v13 =	vadd.f32 v14, v13;
	(xrf2) =	vadd.scan.msk.f32 $0xffff, v27;
	v27 =	vld [tilespmem:s31+$0x86C0];
	v19 =	vbroadcast v60, $0xF;
	v59 =	vmul.f32 v23, v23  }
0x25b: {  	v41 =	vld [tilespmem:s31+$0x8690];
	v4 =	vadd.f32 v57, v4;
	v62 =	vmul.f32 v11, v11;
	v11 =	vmul.f32 v22, v11  }
0x25c: {  	v23 =	vmul.f32 v17, v23;
	[tilespmem:$0x1FE60] =	vst v19;
	v19 =	vmul.f32 v24, v55;
	v38 =	vadd.f32 v59, v58  }
0x25d: {  	v53 =	vld [tilespmem:s31+$0x670];
	v24 =	vmul.f32 v24, v24;
	v22 =	vadd.f32 v25, v4;
	v11 =	vmul.f32 v11, v3  }
0x25e: {  	v4 =	vmul.f32 v19, v0;
	v19 =	vadd.f32 v62, v38;
	v45 =	vmul.f32 v18, v18  }
0x25f: {  	v25 =	vld [tilespmem:s31+$0x6D0];
	[tilespmem:$0x1FE70] =	vst v11;
	v11 =	vmul.f32 v21, v49;
	(xrf2) =	vadd.scan.msk.f32 $0xffff, v22;
	v22 =	vmul.f32 v27, v27  }
0x260: {  	v14 =	vld [tilespmem:s31+$0x8640];
	v55 =	vmul.f32 v41, v41;
	v58 =	vmul.f32 v42, v42;
	v19 =	vadd.f32 v15, v19;
	v46, _, _ =	vpop (xrf2)  }
0x261: {  	v21 =	vld [tilespmem:s31+$0x6E0];
	v15 =	vmul.f32 v11, v2;
	v11 =	vbroadcast v46, $0xF;
	v22 =	vadd.f32 v45, v22  }
0x262: {  	v60 =	vadd.f32 v6, v13;
	v17 =	vld [tilespmem:s31+$0x8650];
	v13 =	vmul.f32 v23, v1;
	v62 =	vmul.f32 v53, v53  }
0x263: {  	v31 =	vld [tilespmem:s31+$0x86B0];
	v27 =	vmul.f32 v27, v40;
	[tilespmem:$0x1FE80] =	vst v11;
	v11 =	vadd.f32 v50, v26;
	v22 =	vadd.f32 v47, v22  }
0x264: {  	(xrf2) =	vadd.scan.msk.f32 $0xffff, v19;
	v19 =	vmul.f32 v29, v1;
	v49 =	vmul.f32 v25, v25;
	v50 =	vld [tilespmem:s31+$0x86A0]  }
0x265: {  	v45 =	vmul.f32 v14, v14;
	v11 =	vadd.f32 v10, v11;
	v10, _, _ =	vpop (xrf2);
	v22 =	vadd.f32 v24, v22;
	v24 =	vld [tilespmem:s31+$0x690]  }
0x266: {  	v33 =	vadd.f32 v49, v48;
	v51 =	vmul.f32 v21, v21;
	v10 =	vbroadcast v10, $0xF  }
0x267: {  	v7 =	vadd.f32 v7, v60;
	v46 =	vmul.f32 v17, v17;
	v27 =	vmul.f32 v27, v2;
	(xrf2) =	vadd.scan.msk.f32 $0xffff, v22;
	v22 =	vld [tilespmem:s31+$0x6A0]  }
0x268: {  	v18 =	vmul.f32 v18, v25;
	v33 =	vadd.f32 v51, v33;
	[tilespmem:$0x1FE90] =	vst v10;
	v10 =	vmul.f32 v31, v63  }
0x269: {  	v15 =	vadd.f32 v19, v15;
	v21 =	vmul.f32 v61, v21;
	v57 =	vmul.f32 v50, v50  }
0x26a: {  	v33 =	vadd.f32 v35, v33;
	v29 =	vmul.f32 v10, v0;
	v59 =	vmul.f32 v24, v24  }
0x26b: {  	v23 =	vld [tilespmem:s31+$0x8660];
	v10 =	vmul.f32 v21, v3;
	v21 =	vmul.f32 v34, v37;
	v34 =	vadd.f32 v55, v54  }
0x26c: {  	v40 =	vld [tilespmem:s31+$0x8610];
	v18 =	vmul.f32 v18, v1;
	v56, _, _ =	vpop (xrf2);
	(xrf2) =	vadd.scan.msk.f32 $0xffff, v33;
	v33 =	vadd.f32 v59, v58;
	v61 =	vmul.f32 v22, v22  }
0x26d: {  	v26 =	vld [tilespmem:s31+$0x8670];
	v8 =	vadd.f32 v8, v11;
	v31 =	vmul.f32 v31, v31;
	v34 =	vadd.f32 v57, v34  }
0x26e: {  	v35 =	vadd.f32 v46, v45;
	v46 =	vld [tilespmem:s31+$0x8590];
	v11 =	vmul.f32 v21, v2;
	v33 =	vadd.f32 v61, v33  }
0x26f: {  	v48 =	vld [tilespmem:s31+$0x85F0];
	v6, _, _ =	vpop (xrf2);
	(xrf2) =	vadd.scan.msk.f32 $0xffff, v8;
	v21 =	vbroadcast v56, $0xF;
	v8 =	vmul.f32 v50, v22;
	v22 =	vadd.f32 v31, v34  }
0x270: {  	v15 =	vadd.f32 v9, v15;
	v63 =	vld [tilespmem:s31+$0x630];
	v24 =	vmul.f32 v41, v24;
	v33 =	vadd.f32 v52, v33  }
0x271: {  	v6 =	vbroadcast v6, $0xF;
	v50 =	vmul.f32 v23, v23;
	[tilespmem:$0x1FEA0] =	vst v21;
	v21 =	vld [tilespmem:s31+$0x8630];
	(xrf2) =	vadd.scan.msk.f32 $0xffff, v22  }
0x272: {  	v49 =	vadd.f32 v20, v16;
	v37 =	vld [tilespmem:s31+$0x640];
	v56 =	vmul.f32 v40, v40;
	v24 =	vmul.f32 v24, v1;
	v47, _, _ =	vpop (xrf2);
	(xrf2) =	vadd.scan.msk.f32 $0xffff, v33  }
0x273: {  	v15 =	vadd.f32 v28, v15;
	v28 =	vmul.f32 v46, v46;
	[tilespmem:$0x1FEB0] =	vst v6;
	v6 =	vmul.f32 v26, v53;
	v31 =	vld [tilespmem:s31+$0x650]  }
0x274: {  	v16 =	vld [tilespmem:s31+$0x8600];
	v12 =	vadd.f32 v12, v49;
	v26 =	vmul.f32 v26, v26;
	v8 =	vmul.f32 v8, v3  }
0x275: {  	v35 =	vadd.f32 v50, v35;
	v34 =	vmul.f32 v63, v63;
	v61 =	vmul.f32 v48, v48;
	v22 =	vld [tilespmem:s31+$0x660]  }
0x276: {  	v55 =	vadd.f32 v5, v12;
	v5 =	vld [tilespmem:s31+$0x85C0];
	v36 =	vbroadcast v47, $0xF;
	v53 =	vmul.f32 v21, v21;
	v20, _, _ =	vpop (xrf2)  }
0x277: {  	v54 =	vmul.f32 v21, v63;
	v21 =	vadd.f32 v26, v35;
	v26 =	vld [tilespmem:s31+$0x610];
	v20 =	vbroadcast v20, $0xF  }
0x278: {  	v25 =	vmul.f32 v37, v37;
	v51 =	vmul.f32 v31, v31;
	[tilespmem:$0x1FEC0] =	vst v36;
	v36 =	vld [tilespmem:s31+$0x5F0]  }
0x279: {  	v18 =	vadd.f32 v18, v27;
	v14 =	vmul.f32 v14, v37;
	v6 =	vmul.f32 v6, v0;
	[tilespmem:$0x1FED0] =	vst v20;
	v20 =	vld [tilespmem:s31+$0x8620]  }
0x27a: {  	(xrf2) =	vadd.scan.msk.f32 $0xffff, v7;
	v25 =	vadd.f32 v51, v25;
	v52 =	vmul.f32 v22, v22;
	v22 =	vmul.f32 v23, v22;
	v23 =	vld [tilespmem:s31+$0x600];
	v7, _, _ =	vpop (xrf2)  }
0x27b: {  	v44 =	vld [tilespmem:s31+$0x5D0];
	v10 =	vadd.f32 v10, v18;
	v14 =	vmul.f32 v14, v2;
	(xrf2) =	vadd.scan.msk.f32 $0xffff, v21;
	v21 =	vmul.f32 v16, v16;
	v57, _, _ =	vpop (xrf2)  }
0x27c: {  	v47 =	vmul.f32 v5, v5;
	[tilespmem:$0x1FEF0] =	vst v7;
	v25 =	vadd.f32 v52, v25;
	v7 =	vmul.f32 v22, v3;
	v22 =	vld [tilespmem:s31+$0x620];
	v9, _, _ =	vpop (xrf2)  }
0x27d: {  	v12 =	vld [tilespmem:s31+$0x85D0];
	v17 =	vmul.f32 v17, v31;
	v21 =	vadd.f32 v56, v21;
	v9 =	vbroadcast v9, $0xF  }
0x27e: {  	v60 =	vmul.f32 v26, v26;
	v25 =	vadd.f32 v62, v25;
	v58 =	vmul.f32 v20, v20  }
0x27f: {  	v19 =	vld [tilespmem:s31+$0x85E0];
	v24 =	vadd.f32 v24, v30;
	v59 =	vmul.f32 v23, v23;
	[tilespmem:$0x1FF10] =	vst v9;
	v9 =	vmul.f32 v48, v36  }
0x280: {  	[tilespmem:$0x1FEE0] =	vst v54;
	v54 =	vmul.f32 v44, v44;
	(xrf2) =	vadd.scan.msk.f32 $0xffff, v25;
	v25 =	vld [tilespmem:s31+$0x5C0];
	v21 =	vadd.f32 v58, v21  }
0x281: {  	v63 =	vld [tilespmem:s31+$0x5E0];
	v35 =	vadd.f32 v60, v59;
	v62 =	vmul.f32 v22, v22;
	v9 =	vmul.f32 v9, v0  }
0x282: {  	v51 =	vld [tilespmem:s31+$0x8570];
	v17 =	vmul.f32 v17, v1;
	v48 =	vmul.f32 v12, v12;
	v21 =	vadd.f32 v53, v21  }
0x283: {  	v56 =	vld [tilespmem:s31+$0x85A0];
	v32 =	vbroadcast v57, $0xF;
	(xrf2) =	vadd.scan.msk.f32 $0xffff, v55;
	[tilespmem:$0x1FF30] =	vst v9;
	v9 =	vadd.f32 v62, v35  }
0x284: {  	v50 =	vld [tilespmem:s31+$0x5B0];
	v16 =	vmul.f32 v16, v23;
	v49, _, _ =	vpop (xrf2);
	v53 =	vmul.f32 v19, v19;
	v52 =	vadd.f32 v48, v47;
	(xrf2) =	vadd.scan.msk.f32 $0xffff, v21  }
0x285: {  	v20 =	vmul.f32 v20, v22;
	[tilespmem:$0x1FF00] =	vst v32;
	v32 =	vld [tilespmem:s31+$0x85B0];
	v22 =	vmul.f32 v25, v25;
	v9 =	vadd.f32 v34, v9  }
0x286: {  	v23 =	vmul.f32 v40, v26;
	v16 =	vmul.f32 v16, v2;
	v39 =	vadd.f32 v53, v52  }
0x287: {  	v30 =	vmul.f32 v51, v51;
	v57 =	vmul.f32 v63, v63;
	v55, _, _ =	vpop (xrf2);
	v21 =	vld [tilespmem:s31+$0x570];
	v22 =	vadd.f32 v54, v22;
	(xrf2) =	vadd.scan.msk.f32 $0xffff, v9  }
0x288: {  	v20 =	vmul.f32 v20, v3;
	[tilespmem:$0x1FF90] =	vst v16;
	v16 =	vmul.f32 v56, v56;
	v31 =	vadd.f32 v61, v39;
	v9 =	vld [tilespmem:s31+$0x8580]  }
0x289: {  	v27 =	vld [tilespmem:s31+$0x580];
	v36 =	vmul.f32 v36, v36;
	v19 =	vmul.f32 v19, v63;
	v22 =	vadd.f32 v57, v22  }
0x28a: {  	v13 =	vadd.f32 v13, v11;
	v58 =	vbroadcast v55, $0xF;
	v63 =	vld [tilespmem:s31+$0x590];
	v59, _, _ =	vpop (xrf2);
	v61 =	vmul.f32 v32, v50;
	(xrf2) =	vadd.scan.msk.f32 $0xffff, v31  }
0x28b: {  	v18 =	vld [tilespmem:s31+$0x8560];
	v42 =	vmul.f32 v19, v3;
	v32 =	vmul.f32 v32, v32;
	v22 =	vadd.f32 v36, v22  }
0x28c: {  	[tilespmem:$0x1FF40] =	vst v20;
	v20 =	vld [tilespmem:s31+$0x5A0];
	v34 =	vbroadcast v59, $0xF;
	v39 =	vmul.f32 v61, v0  }
0x28d: {  	[tilespmem:$0x1FF70] =	vst v13;
	v13 =	vld [tilespmem:s31+$0x560];
	v62, _, _ =	vpop (xrf2);
	v36 =	vmul.f32 v21, v21;
	(xrf2) =	vadd.scan.msk.f32 $0xffff, v22;
	v22 =	vmul.f32 v9, v9  }
0x28e: {  	v4 =	vadd.f32 v4, v10;
	v60 =	vld [tilespmem:s31+$0x8530];
	v11, _, _ =	vpop (xrf2);
	(xrf2) =	vadd.scan.msk.f32 $0xffff, v15;
	v15 =	vmul.f32 v27, v27;
	v9 =	vmul.f32 v9, v27  }
0x28f: {  	v55 =	vld [tilespmem:s31+$0x84D0];
	v10 =	vadd.f32 v28, v22;
	v22 =	vmul.f32 v23, v1;
	v23 =	vmul.f32 v63, v63  }
0x290: {  	v19 =	vld [tilespmem:s31+$0x530];
	v31 =	vmul.f32 v50, v50;
	v11 =	vbroadcast v11, $0xF  }
0x291: {  	v28 =	vld [tilespmem:s31+$0x8520];
	v54 =	vmul.f32 v9, v2;
	v15 =	vadd.f32 v23, v15;
	v23 =	vmul.f32 v20, v20;
	v26, _, _ =	vpop (xrf2)  }
0x292: {  	v35 =	vld [tilespmem:s31+$0x8540];
	v10 =	vadd.f32 v16, v10;
	(xrf2) =	vadd.scan.msk.f32 $0xffff, v4;
	v4 =	vmul.f32 v56, v20;
	v16 =	vbroadcast v26, $0xF  }
0x293: {  	v53 =	vld [tilespmem:s31+$0x8510];
	v26 =	vmul.f32 v51, v21;
	v21 =	vmul.f32 v5, v25  }
0x294: {  	v52 =	vld [tilespmem:s31+$0x84C0];
	v10 =	vadd.f32 v32, v10;
	v20, _, _ =	vpop (xrf2);
	v45 =	vmul.f32 v4, v3;
	v4 =	vmul.f32 v12, v44  }
0x295: {  	v32 =	vld [tilespmem:s31+$0x8550];
	v15 =	vadd.f32 v23, v15;
	v37 =	vbroadcast v20, $0xF;
	v20 =	vmul.f32 v60, v19  }
0x296: {  	[tilespmem:$0x1FF80] =	vst v62;
	v23 =	vld [tilespmem:s31+$0x540];
	v12 =	vadd.f32 v17, v14;
	v19 =	vmul.f32 v19, v19;
	v9 =	vmul.f32 v28, v28  }
0x297: {  	v62 =	vld [tilespmem:s31+$0x4D0];
	v5, _, _ =	vpop (xrf2);
	v43 =	vmul.f32 v26, v0;
	(xrf2) =	vadd.scan.msk.f32 $0xffff, v10;
	v10 =	vadd.f32 v31, v15;
	v25 =	vmul.f32 v21, v2  }
0x298: {  	v17 =	vld [tilespmem:s31+$0x550];
	v38 =	vbroadcast v5, $0xF;
	v5 =	vadd.f32 v8, v24;
	v8 =	vmul.f32 v60, v60  }
0x299: {  	v14 =	vld [tilespmem:s31+$0x4B0];
	v4 =	vmul.f32 v4, v1;
	v7 =	vadd.f32 v7, v12;
	v41 =	vmul.f32 v20, v0  }
0x29a: {  	v59 =	vld [tilespmem:s31+$0x510];
	(xrf2) =	vadd.scan.msk.f32 $0xffff, v10;
	v10 =	vmul.f32 v35, v35;
	v12 =	vmul.f32 v32, v32  }
0x29b: {  	[tilespmem:$0x1FF20] =	vst v49;
	v56 =	vld [tilespmem:s31+$0x8500];
	v5 =	vadd.f32 v29, v5;
	v6 =	vadd.f32 v6, v7;
	v26 =	vmul.f32 v23, v23  }
0x29c: {  	[tilespmem:$0x1FFA0] =	vst v11;
	v15 =	vld [tilespmem:s31+$0x84B0];
	v7 =	vadd.f32 v12, v10;
	v10 =	vmul.f32 v18, v18;
	v12 =	vmul.f32 v18, v13  }
0x29d: {  	v11 =	vld [tilespmem:s31+$0x84F0];
	[tilespmem:$0x1FFB0] =	vst v22;
	v21, _, _ =	vpop (xrf2);
	v49 =	vadd.f32 v4, v25;
	v25 =	vmul.f32 v62, v62;
	v20 =	vmul.f32 v17, v17  }
0x29e: {  	(xrf2) =	vadd.scan.msk.f32 $0xffff, v5;
	v5 =	vld [tilespmem:s31+$0x500];
	v33 =	vmul.f32 v14, v14;
	v4, _, _ =	vpop (xrf2);
	v7 =	vadd.f32 v10, v7;
	v48 =	vmul.f32 v12, v3  }
0x29f: {  	v22 =	vld [tilespmem:s31+$0x4F0];
	v10 =	vadd.f32 v20, v26;
	v12 =	vmul.f32 v46, v63;
	[tilespmem:$0x1FFE0] =	vst v4;
	v4 =	vmul.f32 v13, v13  }
0x2a0: {  	[tilespmem:$0x1FFC0] =	vst v16;
	v16 =	vld [tilespmem:s31+$0x520];
	(xrf2) =	vadd.scan.msk.f32 $0xffff, v6;
	v6 =	vmul.f32 v56, v56;
	v13 =	vmul.f32 v53, v53  }
0x2a1: {  	[tilespmem:$0x1FF50] =	vst v58;
	v61 =	vld [tilespmem:s31+$0x8480];
	v29 =	vmul.f32 v15, v14;
	v7 =	vadd.f32 v30, v7;
	v20 =	vadd.f32 v4, v10  }
0x2a2: {  	v60 =	vld [tilespmem:s31+$0x4C0];
	[tilespmem:$0x1FFD0] =	vst v21;
	v58 =	vmul.f32 v12, v1;
	v12 =	vmul.f32 v59, v59;
	v18, _, _ =	vpop (xrf2);
	v6 =	vadd.f32 v13, v6  }
0x2a3: {  	v21 =	vld [tilespmem:s31+$0x84E0];
	v44 =	vbroadcast v18, $0xF;
	(xrf2) =	vadd.scan.msk.f32 $0xffff, v7;
	v7 =	vmul.f32 v5, v5;
	v13 =	vadd.f32 v36, v20  }
0x2a4: {  	v63 =	vld [tilespmem:s31+$0x8490];
	v20 =	vmul.f32 v11, v11;
	v6 =	vadd.f32 v9, v6;
	v9 =	vmul.f32 v11, v22  }
0x2a5: {  	v24 =	vld [tilespmem:s31+$0x4E0];
	v11 =	vmul.f32 v16, v16;
	v22 =	vmul.f32 v22, v22;
	v7 =	vadd.f32 v12, v7  }
0x2a6: {  	v4 =	vld [tilespmem:s31+$0x8430];
	v10, _, _ =	vpop (xrf2);
	v12 =	vmul.f32 v52, v52;
	(xrf2) =	vadd.scan.msk.f32 $0xffff, v13;
	v13 =	vmul.f32 v55, v55  }
0x2a7: {  	v18 =	vld [tilespmem:s31+$0x4A0];
	v6 =	vadd.f32 v8, v6;
	v51 =	vmul.f32 v9, v0;
	v7 =	vadd.f32 v11, v7  }
0x2a8: {  	v9 =	vld [tilespmem:s31+$0x490];
	v8 =	vadd.f32 v13, v12;
	v12 =	vmul.f32 v21, v21;
	v13 =	vmul.f32 v28, v16  }
0x2a9: {  	v26 =	vmul.f32 v63, v63;
	v11 =	vld [tilespmem:s31+$0x84A0];
	v16 =	vmul.f32 v60, v60;
	v7 =	vadd.f32 v19, v7  }
0x2aa: {  	v46 =	vbroadcast v10, $0xF;
	v36, _, _ =	vpop (xrf2);
	(xrf2) =	vadd.scan.msk.f32 $0xffff, v6;
	v6 =	vld [tilespmem:s31+$0x480];
	v8 =	vadd.f32 v12, v8;
	v47 =	vmul.f32 v13, v3  }
0x2ab: {  	v10 =	vld [tilespmem:s31+$0x430];
	v40, _, _ =	vpop (xrf2);
	v12 =	vmul.f32 v35, v23;
	v13 =	vadd.f32 v25, v16;
	v16 =	vmul.f32 v24, v24;
	(xrf2) =	vadd.scan.msk.f32 $0xffff, v7  }
0x2ac: {  	v23 =	vmul.f32 v32, v17;
	v25 =	vmul.f32 v61, v61;
	v7 =	vld [tilespmem:s31+$0x8400]  }
0x2ad: {  	v27 =	vadd.f32 v20, v8;
	v8 =	vld [tilespmem:s31+$0x8410];
	v13 =	vadd.f32 v16, v13;
	v17 =	vmul.f32 v12, v2  }
0x2ae: {  	v16 =	vadd.f32 v26, v25;
	v25 =	vmul.f32 v11, v11;
	v12 =	vld [tilespmem:s31+$0x400];
	v26 =	vmul.f32 v9, v9;
	v19, _, _ =	vpop (xrf2)  }
0x2af: {  	v32 =	vmul.f32 v6, v6;
	v50 =	vbroadcast v19, $0xF;
	v19 =	vld [tilespmem:s31+$0x8420]  }
0x2b0: {  	p0 =	sne.s32 s0, $0x1F000;
	(xrf2) =	vadd.scan.msk.f32 $0xffff, v27;
	v27 =	vadd.f32 v22, v13;
	v13 =	vld [tilespmem:s31+$0x410];
	v16 =	vadd.f32 v25, v16;
	v25 =	vmul.f32 v15, v15  }
.Ltmp0:
0x2b1: {  	v14 =	vmul.f32 v29, v0;
	v28 =	vmul.f32 v18, v18;
	v15 =	vld [tilespmem:s31+$0x8440];
	v26 =	vadd.f32 v26, v32;
	(pc) =	sbr.rel @p0 .LBB2_2-.Ltmp0, $4  }
0x2b2: {  	v22, _, _ =	vpop (xrf2);
	(xrf2) =	vadd.scan.msk.f32 $0xffff, v27;
	v27 =	vmul.f32 v7, v7;
	v31 =	vadd.f32 v25, v16;
	v16 =	vld [tilespmem:s31+$0x8450];
	v30 =	vmul.f32 v8, v8  }
0x2b3: {  	v20 =	vmul.f32 v23, v1;
	v25 =	vld [tilespmem:s31+$0x8460];
	v57 =	vbroadcast v22, $0xF;
	v32 =	vadd.f32 v28, v26  }
0x2b4: {  	[tilespmem:$0x1FF60] =	vst v34;
	v22 =	vld [tilespmem:s31+$0x420];
	v26 =	vmul.f32 v21, v24;
	v23, _, _ =	vpop (xrf2);
	v28 =	vadd.f32 v30, v27;
	v29 =	vmul.f32 v19, v19  }
0x2b5: {  	s0 =	sadd.s32 $0x1000, s0;
	v21 =	vld [tilespmem:s31+$0x440];
	(xrf2) =	vadd.scan.msk.f32 $0xffff, v31;
	v30 =	vmul.f32 v12, v12;
	v31 =	vmul.f32 v13, v13;
	v27 =	vadd.f32 v33, v32;
	v24, _, _ =	vpop (xrf2)  }
0x2b6: {  	v32 =	vld [tilespmem:s31+$0x450];
	_ =	sdelay $0x1  }
0x2b7: {  	v33 =	vld [tilespmem:s31+$0x460]  }
0x2b8: {  	v5 =	vmul.f32 v56, v5;
	v30 =	vadd.f32 v31, v30;
	v31 =	vmul.f32 v22, v22  }
0x2b9: {  	v28 =	vadd.f32 v29, v28;
	v29 =	vmul.f32 v4, v4  }
0x2ba: {  	[tilespmem:$0x1FCD0] =	vst v5;
	v30 =	vadd.f32 v31, v30;
	v31 =	vmul.f32 v21, v21;
	v5 =	vmul.f32 v32, v32  }
0x2bb: {  	v53 =	vmul.f32 v53, v59;
	v56 =	vadd.f32 v29, v28  }
0x2bc: {  	v34 =	vld [tilespmem:s31+$0x8470];
	v4 =	vmul.f32 v4, v10;
	v5 =	vadd.f32 v5, v31;
	v31 =	vmul.f32 v33, v33  }
0x2bd: {  	v35 =	vmul.f32 v16, v16;
	v29 =	vmul.f32 v15, v15;
	[tilespmem:$0x1FCC0] =	vst v56;
	v56 =	vld [tilespmem:s31+$0x470]  }
0x2be: {  	v11 =	vmul.f32 v11, v18;
	v60 =	vmul.f32 v52, v60;
	v5 =	vadd.f32 v31, v5;
	v31 =	vld [tilespmem:$0x1FCC0]  }
0x2bf: {  	v62 =	vmul.f32 v55, v62;
	v28 =	vmul.f32 v25, v25;
	v29 =	vadd.f32 v35, v29  }
0x2c0: {  	v6 =	vmul.f32 v61, v6;
	v35 =	vmul.f32 v10, v10  }
0x2c1: {  	v7 =	vmul.f32 v7, v12;
	v59 =	vmul.f32 v34, v34;
	v28 =	vadd.f32 v28, v29  }
0x2c2: {  	v8 =	vmul.f32 v8, v13;
	(xrf2) =	vadd.scan.msk.f32 $0xffff, v27;
	v30 =	vadd.f32 v35, v30;
	v10 =	vmul.f32 v56, v56  }
0x2c3: {  	v9 =	vmul.f32 v63, v9;
	v7 =	vmul.f32 v7, v2;
	v35 =	vadd.f32 v59, v28;
	(xrf2) =	vadd.scan.msk.f32 $0xffff, v31  }
0x2c4: {  	v8 =	vmul.f32 v8, v1;
	v19 =	vmul.f32 v19, v22;
	v5 =	vadd.f32 v10, v5;
	(xrf2) =	vadd.scan.msk.f32 $0xffff, v30  }
0x2c5: {  	v17 =	vadd.f32 v20, v17;
	v20 =	vld [tilespmem:$0x1FFF0];
	v6 =	vmul.f32 v6, v2;
	v52 =	vmul.f32 v15, v21;
	(xrf2) =	vadd.scan.msk.f32 $0xffff, v35  }
0x2c6: {  	v7 =	vadd.f32 v8, v7;
	v19 =	vmul.f32 v19, v3;
	v21 =	vmul.f32 v53, v1;
	v53 =	vld [tilespmem:$0x1FF00];
	(xrf2) =	vadd.scan.msk.f32 $0xffff, v5  }
0x2c7: {  	v9 =	vmul.f32 v9, v1;
	v28 =	vmul.f32 v34, v56;
	v56 =	vld [tilespmem:$0x1FCD0]  }
0x2c8: {  	v18 =	vmul.f32 v62, v1;
	v7 =	vadd.f32 v19, v7;
	v19 =	vld [tilespmem:$0x1FE90];
	v10 =	vmul.f32 v60, v2  }
0x2c9: {  	v11 =	vmul.f32 v11, v3;
	v6 =	vadd.f32 v9, v6;
	v33 =	vmul.f32 v25, v33;
	v25 =	vld [tilespmem:$0x1FF70];
	v35, _, _ =	vpop (xrf2)  }
0x2ca: {  	v59 =	vadd.f32 v42, v49;
	v34 =	vmul.f32 v26, v3;
	v10 =	vadd.f32 v18, v10;
	v30 =	vld [tilespmem:$0x1FF30];
	v42, _, _ =	vpop (xrf2)  }
0x2cb: {  	v17 =	vadd.f32 v48, v17;
	v18 =	vld [tilespmem:$0x1FE80];
	v48, _, _ =	vpop (xrf2)  }
0x2cc: {  	v6 =	vadd.f32 v11, v6;
	v11 =	vmul.f32 v56, v2;
	v56 =	vld [tilespmem:$0x1FEC0];
	v10 =	vadd.f32 v34, v10;
	v49, _, _ =	vpop (xrf2)  }
0x2cd: {  	vm0 =	vnez.u8 v20;
	v3 =	vmul.f32 v33, v3;
	v34 =	vbroadcast v24, $0xF;
	v24 =	vld [tilespmem:$0x1FE70];
	v55, _, _ =	vpop (xrf2)  }
0x2ce: {  	v31 =	vadd.f32 v58, v54;
	v54 =	vmul.f32 v16, v32;
	v10 =	vadd.f32 v51, v10;
	v51 =	vld [tilespmem:$0x1FFB0];
	v58, _, _ =	vpop (xrf2)  }
0x2cf: {  	v29 =	vbroadcast v48, $0xF;
	v48 =	vld [tilespmem:$0x1FFC0];
	v27 =	vadd.f32 v30, v59;
	v59 =	vmul.f32 v52, v2;
	v60, _, _ =	vpop (xrf2)  }
0x2d0: {  	v22 =	vadd.f32 v45, v31;
	v30 =	vmul.f32 v54, v1;
	v9 =	vbroadcast v49, $0xF;
	v49 =	vld [tilespmem:$0x1FF50];
	v62, _, _ =	vpop (xrf2)  }
0x2d1: {  	v45 =	vadd.f32 v43, v17;
	v52 =	vld [tilespmem:$0x1FF60];
	v63 =	vbroadcast v58, $0xF;
	v15 =	vbroadcast v62, $0xF  }
0x2d2: {  	v22 =	vadd.f32 v39, v22;
	v33 =	vbroadcast v42, $0xF;
	v1 =	vadd.f32 v30, v59;
	v59 =	vld [tilespmem:$0x1FED0]  }
0x2d3: {  	(xrf2) =	vadd.scan.msk.f32 $0xffff, v27;
	v27 =	vld [tilespmem:$0x1FF20];
	v61 =	vbroadcast v55, $0xF;
	v12 =	vbroadcast v60, $0xF;
	v8 =	vsel vm0, v63, v15  }
0x2d4: {  	v4 =	vmul.f32 v4, v0;
	v31 =	vbroadcast v35, $0xF;
	(xrf2) =	vadd.scan.msk.f32 $0xffff, v22;
	v22 =	vld [tilespmem:$0x1FE60];
	v8 =	vsel vm1, v8, v9  }
0x2d5: {  	(xrf2) =	vadd.scan.msk.f32 $0xffff, v45;
	v45 =	vadd.f32 v21, v11;
	v21 =	vld [tilespmem:$0x1FE50];
	v12 =	vsel vm0, v61, v12;
	v35 =	vsel vm2, v8, v33  }
0x2d6: {  	v32 =	vbroadcast v23, $0xF;
	(xrf2) =	vadd.scan.msk.f32 $0xffff, v10;
	v55 =	vld [tilespmem:$0x1FF10];
	v12 =	vsel vm1, v12, v29;
	v2 =	vsel vm3, v35, v34  }
0x2d7: {  	v43 =	vmul.f32 v28, v0;
	v62 =	vld [tilespmem:$0x1FEB0];
	v12 =	vsel vm2, v12, v31;
	v2 =	vsel vm4, v2, v57  }
0x2d8: {  	v1 =	vadd.f32 v3, v1;
	v39 =	vsel vm3, v12, v32;
	v2 =	vsel vm5, v2, v46;
	v46 =	vld [tilespmem:$0x1FFA0]  }
0x2d9: {  	v6 =	vadd.f32 v14, v6;
	v42 =	vsel vm4, v39, v50;
	v50 =	vld [tilespmem:$0x1FF90]  }
0x2da: {  	v4 =	vadd.f32 v4, v7;
	v1 =	vadd.f32 v43, v1;
	v57 =	vld [tilespmem:$0x1FEE0]  }
0x2db: {  	(xrf2) =	vadd.scan.msk.f32 $0xffff, v6;
	v47 =	vadd.f32 v47, v45;
	v61 =	vld [tilespmem:$0x1FF40];
	v44 =	vsel vm5, v42, v44;
	v2 =	vsel vm6, v2, v38  }
0x2dc: {  	v6 =	vadd.f32 v24, v25;
	(xrf2) =	vadd.scan.msk.f32 $0xffff, v4;
	v60 =	vld [tilespmem:$0x1FEA0];
	v5 =	vsel vm6, v44, v37;
	v2 =	vsel vm7, v2, v48  }
0x2dd: {  	(xrf2) =	vadd.scan.msk.f32 $0xffff, v1;
	v54 =	vadd.f32 v41, v47;
	v63, _, _ =	vpop (xrf2);
	v34 =	vld [tilespmem:$0x1FE20];
	v2 =	vsel vm8, v2, v52;
	v3 =	vsel vm7, v5, v46  }
0x2de: {  	v20, _, _ =	vpop (xrf2);
	v35 =	vld [tilespmem:$0x1FE30];
	v2 =	vsel vm9, v2, v55;
	v5 =	vadd.f32 v51, v50;
	v3 =	vsel vm8, v3, v49  }
0x2df: {  	v26 =	vld [tilespmem:$0x1FEF0];
	v23, _, _ =	vpop (xrf2);
	v58 =	vmul.f32 v57, v0;
	v2 =	vsel vm10, v2, v59;
	v1 =	vsel vm9, v3, v53  }
0x2e0: {  	(xrf2) =	vadd.scan.msk.f32 $0xffff, v54;
	v28, _, _ =	vpop (xrf2);
	v2 =	vsel vm11, v2, v62;
	v4 =	vadd.f32 v61, v5;
	v1 =	vsel vm10, v1, v56  }
0x2e1: {  	v38 =	vld [tilespmem:$0x1FE40];
	v7 =	vbroadcast v28, $0xF;
	v2 =	vsel vm12, v2, v19;
	v1 =	vsel vm11, v1, v60  }
0x2e2: {  	v2 =	vsel vm13, v2, v22;
	v0 =	vadd.f32 v58, v4;
	v1 =	vsel vm12, v1, v18  }
0x2e3: {  	v42 =	vld [tilespmem:$0x1FE10];
	v12 =	vadd.f32 v35, v34;
	v2 =	vsel vm14, v2, v27;
	v1 =	vsel vm13, v1, v21  }
0x2e4: {  	v30 =	vshrl.u32 v2, $0x1;
	v31 =	vmul.f32 $5.000000000e-01, v2;
	(xrf2) =	vadd.scan.msk.f32 $0xffff, v0;
	v1 =	vsel vm14, v1, v26  }
0x2e5: {  	v45 =	vld [tilespmem:$0x1FE00];
	v32, _, _ =	vpop (xrf2);
	v9 =	vsub.s32 $0x5F3759DF, v30;
	v29 =	vshrl.u32 v1, $0x1;
	v33 =	vmul.f32 $5.000000000e-01, v1  }
0x2e6: {  	v37, _, _ =	vpop (xrf2);
	v6 =	vadd.f32 v38, v6;
	v39 =	vmul.f32 v9, v31;
	v8 =	vsub.s32 $0x5F3759DF, v29  }
0x2e7: {  	v13 =	vbroadcast v37, $0xF;
	v43, _, _ =	vpop (xrf2);
	v41 =	vmul.f32 v8, v33  }
0x2e8: {  	v44 =	vbroadcast v43, $0xF;
	v12 =	vadd.f32 v42, v12;
	(xrf2) =	vadd.scan.msk.f32 $0xffff, v6;
	v14 =	vmul.f32 v9, v39  }
0x2e9: {  	v0 =	vbroadcast v32, $0xF;
	v15 =	vmul.f32 v8, v41  }
0x2ea: {  	v47, _, _ =	vpop (xrf2);
	v12 =	vadd.f32 v45, v12;
	v6 =	vsel vm0, v13, v44;
	v46 =	vsub.f32 $1.500000000e+00, v14  }
0x2eb: {  	v0 =	vsel vm1, v6, v0;
	v14 =	vbroadcast v47, $0xF;
	v48 =	vsub.f32 $1.500000000e+00, v15  }
0x2ec: {  	v4 =	vbroadcast v23, $0xF;
	v0 =	vsel vm2, v0, v7;
	v49 =	vmul.f32 v9, v46  }
0x2ed: {  	v55 =	vld [tilespmem:$0x1FFE0];
	v5 =	vbroadcast v20, $0xF;
	v0 =	vsel vm3, v0, v14;
	v6 =	vmul.f32 v8, v48  }
0x2ee: {  	v3 =	vbroadcast v63, $0xF;
	(xrf2) =	vadd.scan.msk.f32 $0xffff, v12;
	v0 =	vsel vm4, v0, v4;
	v50 =	vmul.f32 v49, v31;
	v51, _, _ =	vpop (xrf2)  }
0x2ef: {  	v0 =	vsel vm5, v0, v5;
	v8 =	vbroadcast v51, $0xF;
	v52 =	vmul.f32 v6, v33  }
0x2f0: {  	v53 =	vbroadcast v40, $0xF;
	v58 =	vld [tilespmem:$0x1FFD0];
	v0 =	vsel vm6, v0, v3;
	v4 =	vmul.f32 v50, v49  }
0x2f1: {  	v54 =	vbroadcast v36, $0xF;
	v59 =	vld [tilespmem:$0x1FF80];
	v0 =	vsel vm7, v0, v8;
	v5 =	vmul.f32 v52, v6  }
0x2f2: {  	v9 =	vbroadcast v55, $0xF;
	v57, _, _ =	vpop (xrf2);
	v56 =	vsub.f32 $1.500000000e+00, v4;
	v0 =	vsel vm8, v0, v53  }
0x2f3: {  	v4 =	vbroadcast v57, $0xF;
	v0 =	vsel vm9, v0, v54;
	v5 =	vsub.f32 $1.500000000e+00, v5  }
0x2f4: {  	v3 =	vmul.f32 v56, v49;
	v0 =	vsel vm10, v0, v9  }
0x2f5: {  	v0 =	vsel vm11, v0, v4;
	v4 =	vbroadcast v58, $0xF;
	v5 =	vmul.f32 v5, v6  }
0x2f6: {  	vm0 =	vgt.f32 v2, $1.000000000e+00;
	vm15 =	vgt.f32 v1, $1.000000000e+00;
	v1 =	vbroadcast v59, $0xF  }
0x2f7: {  	v63 =	vld [tilespmem:$0x1FDF0];
	v2 =	vnsel vm0, $0x3F800000, v3;
	v0 =	vsel vm12, v0, v4;
	v60 =	vnsel vm15, $0x3F800000, v5  }
0x2f8: {  	v62, _, _ =	vpop (xrf2);
	v0 =	vsel vm13, v0, v1;
	v61 =	vmul.f32 v60, v2  }
0x2f9: {  	v0 =	vsel vm14, v0, v62  }
0x2fa: {  	v0 =	vmul.f32 v61, v0;
	_ =	sdelay $0x1  }
0x2fb: {  	v0 =	vadd.f32 v0, v63;
	_ =	sdelay $0x1  }
0x2fc: {  	v0 =	vsub.f32 $0.0e+00, v0;
	_ =	sdelay $0x1  }
0x2fd: {  	v0 =	vmul.f32 $1.442695020e+00, v0;
	_ =	sdelay $0x1  }
0x2fe: {  	(erf) = vpow2.f32 v0;
	_ =	sdelay $0x8  }
0x2ff: {  	v0 =	vpop (erf)  }
0x300: {  	v0 =	vadd.f32 $1.000000000e+00, v0;
	_ =	sdelay $0x1  }
0x301: {  	(erf) = vrcp.f32 v0;
	_ =	sdelay $0x7  }
0x302: {  	s29 =	sadd.s32 $0x1, s29  }
0x303: {  	s0 =	sadd.s32 $0x10, s30;
	p0 =	sne.s32 s29, s16;
	v0 =	vpop (erf)  }
.Ltmp1:
0x304: {  	[tilespmem:s0+$0x0] =	vst v0;
	(pc) =	sbr.rel @p0 .LBB2_1-.Ltmp1, $4  }
0x305: {  	[hbm4b:s15+s2] =	stream.linear.scatter [tilespmem:s28], [sflag:$0x2], $0x200, $0x38;
	[tilespmem:$0x10650] =	vst v63  }
0x306: {  	_ =	swait.ge [sflag:s17], $0x200  }
0x307: {  	[sflag:s17] =	ssyncset.done $0x0  }
0x308: {  	[sflag:s17] =	ssyncadd.s32 $0xFFFFFE00  }
0x309: {  	_ =	sfence.sel $0x180000  }
0x30a: {  	[bflag:$0x0] =	sbarrier.arrive $0xFFFF  }
0x30b: {  	_ =	strace $0x90000047  }
0x30c: {  	s0 =	stileid.u32;
	[bflag:$0x2] =	sbarrier.arrive $0xFFFF  }
0x30d: {  	p0 =	sne.s32 s0, $0x0;
	s0 =	rddreg [dreg:$0x5]  }
0x30e: {  	s0 =	sadd.s32 @!p0 $0x100000, s0  }
0x30f: {  	[sflag:s0] =	ssyncadd.tile.s32 @!p0 $0x1;
	_ =	shalt  }
.Lfunc_end2:
_tile_overlayer_lowered:
.L_overlay_start_2:
0x310: {  	(tag) =	ssettag $0x2  }
0x311: {  	s0 =	rddreg [dreg:$0x0];
	s2 =	stileid.u32  }
0x312: {  	s1 =	rddreg [dreg:$0x1];
	p0 =	sne.s32 s2, $0x0  }
0x313: {  	s3 =	rddreg [dreg:$0x2];
	[bflag:$0x3] =	sbarrier.arrive $0xFFFF;
	s2 =	simm.s32 @!p0 $0x1C02  }
0x314: {  	[timem:s3], [sflag:s2] =	dma.local @!p0 [hbm:s0], s1  }
0x315: {  	s0 =	simm.s32 @!p0 $0x2  }
0x316: {  	_ =	swait.ge @!p0 [sflag:s0], s1  }
0x317: {  	s1 =	ssub.s32 @!p0 $0x0, s1;
	[sflag:s0] =	ssyncset.done @!p0 $0x0  }
0x318: {  	[sflag:s0] =	ssyncadd.s32 @!p0 s1  }
0x319: {  	[bflag:$0x3] =	sbarrier.arrive $0xFFFF  }
0x31a: {  	_ =	shalt  }

</sc_bundles>
